<compile_context>
chip_gen: v7x
topology: tpu7x:2x2x1
jax: 0.10.2.dev20260603
libtpu: 0.0.44.dev20260713+nightly
codegen_flags: <defaults>
</compile_context>

<pallas_src>
import functools

import jax
import jax.numpy as jnp
from jax import lax
from jax.experimental import pallas as pl
from jax.experimental.pallas import tpu as pltpu
from jax.experimental.pallas import tpu_sc as plsc

_NUM_REVIEWER = 100000
_NUM_DINER = 1000000
_EMB = 64
_BATCH = 16384
_NDIN = 5
_NC = 2
_NS = 16
_NW = _NC * _NS
_PER_W = _BATCH // _NW
_CHUNK = 128
_NCHUNK = _PER_W // _CHUNK
_L = 16


def _log1p_of(u):
    z = u / (u + 2.0)
    z2 = z * z
    p = 1.0 + z2 * (1.0 / 3.0 + z2 * (1.0 / 5.0 + z2 * (1.0 / 7.0 + z2 * (1.0 / 9.0))))
    return 2.0 * z * p


def _softplus(x):
    return jnp.maximum(x, 0.0) + _log1p_of(jnp.exp(-jnp.abs(x)))


def _body(rev_hbm, din_hbm, w_hbm, ridx_hbm, didx_hbm, out_hbm,
          ridx_v, didx_v, w_v, rev0, rev1, din0, din1, loss_v,
          sem0, sem1):
    wid = lax.axis_index("s") * _NC + lax.axis_index("c")
    iota = lax.iota(jnp.int32, _L)
    base = wid * _PER_W

    pltpu.sync_copy(ridx_hbm.at[pl.ds(base, _PER_W)], ridx_v)
    pltpu.sync_copy(didx_hbm.at[pl.ds(base * _NDIN, _PER_W * _NDIN)], didx_v)
    pltpu.sync_copy(w_hbm.at[pl.ds(base, _PER_W)], w_v)

    rev_bufs = (rev0, rev1)
    din_bufs = (din0, din1)
    sems = (sem0, sem1)

    def issue(c):
        b = c % 2
        return (
            pltpu.async_copy(
                rev_hbm.at[ridx_v.at[pl.ds(c * _CHUNK, _CHUNK)]],
                rev_bufs[b], sems[b]),
            pltpu.async_copy(
                din_hbm.at[didx_v.at[pl.ds(c * _CHUNK * _NDIN,
                                           _CHUNK * _NDIN)]],
                din_bufs[b], sems[b]),
        )

    inflight = issue(0)
    loss = jnp.zeros((_L,), jnp.float32)
    for c in range(_NCHUNK):
        nxt = issue(c + 1) if c + 1 < _NCHUNK else ()
        for cp in inflight:
            cp.wait()
        inflight = nxt
        rev_rows = rev_bufs[c % 2]
        din_rows = din_bufs[c % 2]

        def group_step(g, loss_acc, c=c, rev_rows=rev_rows, din_rows=din_rows):
            samp = g * _L + iota
            dbase = samp * _NDIN
            w = w_v[pl.ds(c * _CHUNK + g * _L, _L)]

            def e_step(e4, accs):
                new = list(accs)
                for u in range(4):
                    colp = jnp.broadcast_to(e4 * 4 + u, (_L,))
                    rlo, rhi = plsc.unpack(
                        plsc.bitcast(plsc.load_gather(rev_rows, [samp, colp]),
                                     jnp.bfloat16),
                        format=plsc.PackFormat.INTERLEAVED)
                    for d in range(_NDIN):
                        dlo, dhi = plsc.unpack(
                            plsc.bitcast(
                                plsc.load_gather(din_rows, [dbase + d, colp]),
                                jnp.bfloat16),
                            format=plsc.PackFormat.INTERLEAVED)
                        new[d] = new[d] + rlo * dlo + rhi * dhi
                return tuple(new)

            accs = lax.fori_loop(
                0, _EMB // 8, e_step,
                tuple(jnp.zeros((_L,), jnp.float32) for _ in range(_NDIN)))
            contrib = jnp.zeros((_L,), jnp.float32)
            for d in range(1, _NDIN):
                contrib = contrib + _softplus(accs[d] - accs[0])
            return loss_acc + w * contrib

        loss = lax.fori_loop(0, _CHUNK // _L, group_step, loss)

    loss_v[...] = loss
    pltpu.sync_copy(loss_v, out_hbm.at[wid])


@jax.jit
def _run(rev_emb, din_emb, weights, reviewers, diners):
    mesh = plsc.VectorSubcoreMesh(core_axis_name="c", subcore_axis_name="s")
    partials = pl.kernel(
        _body,
        out_type=jax.ShapeDtypeStruct((_NW, _L), jnp.float32),
        mesh=mesh,
        scratch_types=[
            pltpu.VMEM((_PER_W,), jnp.int32),
            pltpu.VMEM((_PER_W * _NDIN,), jnp.int32),
            pltpu.VMEM((_PER_W,), jnp.float32),
            pltpu.VMEM((_CHUNK, _EMB // 2), jnp.int32),
            pltpu.VMEM((_CHUNK, _EMB // 2), jnp.int32),
            pltpu.VMEM((_CHUNK * _NDIN, _EMB // 2), jnp.int32),
            pltpu.VMEM((_CHUNK * _NDIN, _EMB // 2), jnp.int32),
            pltpu.VMEM((_L,), jnp.float32),
            pltpu.SemaphoreType.DMA,
            pltpu.SemaphoreType.DMA,
        ],
        compiler_params=pltpu.CompilerParams(
            needs_layout_passes=False, use_tc_tiling_on_sc=False),
    )(rev_emb, din_emb, weights, reviewers, diners)
    return jnp.sum(partials) * (1.0 / (_BATCH * (_NDIN - 1)))


def _pack_bf16(table, n):
    tb = table.astype(jnp.bfloat16)
    return jax.lax.bitcast_convert_type(
        jnp.reshape(tb, (n, _EMB // 2, 2)), jnp.int32)


def kernel(reviewer_emb, diner_emb, weights, reviewers, diners):
    return _run(
        _pack_bf16(reviewer_emb, _NUM_REVIEWER),
        _pack_bf16(diner_emb, _NUM_DINER),
        jnp.reshape(weights, (_BATCH,)),
        reviewers.astype(jnp.int32),
        jnp.reshape(diners.astype(jnp.int32), (_BATCH * _NDIN,)),
    )

# --- scband reference (transcript-rebuilt; emitter-appended) ---
"""Pipeline reference for scband-light-gcn-51969104281879 (READ-ONLY COPY).

The authoritative reference and input builder live on the scoring server;
editing this copy changes nothing except your own understanding.
"""

import jax, jax.numpy as jnp
import numpy as np

NUM_REVIEWER = 100000
NUM_DINER = 1000000
EMB = 64
BATCH = 16384
NEG = 4


def setup_inputs(seed: int = 0) -> dict:
    key = jax.random.key(seed)
    k1, k2, k3, k4, k5 = jax.random.split(key, 5)
    # learned parameters (xavier-ish scale)
    reviewer_emb = jax.random.normal(k1, (NUM_REVIEWER, EMB), dtype=jnp.float32) * 0.01
    diner_emb = jax.random.normal(k2, (NUM_DINER, EMB), dtype=jnp.float32) * 0.01
    # batch: user indices, (1 + neg) item indices, sample weights
    reviewers = jax.random.randint(k3, (BATCH,), 0, NUM_REVIEWER, dtype=jnp.int64)
    diners = jax.random.randint(k4, (BATCH, 1 + NEG), 0, NUM_DINER, dtype=jnp.int64)
    weights = jax.random.uniform(k5, (BATCH, 1), dtype=jnp.float32)
    return {
        "reviewer_emb": reviewer_emb,
        "diner_emb": diner_emb,
        "weights": weights,
        "reviewers": reviewers,
        "diners": diners,
    }


def cal_bpr_loss(preds, weights):
    # preds: (bs, 1 + neg); column 0 = positive, rest = negatives
    pos = preds[:, 0:1]
    negs = preds[:, 1:]
    # standard BPR: -log sigmoid(pos - neg), weighted per-sample
    loss = -jax.nn.log_sigmoid(pos - negs)  # (bs, neg)
    loss = weights * loss  # broadcast (bs,1) over negatives
    return jnp.mean(loss)


def reference(reviewer_emb, diner_emb, weights, reviewers, diners):
    # embedding gathers (SparseCore-friendly: jnp.take / fancy indexing)
    rev_vec = jnp.take(reviewer_emb, reviewers, axis=0)  # (bs, emb)
    rev_vec = rev_vec[:, None, :]  # (bs, 1, emb) -> broadcast over 1+neg
    din_vec = jnp.take(diner_emb, diners, axis=0)  # (bs, 1+neg, emb)
    preds = jnp.sum(rev_vec * din_vec, axis=-1)  # (bs, 1+neg)
    return cal_bpr_loss(preds, weights)

if __name__ == "__main__":
    import jax
    _d = setup_inputs()
    print(jax.jit(kernel)(*tuple(_d.values())))

</pallas_src>

<mosaic_0001>
#map = affine_map<(d0, d1) -> (0, 0)>
#map1 = affine_map<(d0, d1) -> (0)>
module attributes {stable_mosaic.version = 14 : i64} {
  func.func @_body(%arg0: i32, %arg1: i32, %arg2: memref<100000x32xi32, #tpu.memory_space<hbm>>, %arg3: memref<1000000x32xi32, #tpu.memory_space<hbm>>, %arg4: memref<16384xf32, #tpu.memory_space<hbm>>, %arg5: memref<16384xi32, #tpu.memory_space<hbm>>, %arg6: memref<81920xi32, #tpu.memory_space<hbm>>, %arg7: memref<32x16xf32, #tpu.memory_space<hbm>>, %arg8: memref<512xi32, #tpu.memory_space<vmem>>, %arg9: memref<2560xi32, #tpu.memory_space<vmem>>, %arg10: memref<512xf32, #tpu.memory_space<vmem>>, %arg11: memref<128x32xi32, #tpu.memory_space<vmem>>, %arg12: memref<128x32xi32, #tpu.memory_space<vmem>>, %arg13: memref<640x32xi32, #tpu.memory_space<vmem>>, %arg14: memref<640x32xi32, #tpu.memory_space<vmem>>, %arg15: memref<16xf32, #tpu.memory_space<vmem>>, %arg16: memref<!tpu.dma_semaphore, #tpu.memory_space<semaphore_mem>>, %arg17: memref<!tpu.dma_semaphore, #tpu.memory_space<semaphore_mem>>) attributes {dimension_semantics = [#tpu.dimension_semantics<core_parallel>, #tpu.dimension_semantics<subcore_parallel>], iteration_bounds = array<i64: 2, 16>, scalar_prefetch = 0 : i64, scratch_operands = 10 : i64, tpu.core_type = #tpu.core_type<sc_vector_subcore>, window_params = [{transform_indices = #map}, {transform_indices = #map}, {transform_indices = #map1}, {transform_indices = #map1}, {transform_indices = #map1}, {transform_indices = #map}]} {
    %mul3A = arith.constant 2 : i32
    %mul3A_0 = arith.muli %arg1, %mul3A : i32
    %add3A = arith.addi %mul3A_0, %arg0 : i32
    %iota3A = tpu.iota {dimensions = array<i32: 0>} : vector<16xi32>
    %mul3A_1 = arith.constant 512 : i32
    %mul3A_2 = arith.muli %add3A, %mul3A_1 : i32
    "tpu.region"() ({
      %run_scoped3A = tpu.sem_alloc : memref<!tpu.dma_semaphore, #tpu.memory_space<semaphore_mem>>
      %dma_start3A_108 = tpu.memref_slice %arg5[%mul3A_2] : memref<16384xi32, #tpu.memory_space<hbm>> -> memref<512xi32, #tpu.memory_space<hbm>>
      %dma_start3A_109 = tpu.memref_slice %arg5[%mul3A_2] : memref<16384xi32, #tpu.memory_space<hbm>> -> memref<512xi32, #tpu.memory_space<hbm>>
      tpu.enqueue_dma source(%dma_start3A_109 : memref<512xi32, #tpu.memory_space<hbm>>) target(%arg8 : memref<512xi32, #tpu.memory_space<vmem>>) target_semaphore(%run_scoped3A : memref<!tpu.dma_semaphore, #tpu.memory_space<semaphore_mem>>)
      %dma_wait3A_110 = tpu.memref_slice %arg5[%mul3A_2] : memref<16384xi32, #tpu.memory_space<hbm>> -> memref<512xi32, #tpu.memory_space<hbm>>
      %dma_wait3A_111 = tpu.memref_slice %arg5[%mul3A_2] : memref<16384xi32, #tpu.memory_space<hbm>> -> memref<512xi32, #tpu.memory_space<hbm>>
      tpu.wait_dma2 semaphore(%run_scoped3A : memref<!tpu.dma_semaphore, #tpu.memory_space<semaphore_mem>>) src(%dma_wait3A_111 : memref<512xi32, #tpu.memory_space<hbm>>) dst(%arg8 : memref<512xi32, #tpu.memory_space<vmem>>)
      tpu.yield
    }) : () -> ()
    %mul3A_3 = arith.constant 5 : i32
    %mul3A_4 = arith.muli %mul3A_2, %mul3A_3 : i32
    "tpu.region"() ({
      %run_scoped3A = tpu.sem_alloc : memref<!tpu.dma_semaphore, #tpu.memory_space<semaphore_mem>>
      %dma_start3A_108 = tpu.memref_slice %arg6[%mul3A_4] : memref<81920xi32, #tpu.memory_space<hbm>> -> memref<2560xi32, #tpu.memory_space<hbm>>
      %dma_start3A_109 = tpu.memref_slice %arg6[%mul3A_4] : memref<81920xi32, #tpu.memory_space<hbm>> -> memref<2560xi32, #tpu.memory_space<hbm>>
      tpu.enqueue_dma source(%dma_start3A_109 : memref<2560xi32, #tpu.memory_space<hbm>>) target(%arg9 : memref<2560xi32, #tpu.memory_space<vmem>>) target_semaphore(%run_scoped3A : memref<!tpu.dma_semaphore, #tpu.memory_space<semaphore_mem>>)
      %dma_wait3A_110 = tpu.memref_slice %arg6[%mul3A_4] : memref<81920xi32, #tpu.memory_space<hbm>> -> memref<2560xi32, #tpu.memory_space<hbm>>
      %dma_wait3A_111 = tpu.memref_slice %arg6[%mul3A_4] : memref<81920xi32, #tpu.memory_space<hbm>> -> memref<2560xi32, #tpu.memory_space<hbm>>
      tpu.wait_dma2 semaphore(%run_scoped3A : memref<!tpu.dma_semaphore, #tpu.memory_space<semaphore_mem>>) src(%dma_wait3A_111 : memref<2560xi32, #tpu.memory_space<hbm>>) dst(%arg9 : memref<2560xi32, #tpu.memory_space<vmem>>)
      tpu.yield
    }) : () -> ()
    "tpu.region"() ({
      %run_scoped3A = tpu.sem_alloc : memref<!tpu.dma_semaphore, #tpu.memory_space<semaphore_mem>>
      %dma_start3A_108 = tpu.memref_slice %arg4[%mul3A_2] : memref<16384xf32, #tpu.memory_space<hbm>> -> memref<512xf32, #tpu.memory_space<hbm>>
      %dma_start3A_109 = tpu.memref_slice %arg4[%mul3A_2] : memref<16384xf32, #tpu.memory_space<hbm>> -> memref<512xf32, #tpu.memory_space<hbm>>
      tpu.enqueue_dma source(%dma_start3A_109 : memref<512xf32, #tpu.memory_space<hbm>>) target(%arg10 : memref<512xf32, #tpu.memory_space<vmem>>) target_semaphore(%run_scoped3A : memref<!tpu.dma_semaphore, #tpu.memory_space<semaphore_mem>>)
      %dma_wait3A_110 = tpu.memref_slice %arg4[%mul3A_2] : memref<16384xf32, #tpu.memory_space<hbm>> -> memref<512xf32, #tpu.memory_space<hbm>>
      %dma_wait3A_111 = tpu.memref_slice %arg4[%mul3A_2] : memref<16384xf32, #tpu.memory_space<hbm>> -> memref<512xf32, #tpu.memory_space<hbm>>
      tpu.wait_dma2 semaphore(%run_scoped3A : memref<!tpu.dma_semaphore, #tpu.memory_space<semaphore_mem>>) src(%dma_wait3A_111 : memref<512xf32, #tpu.memory_space<hbm>>) dst(%arg10 : memref<512xf32, #tpu.memory_space<vmem>>)
      tpu.yield
    }) : () -> ()
    %dma_start3A = arith.constant 0 : i32
    %dma_start3A_5 = tpu.memref_slice %arg8[%dma_start3A] : memref<512xi32, #tpu.memory_space<vmem>> -> memref<128xi32, #tpu.memory_space<vmem>>
    %dma_start3A_6 = arith.constant 0 : i32
    %dma_start3A_7 = arith.constant 0 : i32
    %dma_start3A_8 = tpu.memref_slice %arg2[%dma_start3A_6, %dma_start3A_7] : memref<100000x32xi32, #tpu.memory_space<hbm>> -> memref<100000x32xi32, #tpu.memory_space<hbm>>
    tpu.enqueue_indirect_dma source(%dma_start3A_8 : memref<100000x32xi32, #tpu.memory_space<hbm>>) target(%arg11 : memref<128x32xi32, #tpu.memory_space<vmem>>) offsets(%dma_start3A_5 : memref<128xi32, #tpu.memory_space<vmem>>) semaphore(%arg16 : memref<!tpu.dma_semaphore, #tpu.memory_space<semaphore_mem>>)
    %dma_start3A_9 = arith.constant 0 : i32
    %dma_start3A_10 = tpu.memref_slice %arg9[%dma_start3A_9] : memref<2560xi32, #tpu.memory_space<vmem>> -> memref<640xi32, #tpu.memory_space<vmem>>
    %dma_start3A_11 = arith.constant 0 : i32
    %dma_start3A_12 = arith.constant 0 : i32
    %dma_start3A_13 = tpu.memref_slice %arg3[%dma_start3A_11, %dma_start3A_12] : memref<1000000x32xi32, #tpu.memory_space<hbm>> -> memref<1000000x32xi32, #tpu.memory_space<hbm>>
    tpu.enqueue_indirect_dma source(%dma_start3A_13 : memref<1000000x32xi32, #tpu.memory_space<hbm>>) target(%arg13 : memref<640x32xi32, #tpu.memory_space<vmem>>) offsets(%dma_start3A_10 : memref<640xi32, #tpu.memory_space<vmem>>) semaphore(%arg16 : memref<!tpu.dma_semaphore, #tpu.memory_space<semaphore_mem>>)
    %broadcast_in_dim3A = arith.constant 0.000000e+00 : f32
    %broadcast_in_dim3A_14 = vector.broadcast %broadcast_in_dim3A : f32 to vector<16xf32>
    %dma_start3A_15 = arith.constant 128 : i32
    %dma_start3A_16 = tpu.memref_slice %arg8[%dma_start3A_15] : memref<512xi32, #tpu.memory_space<vmem>> -> memref<128xi32, #tpu.memory_space<vmem>>
    %dma_start3A_17 = arith.constant 0 : i32
    %dma_start3A_18 = arith.constant 0 : i32
    %dma_start3A_19 = tpu.memref_slice %arg2[%dma_start3A_17, %dma_start3A_18] : memref<100000x32xi32, #tpu.memory_space<hbm>> -> memref<100000x32xi32, #tpu.memory_space<hbm>>
    tpu.enqueue_indirect_dma source(%dma_start3A_19 : memref<100000x32xi32, #tpu.memory_space<hbm>>) target(%arg12 : memref<128x32xi32, #tpu.memory_space<vmem>>) offsets(%dma_start3A_16 : memref<128xi32, #tpu.memory_space<vmem>>) semaphore(%arg17 : memref<!tpu.dma_semaphore, #tpu.memory_space<semaphore_mem>>)
    %dma_start3A_20 = arith.constant 640 : i32
    %dma_start3A_21 = tpu.memref_slice %arg9[%dma_start3A_20] : memref<2560xi32, #tpu.memory_space<vmem>> -> memref<640xi32, #tpu.memory_space<vmem>>
    %dma_start3A_22 = arith.constant 0 : i32
    %dma_start3A_23 = arith.constant 0 : i32
    %dma_start3A_24 = tpu.memref_slice %arg3[%dma_start3A_22, %dma_start3A_23] : memref<1000000x32xi32, #tpu.memory_space<hbm>> -> memref<1000000x32xi32, #tpu.memory_space<hbm>>
    tpu.enqueue_indirect_dma source(%dma_start3A_24 : memref<1000000x32xi32, #tpu.memory_space<hbm>>) target(%arg14 : memref<640x32xi32, #tpu.memory_space<vmem>>) offsets(%dma_start3A_21 : memref<640xi32, #tpu.memory_space<vmem>>) semaphore(%arg17 : memref<!tpu.dma_semaphore, #tpu.memory_space<semaphore_mem>>)
    %dma_wait3A = arith.constant 0 : i32
    %dma_wait3A_25 = tpu.memref_slice %arg8[%dma_wait3A] : memref<512xi32, #tpu.memory_space<vmem>> -> memref<128xi32, #tpu.memory_space<vmem>>
    %dma_wait3A_26 = arith.constant 0 : i32
    %dma_wait3A_27 = arith.constant 0 : i32
    %dma_wait3A_28 = tpu.memref_slice %arg2[%dma_wait3A_26, %dma_wait3A_27] : memref<100000x32xi32, #tpu.memory_space<hbm>> -> memref<100000x32xi32, #tpu.memory_space<hbm>>
    tpu.wait_indirect_dma semaphore(%arg16 : memref<!tpu.dma_semaphore, #tpu.memory_space<semaphore_mem>>) src(%dma_wait3A_28 : memref<100000x32xi32, #tpu.memory_space<hbm>>) dst(%arg11 : memref<128x32xi32, #tpu.memory_space<vmem>>)
    %dma_wait3A_29 = arith.constant 0 : i32
    %dma_wait3A_30 = tpu.memref_slice %arg9[%dma_wait3A_29] : memref<2560xi32, #tpu.memory_space<vmem>> -> memref<640xi32, #tpu.memory_space<vmem>>
    %dma_wait3A_31 = arith.constant 0 : i32
    %dma_wait3A_32 = arith.constant 0 : i32
    %dma_wait3A_33 = tpu.memref_slice %arg3[%dma_wait3A_31, %dma_wait3A_32] : memref<1000000x32xi32, #tpu.memory_space<hbm>> -> memref<1000000x32xi32, #tpu.memory_space<hbm>>
    tpu.wait_indirect_dma semaphore(%arg16 : memref<!tpu.dma_semaphore, #tpu.memory_space<semaphore_mem>>) src(%dma_wait3A_33 : memref<1000000x32xi32, #tpu.memory_space<hbm>>) dst(%arg13 : memref<640x32xi32, #tpu.memory_space<vmem>>)
    %scan3A = arith.constant 0 : i32
    %scan3A_34 = arith.constant 8 : i32
    %scan3A_35 = arith.addi %scan3A, %scan3A_34 : i32
    %scan3A_36 = arith.constant 1 : i32
    %scan3A_37 = scf.for %scan3A_108 = %scan3A to %scan3A_35 step %scan3A_36 iter_args(%scan3A_109 = %broadcast_in_dim3A_14) -> (vector<16xf32>)  : i32 {
      %mul3A_110 = arith.constant 16 : i32
      %mul3A_111 = arith.muli %scan3A_108, %mul3A_110 : i32
      %add3A_112 = vector.broadcast %mul3A_111 : i32 to vector<16xi32>
      %add3A_113 = arith.addi %add3A_112, %iota3A : vector<16xi32>
      %mul3A_114 = arith.constant 5 : i32
      %mul3A_115 = vector.broadcast %mul3A_114 : i32 to vector<16xi32>
      %mul3A_116 = arith.muli %add3A_113, %mul3A_115 : vector<16xi32>
      %mul3A_117 = arith.constant 16 : i32
      %mul3A_118 = arith.muli %scan3A_108, %mul3A_117 : i32
      %add3A_119 = arith.constant 0 : i32
      %add3A_120 = arith.addi %add3A_119, %mul3A_118 : i32
      %get3A = arith.index_cast %add3A_120 : i32 to index
      %get3A_121 = tpu.vector_load %arg10[%get3A] {strides = array<i32>} : memref<512xf32, #tpu.memory_space<vmem>>, vector<16xf32>,
      %broadcast_in_dim3A_122 = arith.constant 0.000000e+00 : f32
      %broadcast_in_dim3A_123 = vector.broadcast %broadcast_in_dim3A_122 : f32 to vector<16xf32>
      %broadcast_in_dim3A_124 = arith.constant 0.000000e+00 : f32
      %broadcast_in_dim3A_125 = vector.broadcast %broadcast_in_dim3A_124 : f32 to vector<16xf32>
      %broadcast_in_dim3A_126 = arith.constant 0.000000e+00 : f32
      %broadcast_in_dim3A_127 = vector.broadcast %broadcast_in_dim3A_126 : f32 to vector<16xf32>
      %broadcast_in_dim3A_128 = arith.constant 0.000000e+00 : f32
      %broadcast_in_dim3A_129 = vector.broadcast %broadcast_in_dim3A_128 : f32 to vector<16xf32>
      %broadcast_in_dim3A_130 = arith.constant 0.000000e+00 : f32
      %broadcast_in_dim3A_131 = vector.broadcast %broadcast_in_dim3A_130 : f32 to vector<16xf32>
      %scan3A_132 = arith.constant 0 : i32
      %scan3A_133 = arith.constant 8 : i32
      %scan3A_134 = arith.addi %scan3A_132, %scan3A_133 : i32
      %scan3A_135 = arith.constant 1 : i32
      %scan3A_136:5 = scf.for %scan3A_288 = %scan3A_132 to %scan3A_134 step %scan3A_135 iter_args(%scan3A_289 = %broadcast_in_dim3A_123, %scan3A_290 = %broadcast_in_dim3A_125, %scan3A_291 = %broadcast_in_dim3A_127, %scan3A_292 = %broadcast_in_dim3A_129, %scan3A_293 = %broadcast_in_dim3A_131) -> (vector<16xf32>, vector<16xf32>, vector<16xf32>, vector<16xf32>, vector<16xf32>)  : i32 {
        %mul3A_294 = arith.constant 4 : i32
        %mul3A_295 = arith.muli %scan3A_288, %mul3A_294 : i32
        %add3A_296 = arith.constant 0 : i32
        %add3A_297 = arith.addi %mul3A_295, %add3A_296 : i32
        %broadcast_in_dim3A_298 = vector.broadcast %add3A_297 : i32 to vector<16xi32>
        %gather3A = tpu.vector_load_idx %arg11[%add3A_113, %broadcast_in_dim3A_298] : memref<128x32xi32, #tpu.memory_space<vmem>>[vector<16xi32>, vector<16xi32>], vector<16xi32>,
        %bitcast3A = vector.bitcast %gather3A : vector<16xi32> to vector<32xbf16>
        %unpack3A = tpu.unpack_subelements %bitcast3A, 0 {pack_format = #tpu.pack_format<interleaved>} : vector<32xbf16> -> vector<16xf32>
        %unpack3A_299 = tpu.unpack_subelements %bitcast3A, 1 {pack_format = #tpu.pack_format<interleaved>} : vector<32xbf16> -> vector<16xf32>
        %add3A_300 = arith.constant 0 : i32
        %add3A_301 = vector.broadcast %add3A_300 : i32 to vector<16xi32>
        %add3A_302 = arith.addi %mul3A_116, %add3A_301 : vector<16xi32>
        %gather3A_303 = tpu.vector_load_idx %arg13[%add3A_302, %broadcast_in_dim3A_298] : memref<640x32xi32, #tpu.memory_space<vmem>>[vector<16xi32>, vector<16xi32>], vector<16xi32>,
        %bitcast3A_304 = vector.bitcast %gather3A_303 : vector<16xi32> to vector<32xbf16>
        %unpack3A_305 = tpu.unpack_subelements %bitcast3A_304, 0 {pack_format = #tpu.pack_format<interleaved>} : vector<32xbf16> -> vector<16xf32>
        %unpack3A_306 = tpu.unpack_subelements %bitcast3A_304, 1 {pack_format = #tpu.pack_format<interleaved>} : vector<32xbf16> -> vector<16xf32>
        %mul3A_307 = arith.mulf %unpack3A, %unpack3A_305 : vector<16xf32>
        %add3A_308 = arith.addf %scan3A_289, %mul3A_307 : vector<16xf32>
        %mul3A_309 = arith.mulf %unpack3A_299, %unpack3A_306 : vector<16xf32>
        %add3A_310 = arith.addf %add3A_308, %mul3A_309 : vector<16xf32>
        %add3A_311 = arith.constant 1 : i32
        %add3A_312 = vector.broadcast %add3A_311 : i32 to vector<16xi32>
        %add3A_313 = arith.addi %mul3A_116, %add3A_312 : vector<16xi32>
        %gather3A_314 = tpu.vector_load_idx %arg13[%add3A_313, %broadcast_in_dim3A_298] : memref<640x32xi32, #tpu.memory_space<vmem>>[vector<16xi32>, vector<16xi32>], vector<16xi32>,
        %bitcast3A_315 = vector.bitcast %gather3A_314 : vector<16xi32> to vector<32xbf16>
        %unpack3A_316 = tpu.unpack_subelements %bitcast3A_315, 0 {pack_format = #tpu.pack_format<interleaved>} : vector<32xbf16> -> vector<16xf32>
        %unpack3A_317 = tpu.unpack_subelements %bitcast3A_315, 1 {pack_format = #tpu.pack_format<interleaved>} : vector<32xbf16> -> vector<16xf32>
        %mul3A_318 = arith.mulf %unpack3A, %unpack3A_316 : vector<16xf32>
        %add3A_319 = arith.addf %scan3A_290, %mul3A_318 : vector<16xf32>
        %mul3A_320 = arith.mulf %unpack3A_299, %unpack3A_317 : vector<16xf32>
        %add3A_321 = arith.addf %add3A_319, %mul3A_320 : vector<16xf32>
        %add3A_322 = arith.constant 2 : i32
        %add3A_323 = vector.broadcast %add3A_322 : i32 to vector<16xi32>
        %add3A_324 = arith.addi %mul3A_116, %add3A_323 : vector<16xi32>
        %gather3A_325 = tpu.vector_load_idx %arg13[%add3A_324, %broadcast_in_dim3A_298] : memref<640x32xi32, #tpu.memory_space<vmem>>[vector<16xi32>, vector<16xi32>], vector<16xi32>,
        %bitcast3A_326 = vector.bitcast %gather3A_325 : vector<16xi32> to vector<32xbf16>
        %unpack3A_327 = tpu.unpack_subelements %bitcast3A_326, 0 {pack_format = #tpu.pack_format<interleaved>} : vector<32xbf16> -> vector<16xf32>
        %unpack3A_328 = tpu.unpack_subelements %bitcast3A_326, 1 {pack_format = #tpu.pack_format<interleaved>} : vector<32xbf16> -> vector<16xf32>
        %mul3A_329 = arith.mulf %unpack3A, %unpack3A_327 : vector<16xf32>
        %add3A_330 = arith.addf %scan3A_291, %mul3A_329 : vector<16xf32>
        %mul3A_331 = arith.mulf %unpack3A_299, %unpack3A_328 : vector<16xf32>
        %add3A_332 = arith.addf %add3A_330, %mul3A_331 : vector<16xf32>
        %add3A_333 = arith.constant 3 : i32
        %add3A_334 = vector.broadcast %add3A_333 : i32 to vector<16xi32>
        %add3A_335 = arith.addi %mul3A_116, %add3A_334 : vector<16xi32>
        %gather3A_336 = tpu.vector_load_idx %arg13[%add3A_335, %broadcast_in_dim3A_298] : memref<640x32xi32, #tpu.memory_space<vmem>>[vector<16xi32>, vector<16xi32>], vector<16xi32>,
        %bitcast3A_337 = vector.bitcast %gather3A_336 : vector<16xi32> to vector<32xbf16>
        %unpack3A_338 = tpu.unpack_subelements %bitcast3A_337, 0 {pack_format = #tpu.pack_format<interleaved>} : vector<32xbf16> -> vector<16xf32>
        %unpack3A_339 = tpu.unpack_subelements %bitcast3A_337, 1 {pack_format = #tpu.pack_format<interleaved>} : vector<32xbf16> -> vector<16xf32>
        %mul3A_340 = arith.mulf %unpack3A, %unpack3A_338 : vector<16xf32>
        %add3A_341 = arith.addf %scan3A_292, %mul3A_340 : vector<16xf32>
        %mul3A_342 = arith.mulf %unpack3A_299, %unpack3A_339 : vector<16xf32>
        %add3A_343 = arith.addf %add3A_341, %mul3A_342 : vector<16xf32>
        %add3A_344 = arith.constant 4 : i32
        %add3A_345 = vector.broadcast %add3A_344 : i32 to vector<16xi32>
        %add3A_346 = arith.addi %mul3A_116, %add3A_345 : vector<16xi32>
        %gather3A_347 = tpu.vector_load_idx %arg13[%add3A_346, %broadcast_in_dim3A_298] : memref<640x32xi32, #tpu.memory_space<vmem>>[vector<16xi32>, vector<16xi32>], vector<16xi32>,
        %bitcast3A_348 = vector.bitcast %gather3A_347 : vector<16xi32> to vector<32xbf16>
        %unpack3A_349 = tpu.unpack_subelements %bitcast3A_348, 0 {pack_format = #tpu.pack_format<interleaved>} : vector<32xbf16> -> vector<16xf32>
        %unpack3A_350 = tpu.unpack_subelements %bitcast3A_348, 1 {pack_format = #tpu.pack_format<interleaved>} : vector<32xbf16> -> vector<16xf32>
        %mul3A_351 = arith.mulf %unpack3A, %unpack3A_349 : vector<16xf32>
        %add3A_352 = arith.addf %scan3A_293, %mul3A_351 : vector<16xf32>
        %mul3A_353 = arith.mulf %unpack3A_299, %unpack3A_350 : vector<16xf32>
        %add3A_354 = arith.addf %add3A_352, %mul3A_353 : vector<16xf32>
        %mul3A_355 = arith.constant 4 : i32
        %mul3A_356 = arith.muli %scan3A_288, %mul3A_355 : i32
        %add3A_357 = arith.constant 1 : i32
        %add3A_358 = arith.addi %mul3A_356, %add3A_357 : i32
        %broadcast_in_dim3A_359 = vector.broadcast %add3A_358 : i32 to vector<16xi32>
        %gather3A_360 = tpu.vector_load_idx %arg11[%add3A_113, %broadcast_in_dim3A_359] : memref<128x32xi32, #tpu.memory_space<vmem>>[vector<16xi32>, vector<16xi32>], vector<16xi32>,
        %bitcast3A_361 = vector.bitcast %gather3A_360 : vector<16xi32> to vector<32xbf16>
        %unpack3A_362 = tpu.unpack_subelements %bitcast3A_361, 0 {pack_format = #tpu.pack_format<interleaved>} : vector<32xbf16> -> vector<16xf32>
        %unpack3A_363 = tpu.unpack_subelements %bitcast3A_361, 1 {pack_format = #tpu.pack_format<interleaved>} : vector<32xbf16> -> vector<16xf32>
        %add3A_364 = arith.constant 0 : i32
        %add3A_365 = vector.broadcast %add3A_364 : i32 to vector<16xi32>
        %add3A_366 = arith.addi %mul3A_116, %add3A_365 : vector<16xi32>
        %gather3A_367 = tpu.vector_load_idx %arg13[%add3A_366, %broadcast_in_dim3A_359] : memref<640x32xi32, #tpu.memory_space<vmem>>[vector<16xi32>, vector<16xi32>], vector<16xi32>,
        %bitcast3A_368 = vector.bitcast %gather3A_367 : vector<16xi32> to vector<32xbf16>
        %unpack3A_369 = tpu.unpack_subelements %bitcast3A_368, 0 {pack_format = #tpu.pack_format<interleaved>} : vector<32xbf16> -> vector<16xf32>
        %unpack3A_370 = tpu.unpack_subelements %bitcast3A_368, 1 {pack_format = #tpu.pack_format<interleaved>} : vector<32xbf16> -> vector<16xf32>
        %mul3A_371 = arith.mulf %unpack3A_362, %unpack3A_369 : vector<16xf32>
        %add3A_372 = arith.addf %add3A_310, %mul3A_371 : vector<16xf32>
        %mul3A_373 = arith.mulf %unpack3A_363, %unpack3A_370 : vector<16xf32>
        %add3A_374 = arith.addf %add3A_372, %mul3A_373 : vector<16xf32>
        %add3A_375 = arith.constant 1 : i32
        %add3A_376 = vector.broadcast %add3A_375 : i32 to vector<16xi32>
        %add3A_377 = arith.addi %mul3A_116, %add3A_376 : vector<16xi32>
        %gather3A_378 = tpu.vector_load_idx %arg13[%add3A_377, %broadcast_in_dim3A_359] : memref<640x32xi32, #tpu.memory_space<vmem>>[vector<16xi32>, vector<16xi32>], vector<16xi32>,
        %bitcast3A_379 = vector.bitcast %gather3A_378 : vector<16xi32> to vector<32xbf16>
        %unpack3A_380 = tpu.unpack_subelements %bitcast3A_379, 0 {pack_format = #tpu.pack_format<interleaved>} : vector<32xbf16> -> vector<16xf32>
        %unpack3A_381 = tpu.unpack_subelements %bitcast3A_379, 1 {pack_format = #tpu.pack_format<interleaved>} : vector<32xbf16> -> vector<16xf32>
        %mul3A_382 = arith.mulf %unpack3A_362, %unpack3A_380 : vector<16xf32>
        %add3A_383 = arith.addf %add3A_321, %mul3A_382 : vector<16xf32>
        %mul3A_384 = arith.mulf %unpack3A_363, %unpack3A_381 : vector<16xf32>
        %add3A_385 = arith.addf %add3A_383, %mul3A_384 : vector<16xf32>
        %add3A_386 = arith.constant 2 : i32
        %add3A_387 = vector.broadcast %add3A_386 : i32 to vector<16xi32>
        %add3A_388 = arith.addi %mul3A_116, %add3A_387 : vector<16xi32>
        %gather3A_389 = tpu.vector_load_idx %arg13[%add3A_388, %broadcast_in_dim3A_359] : memref<640x32xi32, #tpu.memory_space<vmem>>[vector<16xi32>, vector<16xi32>], vector<16xi32>,
        %bitcast3A_390 = vector.bitcast %gather3A_389 : vector<16xi32> to vector<32xbf16>
        %unpack3A_391 = tpu.unpack_subelements %bitcast3A_390, 0 {pack_format = #tpu.pack_format<interleaved>} : vector<32xbf16> -> vector<16xf32>
        %unpack3A_392 = tpu.unpack_subelements %bitcast3A_390, 1 {pack_format = #tpu.pack_format<interleaved>} : vector<32xbf16> -> vector<16xf32>
        %mul3A_393 = arith.mulf %unpack3A_362, %unpack3A_391 : vector<16xf32>
        %add3A_394 = arith.addf %add3A_332, %mul3A_393 : vector<16xf32>
        %mul3A_395 = arith.mulf %unpack3A_363, %unpack3A_392 : vector<16xf32>
        %add3A_396 = arith.addf %add3A_394, %mul3A_395 : vector<16xf32>
        %add3A_397 = arith.constant 3 : i32
        %add3A_398 = vector.broadcast %add3A_397 : i32 to vector<16xi32>
        %add3A_399 = arith.addi %mul3A_116, %add3A_398 : vector<16xi32>
        %gather3A_400 = tpu.vector_load_idx %arg13[%add3A_399, %broadcast_in_dim3A_359] : memref<640x32xi32, #tpu.memory_space<vmem>>[vector<16xi32>, vector<16xi32>], vector<16xi32>,
        %bitcast3A_401 = vector.bitcast %gather3A_400 : vector<16xi32> to vector<32xbf16>
        %unpack3A_402 = tpu.unpack_subelements %bitcast3A_401, 0 {pack_format = #tpu.pack_format<interleaved>} : vector<32xbf16> -> vector<16xf32>
        %unpack3A_403 = tpu.unpack_subelements %bitcast3A_401, 1 {pack_format = #tpu.pack_format<interleaved>} : vector<32xbf16> -> vector<16xf32>
        %mul3A_404 = arith.mulf %unpack3A_362, %unpack3A_402 : vector<16xf32>
        %add3A_405 = arith.addf %add3A_343, %mul3A_404 : vector<16xf32>
        %mul3A_406 = arith.mulf %unpack3A_363, %unpack3A_403 : vector<16xf32>
        %add3A_407 = arith.addf %add3A_405, %mul3A_406 : vector<16xf32>
        %add3A_408 = arith.constant 4 : i32
        %add3A_409 = vector.broadcast %add3A_408 : i32 to vector<16xi32>
        %add3A_410 = arith.addi %mul3A_116, %add3A_409 : vector<16xi32>
        %gather3A_411 = tpu.vector_load_idx %arg13[%add3A_410, %broadcast_in_dim3A_359] : memref<640x32xi32, #tpu.memory_space<vmem>>[vector<16xi32>, vector<16xi32>], vector<16xi32>,
        %bitcast3A_412 = vector.bitcast %gather3A_411 : vector<16xi32> to vector<32xbf16>
        %unpack3A_413 = tpu.unpack_subelements %bitcast3A_412, 0 {pack_format = #tpu.pack_format<interleaved>} : vector<32xbf16> -> vector<16xf32>
        %unpack3A_414 = tpu.unpack_subelements %bitcast3A_412, 1 {pack_format = #tpu.pack_format<interleaved>} : vector<32xbf16> -> vector<16xf32>
        %mul3A_415 = arith.mulf %unpack3A_362, %unpack3A_413 : vector<16xf32>
        %add3A_416 = arith.addf %add3A_354, %mul3A_415 : vector<16xf32>
        %mul3A_417 = arith.mulf %unpack3A_363, %unpack3A_414 : vector<16xf32>
        %add3A_418 = arith.addf %add3A_416, %mul3A_417 : vector<16xf32>
        %mul3A_419 = arith.constant 4 : i32
        %mul3A_420 = arith.muli %scan3A_288, %mul3A_419 : i32
        %add3A_421 = arith.constant 2 : i32
        %add3A_422 = arith.addi %mul3A_420, %add3A_421 : i32
        %broadcast_in_dim3A_423 = vector.broadcast %add3A_422 : i32 to vector<16xi32>
        %gather3A_424 = tpu.vector_load_idx %arg11[%add3A_113, %broadcast_in_dim3A_423] : memref<128x32xi32, #tpu.memory_space<vmem>>[vector<16xi32>, vector<16xi32>], vector<16xi32>,
        %bitcast3A_425 = vector.bitcast %gather3A_424 : vector<16xi32> to vector<32xbf16>
        %unpack3A_426 = tpu.unpack_subelements %bitcast3A_425, 0 {pack_format = #tpu.pack_format<interleaved>} : vector<32xbf16> -> vector<16xf32>
        %unpack3A_427 = tpu.unpack_subelements %bitcast3A_425, 1 {pack_format = #tpu.pack_format<interleaved>} : vector<32xbf16> -> vector<16xf32>
        %add3A_428 = arith.constant 0 : i32
        %add3A_429 = vector.broadcast %add3A_428 : i32 to vector<16xi32>
        %add3A_430 = arith.addi %mul3A_116, %add3A_429 : vector<16xi32>
        %gather3A_431 = tpu.vector_load_idx %arg13[%add3A_430, %broadcast_in_dim3A_423] : memref<640x32xi32, #tpu.memory_space<vmem>>[vector<16xi32>, vector<16xi32>], vector<16xi32>,
        %bitcast3A_432 = vector.bitcast %gather3A_431 : vector<16xi32> to vector<32xbf16>
        %unpack3A_433 = tpu.unpack_subelements %bitcast3A_432, 0 {pack_format = #tpu.pack_format<interleaved>} : vector<32xbf16> -> vector<16xf32>
        %unpack3A_434 = tpu.unpack_subelements %bitcast3A_432, 1 {pack_format = #tpu.pack_format<interleaved>} : vector<32xbf16> -> vector<16xf32>
        %mul3A_435 = arith.mulf %unpack3A_426, %unpack3A_433 : vector<16xf32>
        %add3A_436 = arith.addf %add3A_374, %mul3A_435 : vector<16xf32>
        %mul3A_437 = arith.mulf %unpack3A_427, %unpack3A_434 : vector<16xf32>
        %add3A_438 = arith.addf %add3A_436, %mul3A_437 : vector<16xf32>
        %add3A_439 = arith.constant 1 : i32
        %add3A_440 = vector.broadcast %add3A_439 : i32 to vector<16xi32>
        %add3A_441 = arith.addi %mul3A_116, %add3A_440 : vector<16xi32>
        %gather3A_442 = tpu.vector_load_idx %arg13[%add3A_441, %broadcast_in_dim3A_423] : memref<640x32xi32, #tpu.memory_space<vmem>>[vector<16xi32>, vector<16xi32>], vector<16xi32>,
        %bitcast3A_443 = vector.bitcast %gather3A_442 : vector<16xi32> to vector<32xbf16>
        %unpack3A_444 = tpu.unpack_subelements %bitcast3A_443, 0 {pack_format = #tpu.pack_format<interleaved>} : vector<32xbf16> -> vector<16xf32>
        %unpack3A_445 = tpu.unpack_subelements %bitcast3A_443, 1 {pack_format = #tpu.pack_format<interleaved>} : vector<32xbf16> -> vector<16xf32>
        %mul3A_446 = arith.mulf %unpack3A_426, %unpack3A_444 : vector<16xf32>
        %add3A_447 = arith.addf %add3A_385, %mul3A_446 : vector<16xf32>
        %mul3A_448 = arith.mulf %unpack3A_427, %unpack3A_445 : vector<16xf32>
        %add3A_449 = arith.addf %add3A_447, %mul3A_448 : vector<16xf32>
        %add3A_450 = arith.constant 2 : i32
        %add3A_451 = vector.broadcast %add3A_450 : i32 to vector<16xi32>
        %add3A_452 = arith.addi %mul3A_116, %add3A_451 : vector<16xi32>
        %gather3A_453 = tpu.vector_load_idx %arg13[%add3A_452, %broadcast_in_dim3A_423] : memref<640x32xi32, #tpu.memory_space<vmem>>[vector<16xi32>, vector<16xi32>], vector<16xi32>,
        %bitcast3A_454 = vector.bitcast %gather3A_453 : vector<16xi32> to vector<32xbf16>
        %unpack3A_455 = tpu.unpack_subelements %bitcast3A_454, 0 {pack_format = #tpu.pack_format<interleaved>} : vector<32xbf16> -> vector<16xf32>
        %unpack3A_456 = tpu.unpack_subelements %bitcast3A_454, 1 {pack_format = #tpu.pack_format<interleaved>} : vector<32xbf16> -> vector<16xf32>
        %mul3A_457 = arith.mulf %unpack3A_426, %unpack3A_455 : vector<16xf32>
        %add3A_458 = arith.addf %add3A_396, %mul3A_457 : vector<16xf32>
        %mul3A_459 = arith.mulf %unpack3A_427, %unpack3A_456 : vector<16xf32>
        %add3A_460 = arith.addf %add3A_458, %mul3A_459 : vector<16xf32>
        %add3A_461 = arith.constant 3 : i32
        %add3A_462 = vector.broadcast %add3A_461 : i32 to vector<16xi32>
        %add3A_463 = arith.addi %mul3A_116, %add3A_462 : vector<16xi32>
        %gather3A_464 = tpu.vector_load_idx %arg13[%add3A_463, %broadcast_in_dim3A_423] : memref<640x32xi32, #tpu.memory_space<vmem>>[vector<16xi32>, vector<16xi32>], vector<16xi32>,
        %bitcast3A_465 = vector.bitcast %gather3A_464 : vector<16xi32> to vector<32xbf16>
        %unpack3A_466 = tpu.unpack_subelements %bitcast3A_465, 0 {pack_format = #tpu.pack_format<interleaved>} : vector<32xbf16> -> vector<16xf32>
        %unpack3A_467 = tpu.unpack_subelements %bitcast3A_465, 1 {pack_format = #tpu.pack_format<interleaved>} : vector<32xbf16> -> vector<16xf32>
        %mul3A_468 = arith.mulf %unpack3A_426, %unpack3A_466 : vector<16xf32>
        %add3A_469 = arith.addf %add3A_407, %mul3A_468 : vector<16xf32>
        %mul3A_470 = arith.mulf %unpack3A_427, %unpack3A_467 : vector<16xf32>
        %add3A_471 = arith.addf %add3A_469, %mul3A_470 : vector<16xf32>
        %add3A_472 = arith.constant 4 : i32
        %add3A_473 = vector.broadcast %add3A_472 : i32 to vector<16xi32>
        %add3A_474 = arith.addi %mul3A_116, %add3A_473 : vector<16xi32>
        %gather3A_475 = tpu.vector_load_idx %arg13[%add3A_474, %broadcast_in_dim3A_423] : memref<640x32xi32, #tpu.memory_space<vmem>>[vector<16xi32>, vector<16xi32>], vector<16xi32>,
        %bitcast3A_476 = vector.bitcast %gather3A_475 : vector<16xi32> to vector<32xbf16>
        %unpack3A_477 = tpu.unpack_subelements %bitcast3A_476, 0 {pack_format = #tpu.pack_format<interleaved>} : vector<32xbf16> -> vector<16xf32>
        %unpack3A_478 = tpu.unpack_subelements %bitcast3A_476, 1 {pack_format = #tpu.pack_format<interleaved>} : vector<32xbf16> -> vector<16xf32>
        %mul3A_479 = arith.mulf %unpack3A_426, %unpack3A_477 : vector<16xf32>
        %add3A_480 = arith.addf %add3A_418, %mul3A_479 : vector<16xf32>
        %mul3A_481 = arith.mulf %unpack3A_427, %unpack3A_478 : vector<16xf32>
        %add3A_482 = arith.addf %add3A_480, %mul3A_481 : vector<16xf32>
        %mul3A_483 = arith.constant 4 : i32
        %mul3A_484 = arith.muli %scan3A_288, %mul3A_483 : i32
        %add3A_485 = arith.constant 3 : i32
        %add3A_486 = arith.addi %mul3A_484, %add3A_485 : i32
        %broadcast_in_dim3A_487 = vector.broadcast %add3A_486 : i32 to vector<16xi32>
        %gather3A_488 = tpu.vector_load_idx %arg11[%add3A_113, %broadcast_in_dim3A_487] : memref<128x32xi32, #tpu.memory_space<vmem>>[vector<16xi32>, vector<16xi32>], vector<16xi32>,
        %bitcast3A_489 = vector.bitcast %gather3A_488 : vector<16xi32> to vector<32xbf16>
        %unpack3A_490 = tpu.unpack_subelements %bitcast3A_489, 0 {pack_format = #tpu.pack_format<interleaved>} : vector<32xbf16> -> vector<16xf32>
        %unpack3A_491 = tpu.unpack_subelements %bitcast3A_489, 1 {pack_format = #tpu.pack_format<interleaved>} : vector<32xbf16> -> vector<16xf32>
        %add3A_492 = arith.constant 0 : i32
        %add3A_493 = vector.broadcast %add3A_492 : i32 to vector<16xi32>
        %add3A_494 = arith.addi %mul3A_116, %add3A_493 : vector<16xi32>
        %gather3A_495 = tpu.vector_load_idx %arg13[%add3A_494, %broadcast_in_dim3A_487] : memref<640x32xi32, #tpu.memory_space<vmem>>[vector<16xi32>, vector<16xi32>], vector<16xi32>,
        %bitcast3A_496 = vector.bitcast %gather3A_495 : vector<16xi32> to vector<32xbf16>
        %unpack3A_497 = tpu.unpack_subelements %bitcast3A_496, 0 {pack_format = #tpu.pack_format<interleaved>} : vector<32xbf16> -> vector<16xf32>
        %unpack3A_498 = tpu.unpack_subelements %bitcast3A_496, 1 {pack_format = #tpu.pack_format<interleaved>} : vector<32xbf16> -> vector<16xf32>
        %mul3A_499 = arith.mulf %unpack3A_490, %unpack3A_497 : vector<16xf32>
        %add3A_500 = arith.addf %add3A_438, %mul3A_499 : vector<16xf32>
        %mul3A_501 = arith.mulf %unpack3A_491, %unpack3A_498 : vector<16xf32>
        %add3A_502 = arith.addf %add3A_500, %mul3A_501 : vector<16xf32>
        %add3A_503 = arith.constant 1 : i32
        %add3A_504 = vector.broadcast %add3A_503 : i32 to vector<16xi32>
        %add3A_505 = arith.addi %mul3A_116, %add3A_504 : vector<16xi32>
        %gather3A_506 = tpu.vector_load_idx %arg13[%add3A_505, %broadcast_in_dim3A_487] : memref<640x32xi32, #tpu.memory_space<vmem>>[vector<16xi32>, vector<16xi32>], vector<16xi32>,
        %bitcast3A_507 = vector.bitcast %gather3A_506 : vector<16xi32> to vector<32xbf16>
        %unpack3A_508 = tpu.unpack_subelements %bitcast3A_507, 0 {pack_format = #tpu.pack_format<interleaved>} : vector<32xbf16> -> vector<16xf32>
        %unpack3A_509 = tpu.unpack_subelements %bitcast3A_507, 1 {pack_format = #tpu.pack_format<interleaved>} : vector<32xbf16> -> vector<16xf32>
        %mul3A_510 = arith.mulf %unpack3A_490, %unpack3A_508 : vector<16xf32>
        %add3A_511 = arith.addf %add3A_449, %mul3A_510 : vector<16xf32>
        %mul3A_512 = arith.mulf %unpack3A_491, %unpack3A_509 : vector<16xf32>
        %add3A_513 = arith.addf %add3A_511, %mul3A_512 : vector<16xf32>
        %add3A_514 = arith.constant 2 : i32
        %add3A_515 = vector.broadcast %add3A_514 : i32 to vector<16xi32>
        %add3A_516 = arith.addi %mul3A_116, %add3A_515 : vector<16xi32>
        %gather3A_517 = tpu.vector_load_idx %arg13[%add3A_516, %broadcast_in_dim3A_487] : memref<640x32xi32, #tpu.memory_space<vmem>>[vector<16xi32>, vector<16xi32>], vector<16xi32>,
        %bitcast3A_518 = vector.bitcast %gather3A_517 : vector<16xi32> to vector<32xbf16>
        %unpack3A_519 = tpu.unpack_subelements %bitcast3A_518, 0 {pack_format = #tpu.pack_format<interleaved>} : vector<32xbf16> -> vector<16xf32>
        %unpack3A_520 = tpu.unpack_subelements %bitcast3A_518, 1 {pack_format = #tpu.pack_format<interleaved>} : vector<32xbf16> -> vector<16xf32>
        %mul3A_521 = arith.mulf %unpack3A_490, %unpack3A_519 : vector<16xf32>
        %add3A_522 = arith.addf %add3A_460, %mul3A_521 : vector<16xf32>
        %mul3A_523 = arith.mulf %unpack3A_491, %unpack3A_520 : vector<16xf32>
        %add3A_524 = arith.addf %add3A_522, %mul3A_523 : vector<16xf32>
        %add3A_525 = arith.constant 3 : i32
        %add3A_526 = vector.broadcast %add3A_525 : i32 to vector<16xi32>
        %add3A_527 = arith.addi %mul3A_116, %add3A_526 : vector<16xi32>
        %gather3A_528 = tpu.vector_load_idx %arg13[%add3A_527, %broadcast_in_dim3A_487] : memref<640x32xi32, #tpu.memory_space<vmem>>[vector<16xi32>, vector<16xi32>], vector<16xi32>,
        %bitcast3A_529 = vector.bitcast %gather3A_528 : vector<16xi32> to vector<32xbf16>
        %unpack3A_530 = tpu.unpack_subelements %bitcast3A_529, 0 {pack_format = #tpu.pack_format<interleaved>} : vector<32xbf16> -> vector<16xf32>
        %unpack3A_531 = tpu.unpack_subelements %bitcast3A_529, 1 {pack_format = #tpu.pack_format<interleaved>} : vector<32xbf16> -> vector<16xf32>
        %mul3A_532 = arith.mulf %unpack3A_490, %unpack3A_530 : vector<16xf32>
        %add3A_533 = arith.addf %add3A_471, %mul3A_532 : vector<16xf32>
        %mul3A_534 = arith.mulf %unpack3A_491, %unpack3A_531 : vector<16xf32>
        %add3A_535 = arith.addf %add3A_533, %mul3A_534 : vector<16xf32>
        %add3A_536 = arith.constant 4 : i32
        %add3A_537 = vector.broadcast %add3A_536 : i32 to vector<16xi32>
        %add3A_538 = arith.addi %mul3A_116, %add3A_537 : vector<16xi32>
        %gather3A_539 = tpu.vector_load_idx %arg13[%add3A_538, %broadcast_in_dim3A_487] : memref<640x32xi32, #tpu.memory_space<vmem>>[vector<16xi32>, vector<16xi32>], vector<16xi32>,
        %bitcast3A_540 = vector.bitcast %gather3A_539 : vector<16xi32> to vector<32xbf16>
        %unpack3A_541 = tpu.unpack_subelements %bitcast3A_540, 0 {pack_format = #tpu.pack_format<interleaved>} : vector<32xbf16> -> vector<16xf32>
        %unpack3A_542 = tpu.unpack_subelements %bitcast3A_540, 1 {pack_format = #tpu.pack_format<interleaved>} : vector<32xbf16> -> vector<16xf32>
        %mul3A_543 = arith.mulf %unpack3A_490, %unpack3A_541 : vector<16xf32>
        %add3A_544 = arith.addf %add3A_482, %mul3A_543 : vector<16xf32>
        %mul3A_545 = arith.mulf %unpack3A_491, %unpack3A_542 : vector<16xf32>
        %add3A_546 = arith.addf %add3A_544, %mul3A_545 : vector<16xf32>
        scf.yield %add3A_502, %add3A_513, %add3A_524, %add3A_535, %add3A_546 : vector<16xf32>, vector<16xf32>, vector<16xf32>, vector<16xf32>, vector<16xf32>
      }
      %scan3A_137 = arith.constant 8 : i32
      %broadcast_in_dim3A_138 = arith.constant 0.000000e+00 : f32
      %broadcast_in_dim3A_139 = vector.broadcast %broadcast_in_dim3A_138 : f32 to vector<16xf32>
      %sub3A = arith.subf %scan3A_136#1, %scan3A_136#0 : vector<16xf32>
      %max3A = arith.constant 0.000000e+00 : f32
      %max3A_140 = vector.broadcast %max3A : f32 to vector<16xf32>
      %max3A_141 = arith.maximumf %sub3A, %max3A_140 : vector<16xf32>
      %abs3A = math.absf %sub3A : vector<16xf32>
      %neg3A = arith.constant 0.000000e+00 : f32
      %neg3A_142 = vector.broadcast %neg3A : f32 to vector<16xf32>
      %neg3A_143 = arith.subf %neg3A_142, %abs3A : vector<16xf32>
      %exp3A = math.exp %neg3A_143 : vector<16xf32>
      %add3A_144 = arith.constant 2.000000e+00 : f32
      %add3A_145 = vector.broadcast %add3A_144 : f32 to vector<16xf32>
      %add3A_146 = arith.addf %exp3A, %add3A_145 : vector<16xf32>
      %div3A = arith.divf %exp3A, %add3A_146 : vector<16xf32>
      %mul3A_147 = arith.mulf %div3A, %div3A : vector<16xf32>
      %mul3A_148 = arith.constant 0.111111112 : f32
      %mul3A_149 = vector.broadcast %mul3A_148 : f32 to vector<16xf32>
      %mul3A_150 = arith.mulf %mul3A_147, %mul3A_149 : vector<16xf32>
      %add3A_151 = arith.constant 0.142857149 : f32
      %add3A_152 = vector.broadcast %add3A_151 : f32 to vector<16xf32>
      %add3A_153 = arith.addf %add3A_152, %mul3A_150 : vector<16xf32>
      %mul3A_154 = arith.mulf %mul3A_147, %add3A_153 : vector<16xf32>
      %add3A_155 = arith.constant 2.000000e-01 : f32
      %add3A_156 = vector.broadcast %add3A_155 : f32 to vector<16xf32>
      %add3A_157 = arith.addf %add3A_156, %mul3A_154 : vector<16xf32>
      %mul3A_158 = arith.mulf %mul3A_147, %add3A_157 : vector<16xf32>
      %add3A_159 = arith.constant 0.333333343 : f32
      %add3A_160 = vector.broadcast %add3A_159 : f32 to vector<16xf32>
      %add3A_161 = arith.addf %add3A_160, %mul3A_158 : vector<16xf32>
      %mul3A_162 = arith.mulf %mul3A_147, %add3A_161 : vector<16xf32>
      %add3A_163 = arith.constant 1.000000e+00 : f32
      %add3A_164 = vector.broadcast %add3A_163 : f32 to vector<16xf32>
      %add3A_165 = arith.addf %add3A_164, %mul3A_162 : vector<16xf32>
      %mul3A_166 = arith.constant 2.000000e+00 : f32
      %mul3A_167 = vector.broadcast %mul3A_166 : f32 to vector<16xf32>
      %mul3A_168 = arith.mulf %mul3A_167, %div3A : vector<16xf32>
      %mul3A_169 = arith.mulf %mul3A_168, %add3A_165 : vector<16xf32>
      %add3A_170 = arith.addf %max3A_141, %mul3A_169 : vector<16xf32>
      %add3A_171 = arith.addf %broadcast_in_dim3A_139, %add3A_170 : vector<16xf32>
      %sub3A_172 = arith.subf %scan3A_136#2, %scan3A_136#0 : vector<16xf32>
      %max3A_173 = arith.constant 0.000000e+00 : f32
      %max3A_174 = vector.broadcast %max3A_173 : f32 to vector<16xf32>
      %max3A_175 = arith.maximumf %sub3A_172, %max3A_174 : vector<16xf32>
      %abs3A_176 = math.absf %sub3A_172 : vector<16xf32>
      %neg3A_177 = arith.constant 0.000000e+00 : f32
      %neg3A_178 = vector.broadcast %neg3A_177 : f32 to vector<16xf32>
      %neg3A_179 = arith.subf %neg3A_178, %abs3A_176 : vector<16xf32>
      %exp3A_180 = math.exp %neg3A_179 : vector<16xf32>
      %add3A_181 = arith.constant 2.000000e+00 : f32
      %add3A_182 = vector.broadcast %add3A_181 : f32 to vector<16xf32>
      %add3A_183 = arith.addf %exp3A_180, %add3A_182 : vector<16xf32>
      %div3A_184 = arith.divf %exp3A_180, %add3A_183 : vector<16xf32>
      %mul3A_185 = arith.mulf %div3A_184, %div3A_184 : vector<16xf32>
      %mul3A_186 = arith.constant 0.111111112 : f32
      %mul3A_187 = vector.broadcast %mul3A_186 : f32 to vector<16xf32>
      %mul3A_188 = arith.mulf %mul3A_185, %mul3A_187 : vector<16xf32>
      %add3A_189 = arith.constant 0.142857149 : f32
      %add3A_190 = vector.broadcast %add3A_189 : f32 to vector<16xf32>
      %add3A_191 = arith.addf %add3A_190, %mul3A_188 : vector<16xf32>
      %mul3A_192 = arith.mulf %mul3A_185, %add3A_191 : vector<16xf32>
      %add3A_193 = arith.constant 2.000000e-01 : f32
      %add3A_194 = vector.broadcast %add3A_193 : f32 to vector<16xf32>
      %add3A_195 = arith.addf %add3A_194, %mul3A_192 : vector<16xf32>
      %mul3A_196 = arith.mulf %mul3A_185, %add3A_195 : vector<16xf32>
      %add3A_197 = arith.constant 0.333333343 : f32
      %add3A_198 = vector.broadcast %add3A_197 : f32 to vector<16xf32>
      %add3A_199 = arith.addf %add3A_198, %mul3A_196 : vector<16xf32>
      %mul3A_200 = arith.mulf %mul3A_185, %add3A_199 : vector<16xf32>
      %add3A_201 = arith.constant 1.000000e+00 : f32
      %add3A_202 = vector.broadcast %add3A_201 : f32 to vector<16xf32>
      %add3A_203 = arith.addf %add3A_202, %mul3A_200 : vector<16xf32>
      %mul3A_204 = arith.constant 2.000000e+00 : f32
      %mul3A_205 = vector.broadcast %mul3A_204 : f32 to vector<16xf32>
      %mul3A_206 = arith.mulf %mul3A_205, %div3A_184 : vector<16xf32>
      %mul3A_207 = arith.mulf %mul3A_206, %add3A_203 : vector<16xf32>
      %add3A_208 = arith.addf %max3A_175, %mul3A_207 : vector<16xf32>
      %add3A_209 = arith.addf %add3A_171, %add3A_208 : vector<16xf32>
      %sub3A_210 = arith.subf %scan3A_136#3, %scan3A_136#0 : vector<16xf32>
      %max3A_211 = arith.constant 0.000000e+00 : f32
      %max3A_212 = vector.broadcast %max3A_211 : f32 to vector<16xf32>
      %max3A_213 = arith.maximumf %sub3A_210, %max3A_212 : vector<16xf32>
      %abs3A_214 = math.absf %sub3A_210 : vector<16xf32>
      %neg3A_215 = arith.constant 0.000000e+00 : f32
      %neg3A_216 = vector.broadcast %neg3A_215 : f32 to vector<16xf32>
      %neg3A_217 = arith.subf %neg3A_216, %abs3A_214 : vector<16xf32>
      %exp3A_218 = math.exp %neg3A_217 : vector<16xf32>
      %add3A_219 = arith.constant 2.000000e+00 : f32
      %add3A_220 = vector.broadcast %add3A_219 : f32 to vector<16xf32>
      %add3A_221 = arith.addf %exp3A_218, %add3A_220 : vector<16xf32>
      %div3A_222 = arith.divf %exp3A_218, %add3A_221 : vector<16xf32>
      %mul3A_223 = arith.mulf %div3A_222, %div3A_222 : vector<16xf32>
      %mul3A_224 = arith.constant 0.111111112 : f32
      %mul3A_225 = vector.broadcast %mul3A_224 : f32 to vector<16xf32>
      %mul3A_226 = arith.mulf %mul3A_223, %mul3A_225 : vector<16xf32>
      %add3A_227 = arith.constant 0.142857149 : f32
      %add3A_228 = vector.broadcast %add3A_227 : f32 to vector<16xf32>
      %add3A_229 = arith.addf %add3A_228, %mul3A_226 : vector<16xf32>
      %mul3A_230 = arith.mulf %mul3A_223, %add3A_229 : vector<16xf32>
      %add3A_231 = arith.constant 2.000000e-01 : f32
      %add3A_232 = vector.broadcast %add3A_231 : f32 to vector<16xf32>
      %add3A_233 = arith.addf %add3A_232, %mul3A_230 : vector<16xf32>
      %mul3A_234 = arith.mulf %mul3A_223, %add3A_233 : vector<16xf32>
      %add3A_235 = arith.constant 0.333333343 : f32
      %add3A_236 = vector.broadcast %add3A_235 : f32 to vector<16xf32>
      %add3A_237 = arith.addf %add3A_236, %mul3A_234 : vector<16xf32>
      %mul3A_238 = arith.mulf %mul3A_223, %add3A_237 : vector<16xf32>
      %add3A_239 = arith.constant 1.000000e+00 : f32
      %add3A_240 = vector.broadcast %add3A_239 : f32 to vector<16xf32>
      %add3A_241 = arith.addf %add3A_240, %mul3A_238 : vector<16xf32>
      %mul3A_242 = arith.constant 2.000000e+00 : f32
      %mul3A_243 = vector.broadcast %mul3A_242 : f32 to vector<16xf32>
      %mul3A_244 = arith.mulf %mul3A_243, %div3A_222 : vector<16xf32>
      %mul3A_245 = arith.mulf %mul3A_244, %add3A_241 : vector<16xf32>
      %add3A_246 = arith.addf %max3A_213, %mul3A_245 : vector<16xf32>
      %add3A_247 = arith.addf %add3A_209, %add3A_246 : vector<16xf32>
      %sub3A_248 = arith.subf %scan3A_136#4, %scan3A_136#0 : vector<16xf32>
      %max3A_249 = arith.constant 0.000000e+00 : f32
      %max3A_250 = vector.broadcast %max3A_249 : f32 to vector<16xf32>
      %max3A_251 = arith.maximumf %sub3A_248, %max3A_250 : vector<16xf32>
      %abs3A_252 = math.absf %sub3A_248 : vector<16xf32>
      %neg3A_253 = arith.constant 0.000000e+00 : f32
      %neg3A_254 = vector.broadcast %neg3A_253 : f32 to vector<16xf32>
      %neg3A_255 = arith.subf %neg3A_254, %abs3A_252 : vector<16xf32>
      %exp3A_256 = math.exp %neg3A_255 : vector<16xf32>
      %add3A_257 = arith.constant 2.000000e+00 : f32
      %add3A_258 = vector.broadcast %add3A_257 : f32 to vector<16xf32>
      %add3A_259 = arith.addf %exp3A_256, %add3A_258 : vector<16xf32>
      %div3A_260 = arith.divf %exp3A_256, %add3A_259 : vector<16xf32>
      %mul3A_261 = arith.mulf %div3A_260, %div3A_260 : vector<16xf32>
      %mul3A_262 = arith.constant 0.111111112 : f32
      %mul3A_263 = vector.broadcast %mul3A_262 : f32 to vector<16xf32>
      %mul3A_264 = arith.mulf %mul3A_261, %mul3A_263 : vector<16xf32>
      %add3A_265 = arith.constant 0.142857149 : f32
      %add3A_266 = vector.broadcast %add3A_265 : f32 to vector<16xf32>
      %add3A_267 = arith.addf %add3A_266, %mul3A_264 : vector<16xf32>
      %mul3A_268 = arith.mulf %mul3A_261, %add3A_267 : vector<16xf32>
      %add3A_269 = arith.constant 2.000000e-01 : f32
      %add3A_270 = vector.broadcast %add3A_269 : f32 to vector<16xf32>
      %add3A_271 = arith.addf %add3A_270, %mul3A_268 : vector<16xf32>
      %mul3A_272 = arith.mulf %mul3A_261, %add3A_271 : vector<16xf32>
      %add3A_273 = arith.constant 0.333333343 : f32
      %add3A_274 = vector.broadcast %add3A_273 : f32 to vector<16xf32>
      %add3A_275 = arith.addf %add3A_274, %mul3A_272 : vector<16xf32>
      %mul3A_276 = arith.mulf %mul3A_261, %add3A_275 : vector<16xf32>
      %add3A_277 = arith.constant 1.000000e+00 : f32
      %add3A_278 = vector.broadcast %add3A_277 : f32 to vector<16xf32>
      %add3A_279 = arith.addf %add3A_278, %mul3A_276 : vector<16xf32>
      %mul3A_280 = arith.constant 2.000000e+00 : f32
      %mul3A_281 = vector.broadcast %mul3A_280 : f32 to vector<16xf32>
      %mul3A_282 = arith.mulf %mul3A_281, %div3A_260 : vector<16xf32>
      %mul3A_283 = arith.mulf %mul3A_282, %add3A_279 : vector<16xf32>
      %add3A_284 = arith.addf %max3A_251, %mul3A_283 : vector<16xf32>
      %add3A_285 = arith.addf %add3A_247, %add3A_284 : vector<16xf32>
      %mul3A_286 = arith.mulf %get3A_121, %add3A_285 : vector<16xf32>
      %add3A_287 = arith.addf %scan3A_109, %mul3A_286 : vector<16xf32>
      scf.yield %add3A_287 : vector<16xf32>
    }
    %scan3A_38 = arith.constant 8 : i32
    %dma_start3A_39 = arith.constant 256 : i32
    %dma_start3A_40 = tpu.memref_slice %arg8[%dma_start3A_39] : memref<512xi32, #tpu.memory_space<vmem>> -> memref<128xi32, #tpu.memory_space<vmem>>
    %dma_start3A_41 = arith.constant 0 : i32
    %dma_start3A_42 = arith.constant 0 : i32
    %dma_start3A_43 = tpu.memref_slice %arg2[%dma_start3A_41, %dma_start3A_42] : memref<100000x32xi32, #tpu.memory_space<hbm>> -> memref<100000x32xi32, #tpu.memory_space<hbm>>
    tpu.enqueue_indirect_dma source(%dma_start3A_43 : memref<100000x32xi32, #tpu.memory_space<hbm>>) target(%arg11 : memref<128x32xi32, #tpu.memory_space<vmem>>) offsets(%dma_start3A_40 : memref<128xi32, #tpu.memory_space<vmem>>) semaphore(%arg16 : memref<!tpu.dma_semaphore, #tpu.memory_space<semaphore_mem>>)
    %dma_start3A_44 = arith.constant 1280 : i32
    %dma_start3A_45 = tpu.memref_slice %arg9[%dma_start3A_44] : memref<2560xi32, #tpu.memory_space<vmem>> -> memref<640xi32, #tpu.memory_space<vmem>>
    %dma_start3A_46 = arith.constant 0 : i32
    %dma_start3A_47 = arith.constant 0 : i32
    %dma_start3A_48 = tpu.memref_slice %arg3[%dma_start3A_46, %dma_start3A_47] : memref<1000000x32xi32, #tpu.memory_space<hbm>> -> memref<1000000x32xi32, #tpu.memory_space<hbm>>
    tpu.enqueue_indirect_dma source(%dma_start3A_48 : memref<1000000x32xi32, #tpu.memory_space<hbm>>) target(%arg13 : memref<640x32xi32, #tpu.memory_space<vmem>>) offsets(%dma_start3A_45 : memref<640xi32, #tpu.memory_space<vmem>>) semaphore(%arg16 : memref<!tpu.dma_semaphore, #tpu.memory_space<semaphore_mem>>)
    %dma_wait3A_49 = arith.constant 128 : i32
    %dma_wait3A_50 = tpu.memref_slice %arg8[%dma_wait3A_49] : memref<512xi32, #tpu.memory_space<vmem>> -> memref<128xi32, #tpu.memory_space<vmem>>
    %dma_wait3A_51 = arith.constant 0 : i32
    %dma_wait3A_52 = arith.constant 0 : i32
    %dma_wait3A_53 = tpu.memref_slice %arg2[%dma_wait3A_51, %dma_wait3A_52] : memref<100000x32xi32, #tpu.memory_space<hbm>> -> memref<100000x32xi32, #tpu.memory_space<hbm>>
    tpu.wait_indirect_dma semaphore(%arg17 : memref<!tpu.dma_semaphore, #tpu.memory_space<semaphore_mem>>) src(%dma_wait3A_53 : memref<100000x32xi32, #tpu.memory_space<hbm>>) dst(%arg12 : memref<128x32xi32, #tpu.memory_space<vmem>>)
    %dma_wait3A_54 = arith.constant 640 : i32
    %dma_wait3A_55 = tpu.memref_slice %arg9[%dma_wait3A_54] : memref<2560xi32, #tpu.memory_space<vmem>> -> memref<640xi32, #tpu.memory_space<vmem>>
    %dma_wait3A_56 = arith.constant 0 : i32
    %dma_wait3A_57 = arith.constant 0 : i32
    %dma_wait3A_58 = tpu.memref_slice %arg3[%dma_wait3A_56, %dma_wait3A_57] : memref<1000000x32xi32, #tpu.memory_space<hbm>> -> memref<1000000x32xi32, #tpu.memory_space<hbm>>
    tpu.wait_indirect_dma semaphore(%arg17 : memref<!tpu.dma_semaphore, #tpu.memory_space<semaphore_mem>>) src(%dma_wait3A_58 : memref<1000000x32xi32, #tpu.memory_space<hbm>>) dst(%arg14 : memref<640x32xi32, #tpu.memory_space<vmem>>)
    %scan3A_59 = arith.constant 0 : i32
    %scan3A_60 = arith.constant 8 : i32
    %scan3A_61 = arith.addi %scan3A_59, %scan3A_60 : i32
    %scan3A_62 = arith.constant 1 : i32
    %scan3A_63 = scf.for %scan3A_108 = %scan3A_59 to %scan3A_61 step %scan3A_62 iter_args(%scan3A_109 = %scan3A_37) -> (vector<16xf32>)  : i32 {
      %mul3A_110 = arith.constant 16 : i32
      %mul3A_111 = arith.muli %scan3A_108, %mul3A_110 : i32
      %add3A_112 = vector.broadcast %mul3A_111 : i32 to vector<16xi32>
      %add3A_113 = arith.addi %add3A_112, %iota3A : vector<16xi32>
      %mul3A_114 = arith.constant 5 : i32
      %mul3A_115 = vector.broadcast %mul3A_114 : i32 to vector<16xi32>
      %mul3A_116 = arith.muli %add3A_113, %mul3A_115 : vector<16xi32>
      %mul3A_117 = arith.constant 16 : i32
      %mul3A_118 = arith.muli %scan3A_108, %mul3A_117 : i32
      %add3A_119 = arith.constant 128 : i32
      %add3A_120 = arith.addi %add3A_119, %mul3A_118 : i32
      %get3A = arith.index_cast %add3A_120 : i32 to index
      %get3A_121 = tpu.vector_load %arg10[%get3A] {strides = array<i32>} : memref<512xf32, #tpu.memory_space<vmem>>, vector<16xf32>,
      %broadcast_in_dim3A_122 = arith.constant 0.000000e+00 : f32
      %broadcast_in_dim3A_123 = vector.broadcast %broadcast_in_dim3A_122 : f32 to vector<16xf32>
      %broadcast_in_dim3A_124 = arith.constant 0.000000e+00 : f32
      %broadcast_in_dim3A_125 = vector.broadcast %broadcast_in_dim3A_124 : f32 to vector<16xf32>
      %broadcast_in_dim3A_126 = arith.constant 0.000000e+00 : f32
      %broadcast_in_dim3A_127 = vector.broadcast %broadcast_in_dim3A_126 : f32 to vector<16xf32>
      %broadcast_in_dim3A_128 = arith.constant 0.000000e+00 : f32
      %broadcast_in_dim3A_129 = vector.broadcast %broadcast_in_dim3A_128 : f32 to vector<16xf32>
      %broadcast_in_dim3A_130 = arith.constant 0.000000e+00 : f32
      %broadcast_in_dim3A_131 = vector.broadcast %broadcast_in_dim3A_130 : f32 to vector<16xf32>
      %scan3A_132 = arith.constant 0 : i32
      %scan3A_133 = arith.constant 8 : i32
      %scan3A_134 = arith.addi %scan3A_132, %scan3A_133 : i32
      %scan3A_135 = arith.constant 1 : i32
      %scan3A_136:5 = scf.for %scan3A_288 = %scan3A_132 to %scan3A_134 step %scan3A_135 iter_args(%scan3A_289 = %broadcast_in_dim3A_123, %scan3A_290 = %broadcast_in_dim3A_125, %scan3A_291 = %broadcast_in_dim3A_127, %scan3A_292 = %broadcast_in_dim3A_129, %scan3A_293 = %broadcast_in_dim3A_131) -> (vector<16xf32>, vector<16xf32>, vector<16xf32>, vector<16xf32>, vector<16xf32>)  : i32 {
        %mul3A_294 = arith.constant 4 : i32
        %mul3A_295 = arith.muli %scan3A_288, %mul3A_294 : i32
        %add3A_296 = arith.constant 0 : i32
        %add3A_297 = arith.addi %mul3A_295, %add3A_296 : i32
        %broadcast_in_dim3A_298 = vector.broadcast %add3A_297 : i32 to vector<16xi32>
        %gather3A = tpu.vector_load_idx %arg12[%add3A_113, %broadcast_in_dim3A_298] : memref<128x32xi32, #tpu.memory_space<vmem>>[vector<16xi32>, vector<16xi32>], vector<16xi32>,
        %bitcast3A = vector.bitcast %gather3A : vector<16xi32> to vector<32xbf16>
        %unpack3A = tpu.unpack_subelements %bitcast3A, 0 {pack_format = #tpu.pack_format<interleaved>} : vector<32xbf16> -> vector<16xf32>
        %unpack3A_299 = tpu.unpack_subelements %bitcast3A, 1 {pack_format = #tpu.pack_format<interleaved>} : vector<32xbf16> -> vector<16xf32>
        %add3A_300 = arith.constant 0 : i32
        %add3A_301 = vector.broadcast %add3A_300 : i32 to vector<16xi32>
        %add3A_302 = arith.addi %mul3A_116, %add3A_301 : vector<16xi32>
        %gather3A_303 = tpu.vector_load_idx %arg14[%add3A_302, %broadcast_in_dim3A_298] : memref<640x32xi32, #tpu.memory_space<vmem>>[vector<16xi32>, vector<16xi32>], vector<16xi32>,
        %bitcast3A_304 = vector.bitcast %gather3A_303 : vector<16xi32> to vector<32xbf16>
        %unpack3A_305 = tpu.unpack_subelements %bitcast3A_304, 0 {pack_format = #tpu.pack_format<interleaved>} : vector<32xbf16> -> vector<16xf32>
        %unpack3A_306 = tpu.unpack_subelements %bitcast3A_304, 1 {pack_format = #tpu.pack_format<interleaved>} : vector<32xbf16> -> vector<16xf32>
        %mul3A_307 = arith.mulf %unpack3A, %unpack3A_305 : vector<16xf32>
        %add3A_308 = arith.addf %scan3A_289, %mul3A_307 : vector<16xf32>
        %mul3A_309 = arith.mulf %unpack3A_299, %unpack3A_306 : vector<16xf32>
        %add3A_310 = arith.addf %add3A_308, %mul3A_309 : vector<16xf32>
        %add3A_311 = arith.constant 1 : i32
        %add3A_312 = vector.broadcast %add3A_311 : i32 to vector<16xi32>
        %add3A_313 = arith.addi %mul3A_116, %add3A_312 : vector<16xi32>
        %gather3A_314 = tpu.vector_load_idx %arg14[%add3A_313, %broadcast_in_dim3A_298] : memref<640x32xi32, #tpu.memory_space<vmem>>[vector<16xi32>, vector<16xi32>], vector<16xi32>,
        %bitcast3A_315 = vector.bitcast %gather3A_314 : vector<16xi32> to vector<32xbf16>
        %unpack3A_316 = tpu.unpack_subelements %bitcast3A_315, 0 {pack_format = #tpu.pack_format<interleaved>} : vector<32xbf16> -> vector<16xf32>
        %unpack3A_317 = tpu.unpack_subelements %bitcast3A_315, 1 {pack_format = #tpu.pack_format<interleaved>} : vector<32xbf16> -> vector<16xf32>
        %mul3A_318 = arith.mulf %unpack3A, %unpack3A_316 : vector<16xf32>
        %add3A_319 = arith.addf %scan3A_290, %mul3A_318 : vector<16xf32>
        %mul3A_320 = arith.mulf %unpack3A_299, %unpack3A_317 : vector<16xf32>
        %add3A_321 = arith.addf %add3A_319, %mul3A_320 : vector<16xf32>
        %add3A_322 = arith.constant 2 : i32
        %add3A_323 = vector.broadcast %add3A_322 : i32 to vector<16xi32>
        %add3A_324 = arith.addi %mul3A_116, %add3A_323 : vector<16xi32>
        %gather3A_325 = tpu.vector_load_idx %arg14[%add3A_324, %broadcast_in_dim3A_298] : memref<640x32xi32, #tpu.memory_space<vmem>>[vector<16xi32>, vector<16xi32>], vector<16xi32>,
        %bitcast3A_326 = vector.bitcast %gather3A_325 : vector<16xi32> to vector<32xbf16>
        %unpack3A_327 = tpu.unpack_subelements %bitcast3A_326, 0 {pack_format = #tpu.pack_format<interleaved>} : vector<32xbf16> -> vector<16xf32>
        %unpack3A_328 = tpu.unpack_subelements %bitcast3A_326, 1 {pack_format = #tpu.pack_format<interleaved>} : vector<32xbf16> -> vector<16xf32>
        %mul3A_329 = arith.mulf %unpack3A, %unpack3A_327 : vector<16xf32>
        %add3A_330 = arith.addf %scan3A_291, %mul3A_329 : vector<16xf32>
        %mul3A_331 = arith.mulf %unpack3A_299, %unpack3A_328 : vector<16xf32>
        %add3A_332 = arith.addf %add3A_330, %mul3A_331 : vector<16xf32>
        %add3A_333 = arith.constant 3 : i32
        %add3A_334 = vector.broadcast %add3A_333 : i32 to vector<16xi32>
        %add3A_335 = arith.addi %mul3A_116, %add3A_334 : vector<16xi32>
        %gather3A_336 = tpu.vector_load_idx %arg14[%add3A_335, %broadcast_in_dim3A_298] : memref<640x32xi32, #tpu.memory_space<vmem>>[vector<16xi32>, vector<16xi32>], vector<16xi32>,
        %bitcast3A_337 = vector.bitcast %gather3A_336 : vector<16xi32> to vector<32xbf16>
        %unpack3A_338 = tpu.unpack_subelements %bitcast3A_337, 0 {pack_format = #tpu.pack_format<interleaved>} : vector<32xbf16> -> vector<16xf32>
        %unpack3A_339 = tpu.unpack_subelements %bitcast3A_337, 1 {pack_format = #tpu.pack_format<interleaved>} : vector<32xbf16> -> vector<16xf32>
        %mul3A_340 = arith.mulf %unpack3A, %unpack3A_338 : vector<16xf32>
        %add3A_341 = arith.addf %scan3A_292, %mul3A_340 : vector<16xf32>
        %mul3A_342 = arith.mulf %unpack3A_299, %unpack3A_339 : vector<16xf32>
        %add3A_343 = arith.addf %add3A_341, %mul3A_342 : vector<16xf32>
        %add3A_344 = arith.constant 4 : i32
        %add3A_345 = vector.broadcast %add3A_344 : i32 to vector<16xi32>
        %add3A_346 = arith.addi %mul3A_116, %add3A_345 : vector<16xi32>
        %gather3A_347 = tpu.vector_load_idx %arg14[%add3A_346, %broadcast_in_dim3A_298] : memref<640x32xi32, #tpu.memory_space<vmem>>[vector<16xi32>, vector<16xi32>], vector<16xi32>,
        %bitcast3A_348 = vector.bitcast %gather3A_347 : vector<16xi32> to vector<32xbf16>
        %unpack3A_349 = tpu.unpack_subelements %bitcast3A_348, 0 {pack_format = #tpu.pack_format<interleaved>} : vector<32xbf16> -> vector<16xf32>
        %unpack3A_350 = tpu.unpack_subelements %bitcast3A_348, 1 {pack_format = #tpu.pack_format<interleaved>} : vector<32xbf16> -> vector<16xf32>
        %mul3A_351 = arith.mulf %unpack3A, %unpack3A_349 : vector<16xf32>
        %add3A_352 = arith.addf %scan3A_293, %mul3A_351 : vector<16xf32>
        %mul3A_353 = arith.mulf %unpack3A_299, %unpack3A_350 : vector<16xf32>
        %add3A_354 = arith.addf %add3A_352, %mul3A_353 : vector<16xf32>
        %mul3A_355 = arith.constant 4 : i32
        %mul3A_356 = arith.muli %scan3A_288, %mul3A_355 : i32
        %add3A_357 = arith.constant 1 : i32
        %add3A_358 = arith.addi %mul3A_356, %add3A_357 : i32
        %broadcast_in_dim3A_359 = vector.broadcast %add3A_358 : i32 to vector<16xi32>
        %gather3A_360 = tpu.vector_load_idx %arg12[%add3A_113, %broadcast_in_dim3A_359] : memref<128x32xi32, #tpu.memory_space<vmem>>[vector<16xi32>, vector<16xi32>], vector<16xi32>,
        %bitcast3A_361 = vector.bitcast %gather3A_360 : vector<16xi32> to vector<32xbf16>
        %unpack3A_362 = tpu.unpack_subelements %bitcast3A_361, 0 {pack_format = #tpu.pack_format<interleaved>} : vector<32xbf16> -> vector<16xf32>
        %unpack3A_363 = tpu.unpack_subelements %bitcast3A_361, 1 {pack_format = #tpu.pack_format<interleaved>} : vector<32xbf16> -> vector<16xf32>
        %add3A_364 = arith.constant 0 : i32
        %add3A_365 = vector.broadcast %add3A_364 : i32 to vector<16xi32>
        %add3A_366 = arith.addi %mul3A_116, %add3A_365 : vector<16xi32>
        %gather3A_367 = tpu.vector_load_idx %arg14[%add3A_366, %broadcast_in_dim3A_359] : memref<640x32xi32, #tpu.memory_space<vmem>>[vector<16xi32>, vector<16xi32>], vector<16xi32>,
        %bitcast3A_368 = vector.bitcast %gather3A_367 : vector<16xi32> to vector<32xbf16>
        %unpack3A_369 = tpu.unpack_subelements %bitcast3A_368, 0 {pack_format = #tpu.pack_format<interleaved>} : vector<32xbf16> -> vector<16xf32>
        %unpack3A_370 = tpu.unpack_subelements %bitcast3A_368, 1 {pack_format = #tpu.pack_format<interleaved>} : vector<32xbf16> -> vector<16xf32>
        %mul3A_371 = arith.mulf %unpack3A_362, %unpack3A_369 : vector<16xf32>
        %add3A_372 = arith.addf %add3A_310, %mul3A_371 : vector<16xf32>
        %mul3A_373 = arith.mulf %unpack3A_363, %unpack3A_370 : vector<16xf32>
        %add3A_374 = arith.addf %add3A_372, %mul3A_373 : vector<16xf32>
        %add3A_375 = arith.constant 1 : i32
        %add3A_376 = vector.broadcast %add3A_375 : i32 to vector<16xi32>
        %add3A_377 = arith.addi %mul3A_116, %add3A_376 : vector<16xi32>
        %gather3A_378 = tpu.vector_load_idx %arg14[%add3A_377, %broadcast_in_dim3A_359] : memref<640x32xi32, #tpu.memory_space<vmem>>[vector<16xi32>, vector<16xi32>], vector<16xi32>,
        %bitcast3A_379 = vector.bitcast %gather3A_378 : vector<16xi32> to vector<32xbf16>
        %unpack3A_380 = tpu.unpack_subelements %bitcast3A_379, 0 {pack_format = #tpu.pack_format<interleaved>} : vector<32xbf16> -> vector<16xf32>
        %unpack3A_381 = tpu.unpack_subelements %bitcast3A_379, 1 {pack_format = #tpu.pack_format<interleaved>} : vector<32xbf16> -> vector<16xf32>
        %mul3A_382 = arith.mulf %unpack3A_362, %unpack3A_380 : vector<16xf32>
        %add3A_383 = arith.addf %add3A_321, %mul3A_382 : vector<16xf32>
        %mul3A_384 = arith.mulf %unpack3A_363, %unpack3A_381 : vector<16xf32>
        %add3A_385 = arith.addf %add3A_383, %mul3A_384 : vector<16xf32>
        %add3A_386 = arith.constant 2 : i32
        %add3A_387 = vector.broadcast %add3A_386 : i32 to vector<16xi32>
        %add3A_388 = arith.addi %mul3A_116, %add3A_387 : vector<16xi32>
        %gather3A_389 = tpu.vector_load_idx %arg14[%add3A_388, %broadcast_in_dim3A_359] : memref<640x32xi32, #tpu.memory_space<vmem>>[vector<16xi32>, vector<16xi32>], vector<16xi32>,
        %bitcast3A_390 = vector.bitcast %gather3A_389 : vector<16xi32> to vector<32xbf16>
        %unpack3A_391 = tpu.unpack_subelements %bitcast3A_390, 0 {pack_format = #tpu.pack_format<interleaved>} : vector<32xbf16> -> vector<16xf32>
        %unpack3A_392 = tpu.unpack_subelements %bitcast3A_390, 1 {pack_format = #tpu.pack_format<interleaved>} : vector<32xbf16> -> vector<16xf32>
        %mul3A_393 = arith.mulf %unpack3A_362, %unpack3A_391 : vector<16xf32>
        %add3A_394 = arith.addf %add3A_332, %mul3A_393 : vector<16xf32>
        %mul3A_395 = arith.mulf %unpack3A_363, %unpack3A_392 : vector<16xf32>
        %add3A_396 = arith.addf %add3A_394, %mul3A_395 : vector<16xf32>
        %add3A_397 = arith.constant 3 : i32
        %add3A_398 = vector.broadcast %add3A_397 : i32 to vector<16xi32>
        %add3A_399 = arith.addi %mul3A_116, %add3A_398 : vector<16xi32>
        %gather3A_400 = tpu.vector_load_idx %arg14[%add3A_399, %broadcast_in_dim3A_359] : memref<640x32xi32, #tpu.memory_space<vmem>>[vector<16xi32>, vector<16xi32>], vector<16xi32>,
        %bitcast3A_401 = vector.bitcast %gather3A_400 : vector<16xi32> to vector<32xbf16>
        %unpack3A_402 = tpu.unpack_subelements %bitcast3A_401, 0 {pack_format = #tpu.pack_format<interleaved>} : vector<32xbf16> -> vector<16xf32>
        %unpack3A_403 = tpu.unpack_subelements %bitcast3A_401, 1 {pack_format = #tpu.pack_format<interleaved>} : vector<32xbf16> -> vector<16xf32>
        %mul3A_404 = arith.mulf %unpack3A_362, %unpack3A_402 : vector<16xf32>
        %add3A_405 = arith.addf %add3A_343, %mul3A_404 : vector<16xf32>
        %mul3A_406 = arith.mulf %unpack3A_363, %unpack3A_403 : vector<16xf32>
        %add3A_407 = arith.addf %add3A_405, %mul3A_406 : vector<16xf32>
        %add3A_408 = arith.constant 4 : i32
        %add3A_409 = vector.broadcast %add3A_408 : i32 to vector<16xi32>
        %add3A_410 = arith.addi %mul3A_116, %add3A_409 : vector<16xi32>
        %gather3A_411 = tpu.vector_load_idx %arg14[%add3A_410, %broadcast_in_dim3A_359] : memref<640x32xi32, #tpu.memory_space<vmem>>[vector<16xi32>, vector<16xi32>], vector<16xi32>,
        %bitcast3A_412 = vector.bitcast %gather3A_411 : vector<16xi32> to vector<32xbf16>
        %unpack3A_413 = tpu.unpack_subelements %bitcast3A_412, 0 {pack_format = #tpu.pack_format<interleaved>} : vector<32xbf16> -> vector<16xf32>
        %unpack3A_414 = tpu.unpack_subelements %bitcast3A_412, 1 {pack_format = #tpu.pack_format<interleaved>} : vector<32xbf16> -> vector<16xf32>
        %mul3A_415 = arith.mulf %unpack3A_362, %unpack3A_413 : vector<16xf32>
        %add3A_416 = arith.addf %add3A_354, %mul3A_415 : vector<16xf32>
        %mul3A_417 = arith.mulf %unpack3A_363, %unpack3A_414 : vector<16xf32>
        %add3A_418 = arith.addf %add3A_416, %mul3A_417 : vector<16xf32>
        %mul3A_419 = arith.constant 4 : i32
        %mul3A_420 = arith.muli %scan3A_288, %mul3A_419 : i32
        %add3A_421 = arith.constant 2 : i32
        %add3A_422 = arith.addi %mul3A_420, %add3A_421 : i32
        %broadcast_in_dim3A_423 = vector.broadcast %add3A_422 : i32 to vector<16xi32>
        %gather3A_424 = tpu.vector_load_idx %arg12[%add3A_113, %broadcast_in_dim3A_423] : memref<128x32xi32, #tpu.memory_space<vmem>>[vector<16xi32>, vector<16xi32>], vector<16xi32>,
        %bitcast3A_425 = vector.bitcast %gather3A_424 : vector<16xi32> to vector<32xbf16>
        %unpack3A_426 = tpu.unpack_subelements %bitcast3A_425, 0 {pack_format = #tpu.pack_format<interleaved>} : vector<32xbf16> -> vector<16xf32>
        %unpack3A_427 = tpu.unpack_subelements %bitcast3A_425, 1 {pack_format = #tpu.pack_format<interleaved>} : vector<32xbf16> -> vector<16xf32>
        %add3A_428 = arith.constant 0 : i32
        %add3A_429 = vector.broadcast %add3A_428 : i32 to vector<16xi32>
        %add3A_430 = arith.addi %mul3A_116, %add3A_429 : vector<16xi32>
        %gather3A_431 = tpu.vector_load_idx %arg14[%add3A_430, %broadcast_in_dim3A_423] : memref<640x32xi32, #tpu.memory_space<vmem>>[vector<16xi32>, vector<16xi32>], vector<16xi32>,
        %bitcast3A_432 = vector.bitcast %gather3A_431 : vector<16xi32> to vector<32xbf16>
        %unpack3A_433 = tpu.unpack_subelements %bitcast3A_432, 0 {pack_format = #tpu.pack_format<interleaved>} : vector<32xbf16> -> vector<16xf32>
        %unpack3A_434 = tpu.unpack_subelements %bitcast3A_432, 1 {pack_format = #tpu.pack_format<interleaved>} : vector<32xbf16> -> vector<16xf32>
        %mul3A_435 = arith.mulf %unpack3A_426, %unpack3A_433 : vector<16xf32>
        %add3A_436 = arith.addf %add3A_374, %mul3A_435 : vector<16xf32>
        %mul3A_437 = arith.mulf %unpack3A_427, %unpack3A_434 : vector<16xf32>
        %add3A_438 = arith.addf %add3A_436, %mul3A_437 : vector<16xf32>
        %add3A_439 = arith.constant 1 : i32
        %add3A_440 = vector.broadcast %add3A_439 : i32 to vector<16xi32>
        %add3A_441 = arith.addi %mul3A_116, %add3A_440 : vector<16xi32>
        %gather3A_442 = tpu.vector_load_idx %arg14[%add3A_441, %broadcast_in_dim3A_423] : memref<640x32xi32, #tpu.memory_space<vmem>>[vector<16xi32>, vector<16xi32>], vector<16xi32>,
        %bitcast3A_443 = vector.bitcast %gather3A_442 : vector<16xi32> to vector<32xbf16>
        %unpack3A_444 = tpu.unpack_subelements %bitcast3A_443, 0 {pack_format = #tpu.pack_format<interleaved>} : vector<32xbf16> -> vector<16xf32>
        %unpack3A_445 = tpu.unpack_subelements %bitcast3A_443, 1 {pack_format = #tpu.pack_format<interleaved>} : vector<32xbf16> -> vector<16xf32>
        %mul3A_446 = arith.mulf %unpack3A_426, %unpack3A_444 : vector<16xf32>
        %add3A_447 = arith.addf %add3A_385, %mul3A_446 : vector<16xf32>
        %mul3A_448 = arith.mulf %unpack3A_427, %unpack3A_445 : vector<16xf32>
        %add3A_449 = arith.addf %add3A_447, %mul3A_448 : vector<16xf32>
        %add3A_450 = arith.constant 2 : i32
        %add3A_451 = vector.broadcast %add3A_450 : i32 to vector<16xi32>
        %add3A_452 = arith.addi %mul3A_116, %add3A_451 : vector<16xi32>
        %gather3A_453 = tpu.vector_load_idx %arg14[%add3A_452, %broadcast_in_dim3A_423] : memref<640x32xi32, #tpu.memory_space<vmem>>[vector<16xi32>, vector<16xi32>], vector<16xi32>,
        %bitcast3A_454 = vector.bitcast %gather3A_453 : vector<16xi32> to vector<32xbf16>
        %unpack3A_455 = tpu.unpack_subelements %bitcast3A_454, 0 {pack_format = #tpu.pack_format<interleaved>} : vector<32xbf16> -> vector<16xf32>
        %unpack3A_456 = tpu.unpack_subelements %bitcast3A_454, 1 {pack_format = #tpu.pack_format<interleaved>} : vector<32xbf16> -> vector<16xf32>
        %mul3A_457 = arith.mulf %unpack3A_426, %unpack3A_455 : vector<16xf32>
        %add3A_458 = arith.addf %add3A_396, %mul3A_457 : vector<16xf32>
        %mul3A_459 = arith.mulf %unpack3A_427, %unpack3A_456 : vector<16xf32>
        %add3A_460 = arith.addf %add3A_458, %mul3A_459 : vector<16xf32>
        %add3A_461 = arith.constant 3 : i32
        %add3A_462 = vector.broadcast %add3A_461 : i32 to vector<16xi32>
        %add3A_463 = arith.addi %mul3A_116, %add3A_462 : vector<16xi32>
        %gather3A_464 = tpu.vector_load_idx %arg14[%add3A_463, %broadcast_in_dim3A_423] : memref<640x32xi32, #tpu.memory_space<vmem>>[vector<16xi32>, vector<16xi32>], vector<16xi32>,
        %bitcast3A_465 = vector.bitcast %gather3A_464 : vector<16xi32> to vector<32xbf16>
        %unpack3A_466 = tpu.unpack_subelements %bitcast3A_465, 0 {pack_format = #tpu.pack_format<interleaved>} : vector<32xbf16> -> vector<16xf32>
        %unpack3A_467 = tpu.unpack_subelements %bitcast3A_465, 1 {pack_format = #tpu.pack_format<interleaved>} : vector<32xbf16> -> vector<16xf32>
        %mul3A_468 = arith.mulf %unpack3A_426, %unpack3A_466 : vector<16xf32>
        %add3A_469 = arith.addf %add3A_407, %mul3A_468 : vector<16xf32>
        %mul3A_470 = arith.mulf %unpack3A_427, %unpack3A_467 : vector<16xf32>
        %add3A_471 = arith.addf %add3A_469, %mul3A_470 : vector<16xf32>
        %add3A_472 = arith.constant 4 : i32
        %add3A_473 = vector.broadcast %add3A_472 : i32 to vector<16xi32>
        %add3A_474 = arith.addi %mul3A_116, %add3A_473 : vector<16xi32>
        %gather3A_475 = tpu.vector_load_idx %arg14[%add3A_474, %broadcast_in_dim3A_423] : memref<640x32xi32, #tpu.memory_space<vmem>>[vector<16xi32>, vector<16xi32>], vector<16xi32>,
        %bitcast3A_476 = vector.bitcast %gather3A_475 : vector<16xi32> to vector<32xbf16>
        %unpack3A_477 = tpu.unpack_subelements %bitcast3A_476, 0 {pack_format = #tpu.pack_format<interleaved>} : vector<32xbf16> -> vector<16xf32>
        %unpack3A_478 = tpu.unpack_subelements %bitcast3A_476, 1 {pack_format = #tpu.pack_format<interleaved>} : vector<32xbf16> -> vector<16xf32>
        %mul3A_479 = arith.mulf %unpack3A_426, %unpack3A_477 : vector<16xf32>
        %add3A_480 = arith.addf %add3A_418, %mul3A_479 : vector<16xf32>
        %mul3A_481 = arith.mulf %unpack3A_427, %unpack3A_478 : vector<16xf32>
        %add3A_482 = arith.addf %add3A_480, %mul3A_481 : vector<16xf32>
        %mul3A_483 = arith.constant 4 : i32
        %mul3A_484 = arith.muli %scan3A_288, %mul3A_483 : i32
        %add3A_485 = arith.constant 3 : i32
        %add3A_486 = arith.addi %mul3A_484, %add3A_485 : i32
        %broadcast_in_dim3A_487 = vector.broadcast %add3A_486 : i32 to vector<16xi32>
        %gather3A_488 = tpu.vector_load_idx %arg12[%add3A_113, %broadcast_in_dim3A_487] : memref<128x32xi32, #tpu.memory_space<vmem>>[vector<16xi32>, vector<16xi32>], vector<16xi32>,
        %bitcast3A_489 = vector.bitcast %gather3A_488 : vector<16xi32> to vector<32xbf16>
        %unpack3A_490 = tpu.unpack_subelements %bitcast3A_489, 0 {pack_format = #tpu.pack_format<interleaved>} : vector<32xbf16> -> vector<16xf32>
        %unpack3A_491 = tpu.unpack_subelements %bitcast3A_489, 1 {pack_format = #tpu.pack_format<interleaved>} : vector<32xbf16> -> vector<16xf32>
        %add3A_492 = arith.constant 0 : i32
        %add3A_493 = vector.broadcast %add3A_492 : i32 to vector<16xi32>
        %add3A_494 = arith.addi %mul3A_116, %add3A_493 : vector<16xi32>
        %gather3A_495 = tpu.vector_load_idx %arg14[%add3A_494, %broadcast_in_dim3A_487] : memref<640x32xi32, #tpu.memory_space<vmem>>[vector<16xi32>, vector<16xi32>], vector<16xi32>,
        %bitcast3A_496 = vector.bitcast %gather3A_495 : vector<16xi32> to vector<32xbf16>
        %unpack3A_497 = tpu.unpack_subelements %bitcast3A_496, 0 {pack_format = #tpu.pack_format<interleaved>} : vector<32xbf16> -> vector<16xf32>
        %unpack3A_498 = tpu.unpack_subelements %bitcast3A_496, 1 {pack_format = #tpu.pack_format<interleaved>} : vector<32xbf16> -> vector<16xf32>
        %mul3A_499 = arith.mulf %unpack3A_490, %unpack3A_497 : vector<16xf32>
        %add3A_500 = arith.addf %add3A_438, %mul3A_499 : vector<16xf32>
        %mul3A_501 = arith.mulf %unpack3A_491, %unpack3A_498 : vector<16xf32>
        %add3A_502 = arith.addf %add3A_500, %mul3A_501 : vector<16xf32>
        %add3A_503 = arith.constant 1 : i32
        %add3A_504 = vector.broadcast %add3A_503 : i32 to vector<16xi32>
        %add3A_505 = arith.addi %mul3A_116, %add3A_504 : vector<16xi32>
        %gather3A_506 = tpu.vector_load_idx %arg14[%add3A_505, %broadcast_in_dim3A_487] : memref<640x32xi32, #tpu.memory_space<vmem>>[vector<16xi32>, vector<16xi32>], vector<16xi32>,
        %bitcast3A_507 = vector.bitcast %gather3A_506 : vector<16xi32> to vector<32xbf16>
        %unpack3A_508 = tpu.unpack_subelements %bitcast3A_507, 0 {pack_format = #tpu.pack_format<interleaved>} : vector<32xbf16> -> vector<16xf32>
        %unpack3A_509 = tpu.unpack_subelements %bitcast3A_507, 1 {pack_format = #tpu.pack_format<interleaved>} : vector<32xbf16> -> vector<16xf32>
        %mul3A_510 = arith.mulf %unpack3A_490, %unpack3A_508 : vector<16xf32>
        %add3A_511 = arith.addf %add3A_449, %mul3A_510 : vector<16xf32>
        %mul3A_512 = arith.mulf %unpack3A_491, %unpack3A_509 : vector<16xf32>
        %add3A_513 = arith.addf %add3A_511, %mul3A_512 : vector<16xf32>
        %add3A_514 = arith.constant 2 : i32
        %add3A_515 = vector.broadcast %add3A_514 : i32 to vector<16xi32>
        %add3A_516 = arith.addi %mul3A_116, %add3A_515 : vector<16xi32>
        %gather3A_517 = tpu.vector_load_idx %arg14[%add3A_516, %broadcast_in_dim3A_487] : memref<640x32xi32, #tpu.memory_space<vmem>>[vector<16xi32>, vector<16xi32>], vector<16xi32>,
        %bitcast3A_518 = vector.bitcast %gather3A_517 : vector<16xi32> to vector<32xbf16>
        %unpack3A_519 = tpu.unpack_subelements %bitcast3A_518, 0 {pack_format = #tpu.pack_format<interleaved>} : vector<32xbf16> -> vector<16xf32>
        %unpack3A_520 = tpu.unpack_subelements %bitcast3A_518, 1 {pack_format = #tpu.pack_format<interleaved>} : vector<32xbf16> -> vector<16xf32>
        %mul3A_521 = arith.mulf %unpack3A_490, %unpack3A_519 : vector<16xf32>
        %add3A_522 = arith.addf %add3A_460, %mul3A_521 : vector<16xf32>
        %mul3A_523 = arith.mulf %unpack3A_491, %unpack3A_520 : vector<16xf32>
        %add3A_524 = arith.addf %add3A_522, %mul3A_523 : vector<16xf32>
        %add3A_525 = arith.constant 3 : i32
        %add3A_526 = vector.broadcast %add3A_525 : i32 to vector<16xi32>
        %add3A_527 = arith.addi %mul3A_116, %add3A_526 : vector<16xi32>
        %gather3A_528 = tpu.vector_load_idx %arg14[%add3A_527, %broadcast_in_dim3A_487] : memref<640x32xi32, #tpu.memory_space<vmem>>[vector<16xi32>, vector<16xi32>], vector<16xi32>,
        %bitcast3A_529 = vector.bitcast %gather3A_528 : vector<16xi32> to vector<32xbf16>
        %unpack3A_530 = tpu.unpack_subelements %bitcast3A_529, 0 {pack_format = #tpu.pack_format<interleaved>} : vector<32xbf16> -> vector<16xf32>
        %unpack3A_531 = tpu.unpack_subelements %bitcast3A_529, 1 {pack_format = #tpu.pack_format<interleaved>} : vector<32xbf16> -> vector<16xf32>
        %mul3A_532 = arith.mulf %unpack3A_490, %unpack3A_530 : vector<16xf32>
        %add3A_533 = arith.addf %add3A_471, %mul3A_532 : vector<16xf32>
        %mul3A_534 = arith.mulf %unpack3A_491, %unpack3A_531 : vector<16xf32>
        %add3A_535 = arith.addf %add3A_533, %mul3A_534 : vector<16xf32>
        %add3A_536 = arith.constant 4 : i32
        %add3A_537 = vector.broadcast %add3A_536 : i32 to vector<16xi32>
        %add3A_538 = arith.addi %mul3A_116, %add3A_537 : vector<16xi32>
        %gather3A_539 = tpu.vector_load_idx %arg14[%add3A_538, %broadcast_in_dim3A_487] : memref<640x32xi32, #tpu.memory_space<vmem>>[vector<16xi32>, vector<16xi32>], vector<16xi32>,
        %bitcast3A_540 = vector.bitcast %gather3A_539 : vector<16xi32> to vector<32xbf16>
        %unpack3A_541 = tpu.unpack_subelements %bitcast3A_540, 0 {pack_format = #tpu.pack_format<interleaved>} : vector<32xbf16> -> vector<16xf32>
        %unpack3A_542 = tpu.unpack_subelements %bitcast3A_540, 1 {pack_format = #tpu.pack_format<interleaved>} : vector<32xbf16> -> vector<16xf32>
        %mul3A_543 = arith.mulf %unpack3A_490, %unpack3A_541 : vector<16xf32>
        %add3A_544 = arith.addf %add3A_482, %mul3A_543 : vector<16xf32>
        %mul3A_545 = arith.mulf %unpack3A_491, %unpack3A_542 : vector<16xf32>
        %add3A_546 = arith.addf %add3A_544, %mul3A_545 : vector<16xf32>
        scf.yield %add3A_502, %add3A_513, %add3A_524, %add3A_535, %add3A_546 : vector<16xf32>, vector<16xf32>, vector<16xf32>, vector<16xf32>, vector<16xf32>
      }
      %scan3A_137 = arith.constant 8 : i32
      %broadcast_in_dim3A_138 = arith.constant 0.000000e+00 : f32
      %broadcast_in_dim3A_139 = vector.broadcast %broadcast_in_dim3A_138 : f32 to vector<16xf32>
      %sub3A = arith.subf %scan3A_136#1, %scan3A_136#0 : vector<16xf32>
      %max3A = arith.constant 0.000000e+00 : f32
      %max3A_140 = vector.broadcast %max3A : f32 to vector<16xf32>
      %max3A_141 = arith.maximumf %sub3A, %max3A_140 : vector<16xf32>
      %abs3A = math.absf %sub3A : vector<16xf32>
      %neg3A = arith.constant 0.000000e+00 : f32
      %neg3A_142 = vector.broadcast %neg3A : f32 to vector<16xf32>
      %neg3A_143 = arith.subf %neg3A_142, %abs3A : vector<16xf32>
      %exp3A = math.exp %neg3A_143 : vector<16xf32>
      %add3A_144 = arith.constant 2.000000e+00 : f32
      %add3A_145 = vector.broadcast %add3A_144 : f32 to vector<16xf32>
      %add3A_146 = arith.addf %exp3A, %add3A_145 : vector<16xf32>
      %div3A = arith.divf %exp3A, %add3A_146 : vector<16xf32>
      %mul3A_147 = arith.mulf %div3A, %div3A : vector<16xf32>
      %mul3A_148 = arith.constant 0.111111112 : f32
      %mul3A_149 = vector.broadcast %mul3A_148 : f32 to vector<16xf32>
      %mul3A_150 = arith.mulf %mul3A_147, %mul3A_149 : vector<16xf32>
      %add3A_151 = arith.constant 0.142857149 : f32
      %add3A_152 = vector.broadcast %add3A_151 : f32 to vector<16xf32>
      %add3A_153 = arith.addf %add3A_152, %mul3A_150 : vector<16xf32>
      %mul3A_154 = arith.mulf %mul3A_147, %add3A_153 : vector<16xf32>
      %add3A_155 = arith.constant 2.000000e-01 : f32
      %add3A_156 = vector.broadcast %add3A_155 : f32 to vector<16xf32>
      %add3A_157 = arith.addf %add3A_156, %mul3A_154 : vector<16xf32>
      %mul3A_158 = arith.mulf %mul3A_147, %add3A_157 : vector<16xf32>
      %add3A_159 = arith.constant 0.333333343 : f32
      %add3A_160 = vector.broadcast %add3A_159 : f32 to vector<16xf32>
      %add3A_161 = arith.addf %add3A_160, %mul3A_158 : vector<16xf32>
      %mul3A_162 = arith.mulf %mul3A_147, %add3A_161 : vector<16xf32>
      %add3A_163 = arith.constant 1.000000e+00 : f32
      %add3A_164 = vector.broadcast %add3A_163 : f32 to vector<16xf32>
      %add3A_165 = arith.addf %add3A_164, %mul3A_162 : vector<16xf32>
      %mul3A_166 = arith.constant 2.000000e+00 : f32
      %mul3A_167 = vector.broadcast %mul3A_166 : f32 to vector<16xf32>
      %mul3A_168 = arith.mulf %mul3A_167, %div3A : vector<16xf32>
      %mul3A_169 = arith.mulf %mul3A_168, %add3A_165 : vector<16xf32>
      %add3A_170 = arith.addf %max3A_141, %mul3A_169 : vector<16xf32>
      %add3A_171 = arith.addf %broadcast_in_dim3A_139, %add3A_170 : vector<16xf32>
      %sub3A_172 = arith.subf %scan3A_136#2, %scan3A_136#0 : vector<16xf32>
      %max3A_173 = arith.constant 0.000000e+00 : f32
      %max3A_174 = vector.broadcast %max3A_173 : f32 to vector<16xf32>
      %max3A_175 = arith.maximumf %sub3A_172, %max3A_174 : vector<16xf32>
      %abs3A_176 = math.absf %sub3A_172 : vector<16xf32>
      %neg3A_177 = arith.constant 0.000000e+00 : f32
      %neg3A_178 = vector.broadcast %neg3A_177 : f32 to vector<16xf32>
      %neg3A_179 = arith.subf %neg3A_178, %abs3A_176 : vector<16xf32>
      %exp3A_180 = math.exp %neg3A_179 : vector<16xf32>
      %add3A_181 = arith.constant 2.000000e+00 : f32
      %add3A_182 = vector.broadcast %add3A_181 : f32 to vector<16xf32>
      %add3A_183 = arith.addf %exp3A_180, %add3A_182 : vector<16xf32>
      %div3A_184 = arith.divf %exp3A_180, %add3A_183 : vector<16xf32>
      %mul3A_185 = arith.mulf %div3A_184, %div3A_184 : vector<16xf32>
      %mul3A_186 = arith.constant 0.111111112 : f32
      %mul3A_187 = vector.broadcast %mul3A_186 : f32 to vector<16xf32>
      %mul3A_188 = arith.mulf %mul3A_185, %mul3A_187 : vector<16xf32>
      %add3A_189 = arith.constant 0.142857149 : f32
      %add3A_190 = vector.broadcast %add3A_189 : f32 to vector<16xf32>
      %add3A_191 = arith.addf %add3A_190, %mul3A_188 : vector<16xf32>
      %mul3A_192 = arith.mulf %mul3A_185, %add3A_191 : vector<16xf32>
      %add3A_193 = arith.constant 2.000000e-01 : f32
      %add3A_194 = vector.broadcast %add3A_193 : f32 to vector<16xf32>
      %add3A_195 = arith.addf %add3A_194, %mul3A_192 : vector<16xf32>
      %mul3A_196 = arith.mulf %mul3A_185, %add3A_195 : vector<16xf32>
      %add3A_197 = arith.constant 0.333333343 : f32
      %add3A_198 = vector.broadcast %add3A_197 : f32 to vector<16xf32>
      %add3A_199 = arith.addf %add3A_198, %mul3A_196 : vector<16xf32>
      %mul3A_200 = arith.mulf %mul3A_185, %add3A_199 : vector<16xf32>
      %add3A_201 = arith.constant 1.000000e+00 : f32
      %add3A_202 = vector.broadcast %add3A_201 : f32 to vector<16xf32>
      %add3A_203 = arith.addf %add3A_202, %mul3A_200 : vector<16xf32>
      %mul3A_204 = arith.constant 2.000000e+00 : f32
      %mul3A_205 = vector.broadcast %mul3A_204 : f32 to vector<16xf32>
      %mul3A_206 = arith.mulf %mul3A_205, %div3A_184 : vector<16xf32>
      %mul3A_207 = arith.mulf %mul3A_206, %add3A_203 : vector<16xf32>
      %add3A_208 = arith.addf %max3A_175, %mul3A_207 : vector<16xf32>
      %add3A_209 = arith.addf %add3A_171, %add3A_208 : vector<16xf32>
      %sub3A_210 = arith.subf %scan3A_136#3, %scan3A_136#0 : vector<16xf32>
      %max3A_211 = arith.constant 0.000000e+00 : f32
      %max3A_212 = vector.broadcast %max3A_211 : f32 to vector<16xf32>
      %max3A_213 = arith.maximumf %sub3A_210, %max3A_212 : vector<16xf32>
      %abs3A_214 = math.absf %sub3A_210 : vector<16xf32>
      %neg3A_215 = arith.constant 0.000000e+00 : f32
      %neg3A_216 = vector.broadcast %neg3A_215 : f32 to vector<16xf32>
      %neg3A_217 = arith.subf %neg3A_216, %abs3A_214 : vector<16xf32>
      %exp3A_218 = math.exp %neg3A_217 : vector<16xf32>
      %add3A_219 = arith.constant 2.000000e+00 : f32
      %add3A_220 = vector.broadcast %add3A_219 : f32 to vector<16xf32>
      %add3A_221 = arith.addf %exp3A_218, %add3A_220 : vector<16xf32>
      %div3A_222 = arith.divf %exp3A_218, %add3A_221 : vector<16xf32>
      %mul3A_223 = arith.mulf %div3A_222, %div3A_222 : vector<16xf32>
      %mul3A_224 = arith.constant 0.111111112 : f32
      %mul3A_225 = vector.broadcast %mul3A_224 : f32 to vector<16xf32>
      %mul3A_226 = arith.mulf %mul3A_223, %mul3A_225 : vector<16xf32>
      %add3A_227 = arith.constant 0.142857149 : f32
      %add3A_228 = vector.broadcast %add3A_227 : f32 to vector<16xf32>
      %add3A_229 = arith.addf %add3A_228, %mul3A_226 : vector<16xf32>
      %mul3A_230 = arith.mulf %mul3A_223, %add3A_229 : vector<16xf32>
      %add3A_231 = arith.constant 2.000000e-01 : f32
      %add3A_232 = vector.broadcast %add3A_231 : f32 to vector<16xf32>
      %add3A_233 = arith.addf %add3A_232, %mul3A_230 : vector<16xf32>
      %mul3A_234 = arith.mulf %mul3A_223, %add3A_233 : vector<16xf32>
      %add3A_235 = arith.constant 0.333333343 : f32
      %add3A_236 = vector.broadcast %add3A_235 : f32 to vector<16xf32>
      %add3A_237 = arith.addf %add3A_236, %mul3A_234 : vector<16xf32>
      %mul3A_238 = arith.mulf %mul3A_223, %add3A_237 : vector<16xf32>
      %add3A_239 = arith.constant 1.000000e+00 : f32
      %add3A_240 = vector.broadcast %add3A_239 : f32 to vector<16xf32>
      %add3A_241 = arith.addf %add3A_240, %mul3A_238 : vector<16xf32>
      %mul3A_242 = arith.constant 2.000000e+00 : f32
      %mul3A_243 = vector.broadcast %mul3A_242 : f32 to vector<16xf32>
      %mul3A_244 = arith.mulf %mul3A_243, %div3A_222 : vector<16xf32>
      %mul3A_245 = arith.mulf %mul3A_244, %add3A_241 : vector<16xf32>
      %add3A_246 = arith.addf %max3A_213, %mul3A_245 : vector<16xf32>
      %add3A_247 = arith.addf %add3A_209, %add3A_246 : vector<16xf32>
      %sub3A_248 = arith.subf %scan3A_136#4, %scan3A_136#0 : vector<16xf32>
      %max3A_249 = arith.constant 0.000000e+00 : f32
      %max3A_250 = vector.broadcast %max3A_249 : f32 to vector<16xf32>
      %max3A_251 = arith.maximumf %sub3A_248, %max3A_250 : vector<16xf32>
      %abs3A_252 = math.absf %sub3A_248 : vector<16xf32>
      %neg3A_253 = arith.constant 0.000000e+00 : f32
      %neg3A_254 = vector.broadcast %neg3A_253 : f32 to vector<16xf32>
      %neg3A_255 = arith.subf %neg3A_254, %abs3A_252 : vector<16xf32>
      %exp3A_256 = math.exp %neg3A_255 : vector<16xf32>
      %add3A_257 = arith.constant 2.000000e+00 : f32
      %add3A_258 = vector.broadcast %add3A_257 : f32 to vector<16xf32>
      %add3A_259 = arith.addf %exp3A_256, %add3A_258 : vector<16xf32>
      %div3A_260 = arith.divf %exp3A_256, %add3A_259 : vector<16xf32>
      %mul3A_261 = arith.mulf %div3A_260, %div3A_260 : vector<16xf32>
      %mul3A_262 = arith.constant 0.111111112 : f32
      %mul3A_263 = vector.broadcast %mul3A_262 : f32 to vector<16xf32>
      %mul3A_264 = arith.mulf %mul3A_261, %mul3A_263 : vector<16xf32>
      %add3A_265 = arith.constant 0.142857149 : f32
      %add3A_266 = vector.broadcast %add3A_265 : f32 to vector<16xf32>
      %add3A_267 = arith.addf %add3A_266, %mul3A_264 : vector<16xf32>
      %mul3A_268 = arith.mulf %mul3A_261, %add3A_267 : vector<16xf32>
      %add3A_269 = arith.constant 2.000000e-01 : f32
      %add3A_270 = vector.broadcast %add3A_269 : f32 to vector<16xf32>
      %add3A_271 = arith.addf %add3A_270, %mul3A_268 : vector<16xf32>
      %mul3A_272 = arith.mulf %mul3A_261, %add3A_271 : vector<16xf32>
      %add3A_273 = arith.constant 0.333333343 : f32
      %add3A_274 = vector.broadcast %add3A_273 : f32 to vector<16xf32>
      %add3A_275 = arith.addf %add3A_274, %mul3A_272 : vector<16xf32>
      %mul3A_276 = arith.mulf %mul3A_261, %add3A_275 : vector<16xf32>
      %add3A_277 = arith.constant 1.000000e+00 : f32
      %add3A_278 = vector.broadcast %add3A_277 : f32 to vector<16xf32>
      %add3A_279 = arith.addf %add3A_278, %mul3A_276 : vector<16xf32>
      %mul3A_280 = arith.constant 2.000000e+00 : f32
      %mul3A_281 = vector.broadcast %mul3A_280 : f32 to vector<16xf32>
      %mul3A_282 = arith.mulf %mul3A_281, %div3A_260 : vector<16xf32>
      %mul3A_283 = arith.mulf %mul3A_282, %add3A_279 : vector<16xf32>
      %add3A_284 = arith.addf %max3A_251, %mul3A_283 : vector<16xf32>
      %add3A_285 = arith.addf %add3A_247, %add3A_284 : vector<16xf32>
      %mul3A_286 = arith.mulf %get3A_121, %add3A_285 : vector<16xf32>
      %add3A_287 = arith.addf %scan3A_109, %mul3A_286 : vector<16xf32>
      scf.yield %add3A_287 : vector<16xf32>
    }
    %scan3A_64 = arith.constant 8 : i32
    %dma_start3A_65 = arith.constant 384 : i32
    %dma_start3A_66 = tpu.memref_slice %arg8[%dma_start3A_65] : memref<512xi32, #tpu.memory_space<vmem>> -> memref<128xi32, #tpu.memory_space<vmem>>
    %dma_start3A_67 = arith.constant 0 : i32
    %dma_start3A_68 = arith.constant 0 : i32
    %dma_start3A_69 = tpu.memref_slice %arg2[%dma_start3A_67, %dma_start3A_68] : memref<100000x32xi32, #tpu.memory_space<hbm>> -> memref<100000x32xi32, #tpu.memory_space<hbm>>
    tpu.enqueue_indirect_dma source(%dma_start3A_69 : memref<100000x32xi32, #tpu.memory_space<hbm>>) target(%arg12 : memref<128x32xi32, #tpu.memory_space<vmem>>) offsets(%dma_start3A_66 : memref<128xi32, #tpu.memory_space<vmem>>) semaphore(%arg17 : memref<!tpu.dma_semaphore, #tpu.memory_space<semaphore_mem>>)
    %dma_start3A_70 = arith.constant 1920 : i32
    %dma_start3A_71 = tpu.memref_slice %arg9[%dma_start3A_70] : memref<2560xi32, #tpu.memory_space<vmem>> -> memref<640xi32, #tpu.memory_space<vmem>>
    %dma_start3A_72 = arith.constant 0 : i32
    %dma_start3A_73 = arith.constant 0 : i32
    %dma_start3A_74 = tpu.memref_slice %arg3[%dma_start3A_72, %dma_start3A_73] : memref<1000000x32xi32, #tpu.memory_space<hbm>> -> memref<1000000x32xi32, #tpu.memory_space<hbm>>
    tpu.enqueue_indirect_dma source(%dma_start3A_74 : memref<1000000x32xi32, #tpu.memory_space<hbm>>) target(%arg14 : memref<640x32xi32, #tpu.memory_space<vmem>>) offsets(%dma_start3A_71 : memref<640xi32, #tpu.memory_space<vmem>>) semaphore(%arg17 : memref<!tpu.dma_semaphore, #tpu.memory_space<semaphore_mem>>)
    %dma_wait3A_75 = arith.constant 256 : i32
    %dma_wait3A_76 = tpu.memref_slice %arg8[%dma_wait3A_75] : memref<512xi32, #tpu.memory_space<vmem>> -> memref<128xi32, #tpu.memory_space<vmem>>
    %dma_wait3A_77 = arith.constant 0 : i32
    %dma_wait3A_78 = arith.constant 0 : i32
    %dma_wait3A_79 = tpu.memref_slice %arg2[%dma_wait3A_77, %dma_wait3A_78] : memref<100000x32xi32, #tpu.memory_space<hbm>> -> memref<100000x32xi32, #tpu.memory_space<hbm>>
    tpu.wait_indirect_dma semaphore(%arg16 : memref<!tpu.dma_semaphore, #tpu.memory_space<semaphore_mem>>) src(%dma_wait3A_79 : memref<100000x32xi32, #tpu.memory_space<hbm>>) dst(%arg11 : memref<128x32xi32, #tpu.memory_space<vmem>>)
    %dma_wait3A_80 = arith.constant 1280 : i32
    %dma_wait3A_81 = tpu.memref_slice %arg9[%dma_wait3A_80] : memref<2560xi32, #tpu.memory_space<vmem>> -> memref<640xi32, #tpu.memory_space<vmem>>
    %dma_wait3A_82 = arith.constant 0 : i32
    %dma_wait3A_83 = arith.constant 0 : i32
    %dma_wait3A_84 = tpu.memref_slice %arg3[%dma_wait3A_82, %dma_wait3A_83] : memref<1000000x32xi32, #tpu.memory_space<hbm>> -> memref<1000000x32xi32, #tpu.memory_space<hbm>>
    tpu.wait_indirect_dma semaphore(%arg16 : memref<!tpu.dma_semaphore, #tpu.memory_space<semaphore_mem>>) src(%dma_wait3A_84 : memref<1000000x32xi32, #tpu.memory_space<hbm>>) dst(%arg13 : memref<640x32xi32, #tpu.memory_space<vmem>>)
    %scan3A_85 = arith.constant 0 : i32
    %scan3A_86 = arith.constant 8 : i32
    %scan3A_87 = arith.addi %scan3A_85, %scan3A_86 : i32
    %scan3A_88 = arith.constant 1 : i32
    %scan3A_89 = scf.for %scan3A_108 = %scan3A_85 to %scan3A_87 step %scan3A_88 iter_args(%scan3A_109 = %scan3A_63) -> (vector<16xf32>)  : i32 {
      %mul3A_110 = arith.constant 16 : i32
      %mul3A_111 = arith.muli %scan3A_108, %mul3A_110 : i32
      %add3A_112 = vector.broadcast %mul3A_111 : i32 to vector<16xi32>
      %add3A_113 = arith.addi %add3A_112, %iota3A : vector<16xi32>
      %mul3A_114 = arith.constant 5 : i32
      %mul3A_115 = vector.broadcast %mul3A_114 : i32 to vector<16xi32>
      %mul3A_116 = arith.muli %add3A_113, %mul3A_115 : vector<16xi32>
      %mul3A_117 = arith.constant 16 : i32
      %mul3A_118 = arith.muli %scan3A_108, %mul3A_117 : i32
      %add3A_119 = arith.constant 256 : i32
      %add3A_120 = arith.addi %add3A_119, %mul3A_118 : i32
      %get3A = arith.index_cast %add3A_120 : i32 to index
      %get3A_121 = tpu.vector_load %arg10[%get3A] {strides = array<i32>} : memref<512xf32, #tpu.memory_space<vmem>>, vector<16xf32>,
      %broadcast_in_dim3A_122 = arith.constant 0.000000e+00 : f32
      %broadcast_in_dim3A_123 = vector.broadcast %broadcast_in_dim3A_122 : f32 to vector<16xf32>
      %broadcast_in_dim3A_124 = arith.constant 0.000000e+00 : f32
      %broadcast_in_dim3A_125 = vector.broadcast %broadcast_in_dim3A_124 : f32 to vector<16xf32>
      %broadcast_in_dim3A_126 = arith.constant 0.000000e+00 : f32
      %broadcast_in_dim3A_127 = vector.broadcast %broadcast_in_dim3A_126 : f32 to vector<16xf32>
      %broadcast_in_dim3A_128 = arith.constant 0.000000e+00 : f32
      %broadcast_in_dim3A_129 = vector.broadcast %broadcast_in_dim3A_128 : f32 to vector<16xf32>
      %broadcast_in_dim3A_130 = arith.constant 0.000000e+00 : f32
      %broadcast_in_dim3A_131 = vector.broadcast %broadcast_in_dim3A_130 : f32 to vector<16xf32>
      %scan3A_132 = arith.constant 0 : i32
      %scan3A_133 = arith.constant 8 : i32
      %scan3A_134 = arith.addi %scan3A_132, %scan3A_133 : i32
      %scan3A_135 = arith.constant 1 : i32
      %scan3A_136:5 = scf.for %scan3A_288 = %scan3A_132 to %scan3A_134 step %scan3A_135 iter_args(%scan3A_289 = %broadcast_in_dim3A_123, %scan3A_290 = %broadcast_in_dim3A_125, %scan3A_291 = %broadcast_in_dim3A_127, %scan3A_292 = %broadcast_in_dim3A_129, %scan3A_293 = %broadcast_in_dim3A_131) -> (vector<16xf32>, vector<16xf32>, vector<16xf32>, vector<16xf32>, vector<16xf32>)  : i32 {
        %mul3A_294 = arith.constant 4 : i32
        %mul3A_295 = arith.muli %scan3A_288, %mul3A_294 : i32
        %add3A_296 = arith.constant 0 : i32
        %add3A_297 = arith.addi %mul3A_295, %add3A_296 : i32
        %broadcast_in_dim3A_298 = vector.broadcast %add3A_297 : i32 to vector<16xi32>
        %gather3A = tpu.vector_load_idx %arg11[%add3A_113, %broadcast_in_dim3A_298] : memref<128x32xi32, #tpu.memory_space<vmem>>[vector<16xi32>, vector<16xi32>], vector<16xi32>,
        %bitcast3A = vector.bitcast %gather3A : vector<16xi32> to vector<32xbf16>
        %unpack3A = tpu.unpack_subelements %bitcast3A, 0 {pack_format = #tpu.pack_format<interleaved>} : vector<32xbf16> -> vector<16xf32>
        %unpack3A_299 = tpu.unpack_subelements %bitcast3A, 1 {pack_format = #tpu.pack_format<interleaved>} : vector<32xbf16> -> vector<16xf32>
        %add3A_300 = arith.constant 0 : i32
        %add3A_301 = vector.broadcast %add3A_300 : i32 to vector<16xi32>
        %add3A_302 = arith.addi %mul3A_116, %add3A_301 : vector<16xi32>
        %gather3A_303 = tpu.vector_load_idx %arg13[%add3A_302, %broadcast_in_dim3A_298] : memref<640x32xi32, #tpu.memory_space<vmem>>[vector<16xi32>, vector<16xi32>], vector<16xi32>,
        %bitcast3A_304 = vector.bitcast %gather3A_303 : vector<16xi32> to vector<32xbf16>
        %unpack3A_305 = tpu.unpack_subelements %bitcast3A_304, 0 {pack_format = #tpu.pack_format<interleaved>} : vector<32xbf16> -> vector<16xf32>
        %unpack3A_306 = tpu.unpack_subelements %bitcast3A_304, 1 {pack_format = #tpu.pack_format<interleaved>} : vector<32xbf16> -> vector<16xf32>
        %mul3A_307 = arith.mulf %unpack3A, %unpack3A_305 : vector<16xf32>
        %add3A_308 = arith.addf %scan3A_289, %mul3A_307 : vector<16xf32>
        %mul3A_309 = arith.mulf %unpack3A_299, %unpack3A_306 : vector<16xf32>
        %add3A_310 = arith.addf %add3A_308, %mul3A_309 : vector<16xf32>
        %add3A_311 = arith.constant 1 : i32
        %add3A_312 = vector.broadcast %add3A_311 : i32 to vector<16xi32>
        %add3A_313 = arith.addi %mul3A_116, %add3A_312 : vector<16xi32>
        %gather3A_314 = tpu.vector_load_idx %arg13[%add3A_313, %broadcast_in_dim3A_298] : memref<640x32xi32, #tpu.memory_space<vmem>>[vector<16xi32>, vector<16xi32>], vector<16xi32>,
        %bitcast3A_315 = vector.bitcast %gather3A_314 : vector<16xi32> to vector<32xbf16>
        %unpack3A_316 = tpu.unpack_subelements %bitcast3A_315, 0 {pack_format = #tpu.pack_format<interleaved>} : vector<32xbf16> -> vector<16xf32>
        %unpack3A_317 = tpu.unpack_subelements %bitcast3A_315, 1 {pack_format = #tpu.pack_format<interleaved>} : vector<32xbf16> -> vector<16xf32>
        %mul3A_318 = arith.mulf %unpack3A, %unpack3A_316 : vector<16xf32>
        %add3A_319 = arith.addf %scan3A_290, %mul3A_318 : vector<16xf32>
        %mul3A_320 = arith.mulf %unpack3A_299, %unpack3A_317 : vector<16xf32>
        %add3A_321 = arith.addf %add3A_319, %mul3A_320 : vector<16xf32>
        %add3A_322 = arith.constant 2 : i32
        %add3A_323 = vector.broadcast %add3A_322 : i32 to vector<16xi32>
        %add3A_324 = arith.addi %mul3A_116, %add3A_323 : vector<16xi32>
        %gather3A_325 = tpu.vector_load_idx %arg13[%add3A_324, %broadcast_in_dim3A_298] : memref<640x32xi32, #tpu.memory_space<vmem>>[vector<16xi32>, vector<16xi32>], vector<16xi32>,
        %bitcast3A_326 = vector.bitcast %gather3A_325 : vector<16xi32> to vector<32xbf16>
        %unpack3A_327 = tpu.unpack_subelements %bitcast3A_326, 0 {pack_format = #tpu.pack_format<interleaved>} : vector<32xbf16> -> vector<16xf32>
        %unpack3A_328 = tpu.unpack_subelements %bitcast3A_326, 1 {pack_format = #tpu.pack_format<interleaved>} : vector<32xbf16> -> vector<16xf32>
        %mul3A_329 = arith.mulf %unpack3A, %unpack3A_327 : vector<16xf32>
        %add3A_330 = arith.addf %scan3A_291, %mul3A_329 : vector<16xf32>
        %mul3A_331 = arith.mulf %unpack3A_299, %unpack3A_328 : vector<16xf32>
        %add3A_332 = arith.addf %add3A_330, %mul3A_331 : vector<16xf32>
        %add3A_333 = arith.constant 3 : i32
        %add3A_334 = vector.broadcast %add3A_333 : i32 to vector<16xi32>
        %add3A_335 = arith.addi %mul3A_116, %add3A_334 : vector<16xi32>
        %gather3A_336 = tpu.vector_load_idx %arg13[%add3A_335, %broadcast_in_dim3A_298] : memref<640x32xi32, #tpu.memory_space<vmem>>[vector<16xi32>, vector<16xi32>], vector<16xi32>,
        %bitcast3A_337 = vector.bitcast %gather3A_336 : vector<16xi32> to vector<32xbf16>
        %unpack3A_338 = tpu.unpack_subelements %bitcast3A_337, 0 {pack_format = #tpu.pack_format<interleaved>} : vector<32xbf16> -> vector<16xf32>
        %unpack3A_339 = tpu.unpack_subelements %bitcast3A_337, 1 {pack_format = #tpu.pack_format<interleaved>} : vector<32xbf16> -> vector<16xf32>
        %mul3A_340 = arith.mulf %unpack3A, %unpack3A_338 : vector<16xf32>
        %add3A_341 = arith.addf %scan3A_292, %mul3A_340 : vector<16xf32>
        %mul3A_342 = arith.mulf %unpack3A_299, %unpack3A_339 : vector<16xf32>
        %add3A_343 = arith.addf %add3A_341, %mul3A_342 : vector<16xf32>
        %add3A_344 = arith.constant 4 : i32
        %add3A_345 = vector.broadcast %add3A_344 : i32 to vector<16xi32>
        %add3A_346 = arith.addi %mul3A_116, %add3A_345 : vector<16xi32>
        %gather3A_347 = tpu.vector_load_idx %arg13[%add3A_346, %broadcast_in_dim3A_298] : memref<640x32xi32, #tpu.memory_space<vmem>>[vector<16xi32>, vector<16xi32>], vector<16xi32>,
        %bitcast3A_348 = vector.bitcast %gather3A_347 : vector<16xi32> to vector<32xbf16>
        %unpack3A_349 = tpu.unpack_subelements %bitcast3A_348, 0 {pack_format = #tpu.pack_format<interleaved>} : vector<32xbf16> -> vector<16xf32>
        %unpack3A_350 = tpu.unpack_subelements %bitcast3A_348, 1 {pack_format = #tpu.pack_format<interleaved>} : vector<32xbf16> -> vector<16xf32>
        %mul3A_351 = arith.mulf %unpack3A, %unpack3A_349 : vector<16xf32>
        %add3A_352 = arith.addf %scan3A_293, %mul3A_351 : vector<16xf32>
        %mul3A_353 = arith.mulf %unpack3A_299, %unpack3A_350 : vector<16xf32>
        %add3A_354 = arith.addf %add3A_352, %mul3A_353 : vector<16xf32>
        %mul3A_355 = arith.constant 4 : i32
        %mul3A_356 = arith.muli %scan3A_288, %mul3A_355 : i32
        %add3A_357 = arith.constant 1 : i32
        %add3A_358 = arith.addi %mul3A_356, %add3A_357 : i32
        %broadcast_in_dim3A_359 = vector.broadcast %add3A_358 : i32 to vector<16xi32>
        %gather3A_360 = tpu.vector_load_idx %arg11[%add3A_113, %broadcast_in_dim3A_359] : memref<128x32xi32, #tpu.memory_space<vmem>>[vector<16xi32>, vector<16xi32>], vector<16xi32>,
        %bitcast3A_361 = vector.bitcast %gather3A_360 : vector<16xi32> to vector<32xbf16>
        %unpack3A_362 = tpu.unpack_subelements %bitcast3A_361, 0 {pack_format = #tpu.pack_format<interleaved>} : vector<32xbf16> -> vector<16xf32>
        %unpack3A_363 = tpu.unpack_subelements %bitcast3A_361, 1 {pack_format = #tpu.pack_format<interleaved>} : vector<32xbf16> -> vector<16xf32>
        %add3A_364 = arith.constant 0 : i32
        %add3A_365 = vector.broadcast %add3A_364 : i32 to vector<16xi32>
        %add3A_366 = arith.addi %mul3A_116, %add3A_365 : vector<16xi32>
        %gather3A_367 = tpu.vector_load_idx %arg13[%add3A_366, %broadcast_in_dim3A_359] : memref<640x32xi32, #tpu.memory_space<vmem>>[vector<16xi32>, vector<16xi32>], vector<16xi32>,
        %bitcast3A_368 = vector.bitcast %gather3A_367 : vector<16xi32> to vector<32xbf16>
        %unpack3A_369 = tpu.unpack_subelements %bitcast3A_368, 0 {pack_format = #tpu.pack_format<interleaved>} : vector<32xbf16> -> vector<16xf32>
        %unpack3A_370 = tpu.unpack_subelements %bitcast3A_368, 1 {pack_format = #tpu.pack_format<interleaved>} : vector<32xbf16> -> vector<16xf32>
        %mul3A_371 = arith.mulf %unpack3A_362, %unpack3A_369 : vector<16xf32>
        %add3A_372 = arith.addf %add3A_310, %mul3A_371 : vector<16xf32>
        %mul3A_373 = arith.mulf %unpack3A_363, %unpack3A_370 : vector<16xf32>
        %add3A_374 = arith.addf %add3A_372, %mul3A_373 : vector<16xf32>
        %add3A_375 = arith.constant 1 : i32
        %add3A_376 = vector.broadcast %add3A_375 : i32 to vector<16xi32>
        %add3A_377 = arith.addi %mul3A_116, %add3A_376 : vector<16xi32>
        %gather3A_378 = tpu.vector_load_idx %arg13[%add3A_377, %broadcast_in_dim3A_359] : memref<640x32xi32, #tpu.memory_space<vmem>>[vector<16xi32>, vector<16xi32>], vector<16xi32>,
        %bitcast3A_379 = vector.bitcast %gather3A_378 : vector<16xi32> to vector<32xbf16>
        %unpack3A_380 = tpu.unpack_subelements %bitcast3A_379, 0 {pack_format = #tpu.pack_format<interleaved>} : vector<32xbf16> -> vector<16xf32>
        %unpack3A_381 = tpu.unpack_subelements %bitcast3A_379, 1 {pack_format = #tpu.pack_format<interleaved>} : vector<32xbf16> -> vector<16xf32>
        %mul3A_382 = arith.mulf %unpack3A_362, %unpack3A_380 : vector<16xf32>
        %add3A_383 = arith.addf %add3A_321, %mul3A_382 : vector<16xf32>
        %mul3A_384 = arith.mulf %unpack3A_363, %unpack3A_381 : vector<16xf32>
        %add3A_385 = arith.addf %add3A_383, %mul3A_384 : vector<16xf32>
        %add3A_386 = arith.constant 2 : i32
        %add3A_387 = vector.broadcast %add3A_386 : i32 to vector<16xi32>
        %add3A_388 = arith.addi %mul3A_116, %add3A_387 : vector<16xi32>
        %gather3A_389 = tpu.vector_load_idx %arg13[%add3A_388, %broadcast_in_dim3A_359] : memref<640x32xi32, #tpu.memory_space<vmem>>[vector<16xi32>, vector<16xi32>], vector<16xi32>,
        %bitcast3A_390 = vector.bitcast %gather3A_389 : vector<16xi32> to vector<32xbf16>
        %unpack3A_391 = tpu.unpack_subelements %bitcast3A_390, 0 {pack_format = #tpu.pack_format<interleaved>} : vector<32xbf16> -> vector<16xf32>
        %unpack3A_392 = tpu.unpack_subelements %bitcast3A_390, 1 {pack_format = #tpu.pack_format<interleaved>} : vector<32xbf16> -> vector<16xf32>
        %mul3A_393 = arith.mulf %unpack3A_362, %unpack3A_391 : vector<16xf32>
        %add3A_394 = arith.addf %add3A_332, %mul3A_393 : vector<16xf32>
        %mul3A_395 = arith.mulf %unpack3A_363, %unpack3A_392 : vector<16xf32>
        %add3A_396 = arith.addf %add3A_394, %mul3A_395 : vector<16xf32>
        %add3A_397 = arith.constant 3 : i32
        %add3A_398 = vector.broadcast %add3A_397 : i32 to vector<16xi32>
        %add3A_399 = arith.addi %mul3A_116, %add3A_398 : vector<16xi32>
        %gather3A_400 = tpu.vector_load_idx %arg13[%add3A_399, %broadcast_in_dim3A_359] : memref<640x32xi32, #tpu.memory_space<vmem>>[vector<16xi32>, vector<16xi32>], vector<16xi32>,
        %bitcast3A_401 = vector.bitcast %gather3A_400 : vector<16xi32> to vector<32xbf16>
        %unpack3A_402 = tpu.unpack_subelements %bitcast3A_401, 0 {pack_format = #tpu.pack_format<interleaved>} : vector<32xbf16> -> vector<16xf32>
        %unpack3A_403 = tpu.unpack_subelements %bitcast3A_401, 1 {pack_format = #tpu.pack_format<interleaved>} : vector<32xbf16> -> vector<16xf32>
        %mul3A_404 = arith.mulf %unpack3A_362, %unpack3A_402 : vector<16xf32>
        %add3A_405 = arith.addf %add3A_343, %mul3A_404 : vector<16xf32>
        %mul3A_406 = arith.mulf %unpack3A_363, %unpack3A_403 : vector<16xf32>
        %add3A_407 = arith.addf %add3A_405, %mul3A_406 : vector<16xf32>
        %add3A_408 = arith.constant 4 : i32
        %add3A_409 = vector.broadcast %add3A_408 : i32 to vector<16xi32>
        %add3A_410 = arith.addi %mul3A_116, %add3A_409 : vector<16xi32>
        %gather3A_411 = tpu.vector_load_idx %arg13[%add3A_410, %broadcast_in_dim3A_359] : memref<640x32xi32, #tpu.memory_space<vmem>>[vector<16xi32>, vector<16xi32>], vector<16xi32>,
        %bitcast3A_412 = vector.bitcast %gather3A_411 : vector<16xi32> to vector<32xbf16>
        %unpack3A_413 = tpu.unpack_subelements %bitcast3A_412, 0 {pack_format = #tpu.pack_format<interleaved>} : vector<32xbf16> -> vector<16xf32>
        %unpack3A_414 = tpu.unpack_subelements %bitcast3A_412, 1 {pack_format = #tpu.pack_format<interleaved>} : vector<32xbf16> -> vector<16xf32>
        %mul3A_415 = arith.mulf %unpack3A_362, %unpack3A_413 : vector<16xf32>
        %add3A_416 = arith.addf %add3A_354, %mul3A_415 : vector<16xf32>
        %mul3A_417 = arith.mulf %unpack3A_363, %unpack3A_414 : vector<16xf32>
        %add3A_418 = arith.addf %add3A_416, %mul3A_417 : vector<16xf32>
        %mul3A_419 = arith.constant 4 : i32
        %mul3A_420 = arith.muli %scan3A_288, %mul3A_419 : i32
        %add3A_421 = arith.constant 2 : i32
        %add3A_422 = arith.addi %mul3A_420, %add3A_421 : i32
        %broadcast_in_dim3A_423 = vector.broadcast %add3A_422 : i32 to vector<16xi32>
        %gather3A_424 = tpu.vector_load_idx %arg11[%add3A_113, %broadcast_in_dim3A_423] : memref<128x32xi32, #tpu.memory_space<vmem>>[vector<16xi32>, vector<16xi32>], vector<16xi32>,
        %bitcast3A_425 = vector.bitcast %gather3A_424 : vector<16xi32> to vector<32xbf16>
        %unpack3A_426 = tpu.unpack_subelements %bitcast3A_425, 0 {pack_format = #tpu.pack_format<interleaved>} : vector<32xbf16> -> vector<16xf32>
        %unpack3A_427 = tpu.unpack_subelements %bitcast3A_425, 1 {pack_format = #tpu.pack_format<interleaved>} : vector<32xbf16> -> vector<16xf32>
        %add3A_428 = arith.constant 0 : i32
        %add3A_429 = vector.broadcast %add3A_428 : i32 to vector<16xi32>
        %add3A_430 = arith.addi %mul3A_116, %add3A_429 : vector<16xi32>
        %gather3A_431 = tpu.vector_load_idx %arg13[%add3A_430, %broadcast_in_dim3A_423] : memref<640x32xi32, #tpu.memory_space<vmem>>[vector<16xi32>, vector<16xi32>], vector<16xi32>,
        %bitcast3A_432 = vector.bitcast %gather3A_431 : vector<16xi32> to vector<32xbf16>
        %unpack3A_433 = tpu.unpack_subelements %bitcast3A_432, 0 {pack_format = #tpu.pack_format<interleaved>} : vector<32xbf16> -> vector<16xf32>
        %unpack3A_434 = tpu.unpack_subelements %bitcast3A_432, 1 {pack_format = #tpu.pack_format<interleaved>} : vector<32xbf16> -> vector<16xf32>
        %mul3A_435 = arith.mulf %unpack3A_426, %unpack3A_433 : vector<16xf32>
        %add3A_436 = arith.addf %add3A_374, %mul3A_435 : vector<16xf32>
        %mul3A_437 = arith.mulf %unpack3A_427, %unpack3A_434 : vector<16xf32>
        %add3A_438 = arith.addf %add3A_436, %mul3A_437 : vector<16xf32>
        %add3A_439 = arith.constant 1 : i32
        %add3A_440 = vector.broadcast %add3A_439 : i32 to vector<16xi32>
        %add3A_441 = arith.addi %mul3A_116, %add3A_440 : vector<16xi32>
        %gather3A_442 = tpu.vector_load_idx %arg13[%add3A_441, %broadcast_in_dim3A_423] : memref<640x32xi32, #tpu.memory_space<vmem>>[vector<16xi32>, vector<16xi32>], vector<16xi32>,
        %bitcast3A_443 = vector.bitcast %gather3A_442 : vector<16xi32> to vector<32xbf16>
        %unpack3A_444 = tpu.unpack_subelements %bitcast3A_443, 0 {pack_format = #tpu.pack_format<interleaved>} : vector<32xbf16> -> vector<16xf32>
        %unpack3A_445 = tpu.unpack_subelements %bitcast3A_443, 1 {pack_format = #tpu.pack_format<interleaved>} : vector<32xbf16> -> vector<16xf32>
        %mul3A_446 = arith.mulf %unpack3A_426, %unpack3A_444 : vector<16xf32>
        %add3A_447 = arith.addf %add3A_385, %mul3A_446 : vector<16xf32>
        %mul3A_448 = arith.mulf %unpack3A_427, %unpack3A_445 : vector<16xf32>
        %add3A_449 = arith.addf %add3A_447, %mul3A_448 : vector<16xf32>
        %add3A_450 = arith.constant 2 : i32
        %add3A_451 = vector.broadcast %add3A_450 : i32 to vector<16xi32>
        %add3A_452 = arith.addi %mul3A_116, %add3A_451 : vector<16xi32>
        %gather3A_453 = tpu.vector_load_idx %arg13[%add3A_452, %broadcast_in_dim3A_423] : memref<640x32xi32, #tpu.memory_space<vmem>>[vector<16xi32>, vector<16xi32>], vector<16xi32>,
        %bitcast3A_454 = vector.bitcast %gather3A_453 : vector<16xi32> to vector<32xbf16>
        %unpack3A_455 = tpu.unpack_subelements %bitcast3A_454, 0 {pack_format = #tpu.pack_format<interleaved>} : vector<32xbf16> -> vector<16xf32>
        %unpack3A_456 = tpu.unpack_subelements %bitcast3A_454, 1 {pack_format = #tpu.pack_format<interleaved>} : vector<32xbf16> -> vector<16xf32>
        %mul3A_457 = arith.mulf %unpack3A_426, %unpack3A_455 : vector<16xf32>
        %add3A_458 = arith.addf %add3A_396, %mul3A_457 : vector<16xf32>
        %mul3A_459 = arith.mulf %unpack3A_427, %unpack3A_456 : vector<16xf32>
        %add3A_460 = arith.addf %add3A_458, %mul3A_459 : vector<16xf32>
        %add3A_461 = arith.constant 3 : i32
        %add3A_462 = vector.broadcast %add3A_461 : i32 to vector<16xi32>
        %add3A_463 = arith.addi %mul3A_116, %add3A_462 : vector<16xi32>
        %gather3A_464 = tpu.vector_load_idx %arg13[%add3A_463, %broadcast_in_dim3A_423] : memref<640x32xi32, #tpu.memory_space<vmem>>[vector<16xi32>, vector<16xi32>], vector<16xi32>,
        %bitcast3A_465 = vector.bitcast %gather3A_464 : vector<16xi32> to vector<32xbf16>
        %unpack3A_466 = tpu.unpack_subelements %bitcast3A_465, 0 {pack_format = #tpu.pack_format<interleaved>} : vector<32xbf16> -> vector<16xf32>
        %unpack3A_467 = tpu.unpack_subelements %bitcast3A_465, 1 {pack_format = #tpu.pack_format<interleaved>} : vector<32xbf16> -> vector<16xf32>
        %mul3A_468 = arith.mulf %unpack3A_426, %unpack3A_466 : vector<16xf32>
        %add3A_469 = arith.addf %add3A_407, %mul3A_468 : vector<16xf32>
        %mul3A_470 = arith.mulf %unpack3A_427, %unpack3A_467 : vector<16xf32>
        %add3A_471 = arith.addf %add3A_469, %mul3A_470 : vector<16xf32>
        %add3A_472 = arith.constant 4 : i32
        %add3A_473 = vector.broadcast %add3A_472 : i32 to vector<16xi32>
        %add3A_474 = arith.addi %mul3A_116, %add3A_473 : vector<16xi32>
        %gather3A_475 = tpu.vector_load_idx %arg13[%add3A_474, %broadcast_in_dim3A_423] : memref<640x32xi32, #tpu.memory_space<vmem>>[vector<16xi32>, vector<16xi32>], vector<16xi32>,
        %bitcast3A_476 = vector.bitcast %gather3A_475 : vector<16xi32> to vector<32xbf16>
        %unpack3A_477 = tpu.unpack_subelements %bitcast3A_476, 0 {pack_format = #tpu.pack_format<interleaved>} : vector<32xbf16> -> vector<16xf32>
        %unpack3A_478 = tpu.unpack_subelements %bitcast3A_476, 1 {pack_format = #tpu.pack_format<interleaved>} : vector<32xbf16> -> vector<16xf32>
        %mul3A_479 = arith.mulf %unpack3A_426, %unpack3A_477 : vector<16xf32>
        %add3A_480 = arith.addf %add3A_418, %mul3A_479 : vector<16xf32>
        %mul3A_481 = arith.mulf %unpack3A_427, %unpack3A_478 : vector<16xf32>
        %add3A_482 = arith.addf %add3A_480, %mul3A_481 : vector<16xf32>
        %mul3A_483 = arith.constant 4 : i32
        %mul3A_484 = arith.muli %scan3A_288, %mul3A_483 : i32
        %add3A_485 = arith.constant 3 : i32
        %add3A_486 = arith.addi %mul3A_484, %add3A_485 : i32
        %broadcast_in_dim3A_487 = vector.broadcast %add3A_486 : i32 to vector<16xi32>
        %gather3A_488 = tpu.vector_load_idx %arg11[%add3A_113, %broadcast_in_dim3A_487] : memref<128x32xi32, #tpu.memory_space<vmem>>[vector<16xi32>, vector<16xi32>], vector<16xi32>,
        %bitcast3A_489 = vector.bitcast %gather3A_488 : vector<16xi32> to vector<32xbf16>
        %unpack3A_490 = tpu.unpack_subelements %bitcast3A_489, 0 {pack_format = #tpu.pack_format<interleaved>} : vector<32xbf16> -> vector<16xf32>
        %unpack3A_491 = tpu.unpack_subelements %bitcast3A_489, 1 {pack_format = #tpu.pack_format<interleaved>} : vector<32xbf16> -> vector<16xf32>
        %add3A_492 = arith.constant 0 : i32
        %add3A_493 = vector.broadcast %add3A_492 : i32 to vector<16xi32>
        %add3A_494 = arith.addi %mul3A_116, %add3A_493 : vector<16xi32>
        %gather3A_495 = tpu.vector_load_idx %arg13[%add3A_494, %broadcast_in_dim3A_487] : memref<640x32xi32, #tpu.memory_space<vmem>>[vector<16xi32>, vector<16xi32>], vector<16xi32>,
        %bitcast3A_496 = vector.bitcast %gather3A_495 : vector<16xi32> to vector<32xbf16>
        %unpack3A_497 = tpu.unpack_subelements %bitcast3A_496, 0 {pack_format = #tpu.pack_format<interleaved>} : vector<32xbf16> -> vector<16xf32>
        %unpack3A_498 = tpu.unpack_subelements %bitcast3A_496, 1 {pack_format = #tpu.pack_format<interleaved>} : vector<32xbf16> -> vector<16xf32>
        %mul3A_499 = arith.mulf %unpack3A_490, %unpack3A_497 : vector<16xf32>
        %add3A_500 = arith.addf %add3A_438, %mul3A_499 : vector<16xf32>
        %mul3A_501 = arith.mulf %unpack3A_491, %unpack3A_498 : vector<16xf32>
        %add3A_502 = arith.addf %add3A_500, %mul3A_501 : vector<16xf32>
        %add3A_503 = arith.constant 1 : i32
        %add3A_504 = vector.broadcast %add3A_503 : i32 to vector<16xi32>
        %add3A_505 = arith.addi %mul3A_116, %add3A_504 : vector<16xi32>
        %gather3A_506 = tpu.vector_load_idx %arg13[%add3A_505, %broadcast_in_dim3A_487] : memref<640x32xi32, #tpu.memory_space<vmem>>[vector<16xi32>, vector<16xi32>], vector<16xi32>,
        %bitcast3A_507 = vector.bitcast %gather3A_506 : vector<16xi32> to vector<32xbf16>
        %unpack3A_508 = tpu.unpack_subelements %bitcast3A_507, 0 {pack_format = #tpu.pack_format<interleaved>} : vector<32xbf16> -> vector<16xf32>
        %unpack3A_509 = tpu.unpack_subelements %bitcast3A_507, 1 {pack_format = #tpu.pack_format<interleaved>} : vector<32xbf16> -> vector<16xf32>
        %mul3A_510 = arith.mulf %unpack3A_490, %unpack3A_508 : vector<16xf32>
        %add3A_511 = arith.addf %add3A_449, %mul3A_510 : vector<16xf32>
        %mul3A_512 = arith.mulf %unpack3A_491, %unpack3A_509 : vector<16xf32>
        %add3A_513 = arith.addf %add3A_511, %mul3A_512 : vector<16xf32>
        %add3A_514 = arith.constant 2 : i32
        %add3A_515 = vector.broadcast %add3A_514 : i32 to vector<16xi32>
        %add3A_516 = arith.addi %mul3A_116, %add3A_515 : vector<16xi32>
        %gather3A_517 = tpu.vector_load_idx %arg13[%add3A_516, %broadcast_in_dim3A_487] : memref<640x32xi32, #tpu.memory_space<vmem>>[vector<16xi32>, vector<16xi32>], vector<16xi32>,
        %bitcast3A_518 = vector.bitcast %gather3A_517 : vector<16xi32> to vector<32xbf16>
        %unpack3A_519 = tpu.unpack_subelements %bitcast3A_518, 0 {pack_format = #tpu.pack_format<interleaved>} : vector<32xbf16> -> vector<16xf32>
        %unpack3A_520 = tpu.unpack_subelements %bitcast3A_518, 1 {pack_format = #tpu.pack_format<interleaved>} : vector<32xbf16> -> vector<16xf32>
        %mul3A_521 = arith.mulf %unpack3A_490, %unpack3A_519 : vector<16xf32>
        %add3A_522 = arith.addf %add3A_460, %mul3A_521 : vector<16xf32>
        %mul3A_523 = arith.mulf %unpack3A_491, %unpack3A_520 : vector<16xf32>
        %add3A_524 = arith.addf %add3A_522, %mul3A_523 : vector<16xf32>
        %add3A_525 = arith.constant 3 : i32
        %add3A_526 = vector.broadcast %add3A_525 : i32 to vector<16xi32>
        %add3A_527 = arith.addi %mul3A_116, %add3A_526 : vector<16xi32>
        %gather3A_528 = tpu.vector_load_idx %arg13[%add3A_527, %broadcast_in_dim3A_487] : memref<640x32xi32, #tpu.memory_space<vmem>>[vector<16xi32>, vector<16xi32>], vector<16xi32>,
        %bitcast3A_529 = vector.bitcast %gather3A_528 : vector<16xi32> to vector<32xbf16>
        %unpack3A_530 = tpu.unpack_subelements %bitcast3A_529, 0 {pack_format = #tpu.pack_format<interleaved>} : vector<32xbf16> -> vector<16xf32>
        %unpack3A_531 = tpu.unpack_subelements %bitcast3A_529, 1 {pack_format = #tpu.pack_format<interleaved>} : vector<32xbf16> -> vector<16xf32>
        %mul3A_532 = arith.mulf %unpack3A_490, %unpack3A_530 : vector<16xf32>
        %add3A_533 = arith.addf %add3A_471, %mul3A_532 : vector<16xf32>
        %mul3A_534 = arith.mulf %unpack3A_491, %unpack3A_531 : vector<16xf32>
        %add3A_535 = arith.addf %add3A_533, %mul3A_534 : vector<16xf32>
        %add3A_536 = arith.constant 4 : i32
        %add3A_537 = vector.broadcast %add3A_536 : i32 to vector<16xi32>
        %add3A_538 = arith.addi %mul3A_116, %add3A_537 : vector<16xi32>
        %gather3A_539 = tpu.vector_load_idx %arg13[%add3A_538, %broadcast_in_dim3A_487] : memref<640x32xi32, #tpu.memory_space<vmem>>[vector<16xi32>, vector<16xi32>], vector<16xi32>,
        %bitcast3A_540 = vector.bitcast %gather3A_539 : vector<16xi32> to vector<32xbf16>
        %unpack3A_541 = tpu.unpack_subelements %bitcast3A_540, 0 {pack_format = #tpu.pack_format<interleaved>} : vector<32xbf16> -> vector<16xf32>
        %unpack3A_542 = tpu.unpack_subelements %bitcast3A_540, 1 {pack_format = #tpu.pack_format<interleaved>} : vector<32xbf16> -> vector<16xf32>
        %mul3A_543 = arith.mulf %unpack3A_490, %unpack3A_541 : vector<16xf32>
        %add3A_544 = arith.addf %add3A_482, %mul3A_543 : vector<16xf32>
        %mul3A_545 = arith.mulf %unpack3A_491, %unpack3A_542 : vector<16xf32>
        %add3A_546 = arith.addf %add3A_544, %mul3A_545 : vector<16xf32>
        scf.yield %add3A_502, %add3A_513, %add3A_524, %add3A_535, %add3A_546 : vector<16xf32>, vector<16xf32>, vector<16xf32>, vector<16xf32>, vector<16xf32>
      }
      %scan3A_137 = arith.constant 8 : i32
      %broadcast_in_dim3A_138 = arith.constant 0.000000e+00 : f32
      %broadcast_in_dim3A_139 = vector.broadcast %broadcast_in_dim3A_138 : f32 to vector<16xf32>
      %sub3A = arith.subf %scan3A_136#1, %scan3A_136#0 : vector<16xf32>
      %max3A = arith.constant 0.000000e+00 : f32
      %max3A_140 = vector.broadcast %max3A : f32 to vector<16xf32>
      %max3A_141 = arith.maximumf %sub3A, %max3A_140 : vector<16xf32>
      %abs3A = math.absf %sub3A : vector<16xf32>
      %neg3A = arith.constant 0.000000e+00 : f32
      %neg3A_142 = vector.broadcast %neg3A : f32 to vector<16xf32>
      %neg3A_143 = arith.subf %neg3A_142, %abs3A : vector<16xf32>
      %exp3A = math.exp %neg3A_143 : vector<16xf32>
      %add3A_144 = arith.constant 2.000000e+00 : f32
      %add3A_145 = vector.broadcast %add3A_144 : f32 to vector<16xf32>
      %add3A_146 = arith.addf %exp3A, %add3A_145 : vector<16xf32>
      %div3A = arith.divf %exp3A, %add3A_146 : vector<16xf32>
      %mul3A_147 = arith.mulf %div3A, %div3A : vector<16xf32>
      %mul3A_148 = arith.constant 0.111111112 : f32
      %mul3A_149 = vector.broadcast %mul3A_148 : f32 to vector<16xf32>
      %mul3A_150 = arith.mulf %mul3A_147, %mul3A_149 : vector<16xf32>
      %add3A_151 = arith.constant 0.142857149 : f32
      %add3A_152 = vector.broadcast %add3A_151 : f32 to vector<16xf32>
      %add3A_153 = arith.addf %add3A_152, %mul3A_150 : vector<16xf32>
      %mul3A_154 = arith.mulf %mul3A_147, %add3A_153 : vector<16xf32>
      %add3A_155 = arith.constant 2.000000e-01 : f32
      %add3A_156 = vector.broadcast %add3A_155 : f32 to vector<16xf32>
      %add3A_157 = arith.addf %add3A_156, %mul3A_154 : vector<16xf32>
      %mul3A_158 = arith.mulf %mul3A_147, %add3A_157 : vector<16xf32>
      %add3A_159 = arith.constant 0.333333343 : f32
      %add3A_160 = vector.broadcast %add3A_159 : f32 to vector<16xf32>
      %add3A_161 = arith.addf %add3A_160, %mul3A_158 : vector<16xf32>
      %mul3A_162 = arith.mulf %mul3A_147, %add3A_161 : vector<16xf32>
      %add3A_163 = arith.constant 1.000000e+00 : f32
      %add3A_164 = vector.broadcast %add3A_163 : f32 to vector<16xf32>
      %add3A_165 = arith.addf %add3A_164, %mul3A_162 : vector<16xf32>
      %mul3A_166 = arith.constant 2.000000e+00 : f32
      %mul3A_167 = vector.broadcast %mul3A_166 : f32 to vector<16xf32>
      %mul3A_168 = arith.mulf %mul3A_167, %div3A : vector<16xf32>
      %mul3A_169 = arith.mulf %mul3A_168, %add3A_165 : vector<16xf32>
      %add3A_170 = arith.addf %max3A_141, %mul3A_169 : vector<16xf32>
      %add3A_171 = arith.addf %broadcast_in_dim3A_139, %add3A_170 : vector<16xf32>
      %sub3A_172 = arith.subf %scan3A_136#2, %scan3A_136#0 : vector<16xf32>
      %max3A_173 = arith.constant 0.000000e+00 : f32
      %max3A_174 = vector.broadcast %max3A_173 : f32 to vector<16xf32>
      %max3A_175 = arith.maximumf %sub3A_172, %max3A_174 : vector<16xf32>
      %abs3A_176 = math.absf %sub3A_172 : vector<16xf32>
      %neg3A_177 = arith.constant 0.000000e+00 : f32
      %neg3A_178 = vector.broadcast %neg3A_177 : f32 to vector<16xf32>
      %neg3A_179 = arith.subf %neg3A_178, %abs3A_176 : vector<16xf32>
      %exp3A_180 = math.exp %neg3A_179 : vector<16xf32>
      %add3A_181 = arith.constant 2.000000e+00 : f32
      %add3A_182 = vector.broadcast %add3A_181 : f32 to vector<16xf32>
      %add3A_183 = arith.addf %exp3A_180, %add3A_182 : vector<16xf32>
      %div3A_184 = arith.divf %exp3A_180, %add3A_183 : vector<16xf32>
      %mul3A_185 = arith.mulf %div3A_184, %div3A_184 : vector<16xf32>
      %mul3A_186 = arith.constant 0.111111112 : f32
      %mul3A_187 = vector.broadcast %mul3A_186 : f32 to vector<16xf32>
      %mul3A_188 = arith.mulf %mul3A_185, %mul3A_187 : vector<16xf32>
      %add3A_189 = arith.constant 0.142857149 : f32
      %add3A_190 = vector.broadcast %add3A_189 : f32 to vector<16xf32>
      %add3A_191 = arith.addf %add3A_190, %mul3A_188 : vector<16xf32>
      %mul3A_192 = arith.mulf %mul3A_185, %add3A_191 : vector<16xf32>
      %add3A_193 = arith.constant 2.000000e-01 : f32
      %add3A_194 = vector.broadcast %add3A_193 : f32 to vector<16xf32>
      %add3A_195 = arith.addf %add3A_194, %mul3A_192 : vector<16xf32>
      %mul3A_196 = arith.mulf %mul3A_185, %add3A_195 : vector<16xf32>
      %add3A_197 = arith.constant 0.333333343 : f32
      %add3A_198 = vector.broadcast %add3A_197 : f32 to vector<16xf32>
      %add3A_199 = arith.addf %add3A_198, %mul3A_196 : vector<16xf32>
      %mul3A_200 = arith.mulf %mul3A_185, %add3A_199 : vector<16xf32>
      %add3A_201 = arith.constant 1.000000e+00 : f32
      %add3A_202 = vector.broadcast %add3A_201 : f32 to vector<16xf32>
      %add3A_203 = arith.addf %add3A_202, %mul3A_200 : vector<16xf32>
      %mul3A_204 = arith.constant 2.000000e+00 : f32
      %mul3A_205 = vector.broadcast %mul3A_204 : f32 to vector<16xf32>
      %mul3A_206 = arith.mulf %mul3A_205, %div3A_184 : vector<16xf32>
      %mul3A_207 = arith.mulf %mul3A_206, %add3A_203 : vector<16xf32>
      %add3A_208 = arith.addf %max3A_175, %mul3A_207 : vector<16xf32>
      %add3A_209 = arith.addf %add3A_171, %add3A_208 : vector<16xf32>
      %sub3A_210 = arith.subf %scan3A_136#3, %scan3A_136#0 : vector<16xf32>
      %max3A_211 = arith.constant 0.000000e+00 : f32
      %max3A_212 = vector.broadcast %max3A_211 : f32 to vector<16xf32>
      %max3A_213 = arith.maximumf %sub3A_210, %max3A_212 : vector<16xf32>
      %abs3A_214 = math.absf %sub3A_210 : vector<16xf32>
      %neg3A_215 = arith.constant 0.000000e+00 : f32
      %neg3A_216 = vector.broadcast %neg3A_215 : f32 to vector<16xf32>
      %neg3A_217 = arith.subf %neg3A_216, %abs3A_214 : vector<16xf32>
      %exp3A_218 = math.exp %neg3A_217 : vector<16xf32>
      %add3A_219 = arith.constant 2.000000e+00 : f32
      %add3A_220 = vector.broadcast %add3A_219 : f32 to vector<16xf32>
      %add3A_221 = arith.addf %exp3A_218, %add3A_220 : vector<16xf32>
      %div3A_222 = arith.divf %exp3A_218, %add3A_221 : vector<16xf32>
      %mul3A_223 = arith.mulf %div3A_222, %div3A_222 : vector<16xf32>
      %mul3A_224 = arith.constant 0.111111112 : f32
      %mul3A_225 = vector.broadcast %mul3A_224 : f32 to vector<16xf32>
      %mul3A_226 = arith.mulf %mul3A_223, %mul3A_225 : vector<16xf32>
      %add3A_227 = arith.constant 0.142857149 : f32
      %add3A_228 = vector.broadcast %add3A_227 : f32 to vector<16xf32>
      %add3A_229 = arith.addf %add3A_228, %mul3A_226 : vector<16xf32>
      %mul3A_230 = arith.mulf %mul3A_223, %add3A_229 : vector<16xf32>
      %add3A_231 = arith.constant 2.000000e-01 : f32
      %add3A_232 = vector.broadcast %add3A_231 : f32 to vector<16xf32>
      %add3A_233 = arith.addf %add3A_232, %mul3A_230 : vector<16xf32>
      %mul3A_234 = arith.mulf %mul3A_223, %add3A_233 : vector<16xf32>
      %add3A_235 = arith.constant 0.333333343 : f32
      %add3A_236 = vector.broadcast %add3A_235 : f32 to vector<16xf32>
      %add3A_237 = arith.addf %add3A_236, %mul3A_234 : vector<16xf32>
      %mul3A_238 = arith.mulf %mul3A_223, %add3A_237 : vector<16xf32>
      %add3A_239 = arith.constant 1.000000e+00 : f32
      %add3A_240 = vector.broadcast %add3A_239 : f32 to vector<16xf32>
      %add3A_241 = arith.addf %add3A_240, %mul3A_238 : vector<16xf32>
      %mul3A_242 = arith.constant 2.000000e+00 : f32
      %mul3A_243 = vector.broadcast %mul3A_242 : f32 to vector<16xf32>
      %mul3A_244 = arith.mulf %mul3A_243, %div3A_222 : vector<16xf32>
      %mul3A_245 = arith.mulf %mul3A_244, %add3A_241 : vector<16xf32>
      %add3A_246 = arith.addf %max3A_213, %mul3A_245 : vector<16xf32>
      %add3A_247 = arith.addf %add3A_209, %add3A_246 : vector<16xf32>
      %sub3A_248 = arith.subf %scan3A_136#4, %scan3A_136#0 : vector<16xf32>
      %max3A_249 = arith.constant 0.000000e+00 : f32
      %max3A_250 = vector.broadcast %max3A_249 : f32 to vector<16xf32>
      %max3A_251 = arith.maximumf %sub3A_248, %max3A_250 : vector<16xf32>
      %abs3A_252 = math.absf %sub3A_248 : vector<16xf32>
      %neg3A_253 = arith.constant 0.000000e+00 : f32
      %neg3A_254 = vector.broadcast %neg3A_253 : f32 to vector<16xf32>
      %neg3A_255 = arith.subf %neg3A_254, %abs3A_252 : vector<16xf32>
      %exp3A_256 = math.exp %neg3A_255 : vector<16xf32>
      %add3A_257 = arith.constant 2.000000e+00 : f32
      %add3A_258 = vector.broadcast %add3A_257 : f32 to vector<16xf32>
      %add3A_259 = arith.addf %exp3A_256, %add3A_258 : vector<16xf32>
      %div3A_260 = arith.divf %exp3A_256, %add3A_259 : vector<16xf32>
      %mul3A_261 = arith.mulf %div3A_260, %div3A_260 : vector<16xf32>
      %mul3A_262 = arith.constant 0.111111112 : f32
      %mul3A_263 = vector.broadcast %mul3A_262 : f32 to vector<16xf32>
      %mul3A_264 = arith.mulf %mul3A_261, %mul3A_263 : vector<16xf32>
      %add3A_265 = arith.constant 0.142857149 : f32
      %add3A_266 = vector.broadcast %add3A_265 : f32 to vector<16xf32>
      %add3A_267 = arith.addf %add3A_266, %mul3A_264 : vector<16xf32>
      %mul3A_268 = arith.mulf %mul3A_261, %add3A_267 : vector<16xf32>
      %add3A_269 = arith.constant 2.000000e-01 : f32
      %add3A_270 = vector.broadcast %add3A_269 : f32 to vector<16xf32>
      %add3A_271 = arith.addf %add3A_270, %mul3A_268 : vector<16xf32>
      %mul3A_272 = arith.mulf %mul3A_261, %add3A_271 : vector<16xf32>
      %add3A_273 = arith.constant 0.333333343 : f32
      %add3A_274 = vector.broadcast %add3A_273 : f32 to vector<16xf32>
      %add3A_275 = arith.addf %add3A_274, %mul3A_272 : vector<16xf32>
      %mul3A_276 = arith.mulf %mul3A_261, %add3A_275 : vector<16xf32>
      %add3A_277 = arith.constant 1.000000e+00 : f32
      %add3A_278 = vector.broadcast %add3A_277 : f32 to vector<16xf32>
      %add3A_279 = arith.addf %add3A_278, %mul3A_276 : vector<16xf32>
      %mul3A_280 = arith.constant 2.000000e+00 : f32
      %mul3A_281 = vector.broadcast %mul3A_280 : f32 to vector<16xf32>
      %mul3A_282 = arith.mulf %mul3A_281, %div3A_260 : vector<16xf32>
      %mul3A_283 = arith.mulf %mul3A_282, %add3A_279 : vector<16xf32>
      %add3A_284 = arith.addf %max3A_251, %mul3A_283 : vector<16xf32>
      %add3A_285 = arith.addf %add3A_247, %add3A_284 : vector<16xf32>
      %mul3A_286 = arith.mulf %get3A_121, %add3A_285 : vector<16xf32>
      %add3A_287 = arith.addf %scan3A_109, %mul3A_286 : vector<16xf32>
      scf.yield %add3A_287 : vector<16xf32>
    }
    %scan3A_90 = arith.constant 8 : i32
    %dma_wait3A_91 = arith.constant 384 : i32
    %dma_wait3A_92 = tpu.memref_slice %arg8[%dma_wait3A_91] : memref<512xi32, #tpu.memory_space<vmem>> -> memref<128xi32, #tpu.memory_space<vmem>>
    %dma_wait3A_93 = arith.constant 0 : i32
    %dma_wait3A_94 = arith.constant 0 : i32
    %dma_wait3A_95 = tpu.memref_slice %arg2[%dma_wait3A_93, %dma_wait3A_94] : memref<100000x32xi32, #tpu.memory_space<hbm>> -> memref<100000x32xi32, #tpu.memory_space<hbm>>
    tpu.wait_indirect_dma semaphore(%arg17 : memref<!tpu.dma_semaphore, #tpu.memory_space<semaphore_mem>>) src(%dma_wait3A_95 : memref<100000x32xi32, #tpu.memory_space<hbm>>) dst(%arg12 : memref<128x32xi32, #tpu.memory_space<vmem>>)
    %dma_wait3A_96 = arith.constant 1920 : i32
    %dma_wait3A_97 = tpu.memref_slice %arg9[%dma_wait3A_96] : memref<2560xi32, #tpu.memory_space<vmem>> -> memref<640xi32, #tpu.memory_space<vmem>>
    %dma_wait3A_98 = arith.constant 0 : i32
    %dma_wait3A_99 = arith.constant 0 : i32
    %dma_wait3A_100 = tpu.memref_slice %arg3[%dma_wait3A_98, %dma_wait3A_99] : memref<1000000x32xi32, #tpu.memory_space<hbm>> -> memref<1000000x32xi32, #tpu.memory_space<hbm>>
    tpu.wait_indirect_dma semaphore(%arg17 : memref<!tpu.dma_semaphore, #tpu.memory_space<semaphore_mem>>) src(%dma_wait3A_100 : memref<1000000x32xi32, #tpu.memory_space<hbm>>) dst(%arg14 : memref<640x32xi32, #tpu.memory_space<vmem>>)
    %scan3A_101 = arith.constant 0 : i32
    %scan3A_102 = arith.constant 8 : i32
    %scan3A_103 = arith.addi %scan3A_101, %scan3A_102 : i32
    %scan3A_104 = arith.constant 1 : i32
    %scan3A_105 = scf.for %scan3A_108 = %scan3A_101 to %scan3A_103 step %scan3A_104 iter_args(%scan3A_109 = %scan3A_89) -> (vector<16xf32>)  : i32 {
      %mul3A_110 = arith.constant 16 : i32
      %mul3A_111 = arith.muli %scan3A_108, %mul3A_110 : i32
      %add3A_112 = vector.broadcast %mul3A_111 : i32 to vector<16xi32>
      %add3A_113 = arith.addi %add3A_112, %iota3A : vector<16xi32>
      %mul3A_114 = arith.constant 5 : i32
      %mul3A_115 = vector.broadcast %mul3A_114 : i32 to vector<16xi32>
      %mul3A_116 = arith.muli %add3A_113, %mul3A_115 : vector<16xi32>
      %mul3A_117 = arith.constant 16 : i32
      %mul3A_118 = arith.muli %scan3A_108, %mul3A_117 : i32
      %add3A_119 = arith.constant 384 : i32
      %add3A_120 = arith.addi %add3A_119, %mul3A_118 : i32
      %get3A = arith.index_cast %add3A_120 : i32 to index
      %get3A_121 = tpu.vector_load %arg10[%get3A] {strides = array<i32>} : memref<512xf32, #tpu.memory_space<vmem>>, vector<16xf32>,
      %broadcast_in_dim3A_122 = arith.constant 0.000000e+00 : f32
      %broadcast_in_dim3A_123 = vector.broadcast %broadcast_in_dim3A_122 : f32 to vector<16xf32>
      %broadcast_in_dim3A_124 = arith.constant 0.000000e+00 : f32
      %broadcast_in_dim3A_125 = vector.broadcast %broadcast_in_dim3A_124 : f32 to vector<16xf32>
      %broadcast_in_dim3A_126 = arith.constant 0.000000e+00 : f32
      %broadcast_in_dim3A_127 = vector.broadcast %broadcast_in_dim3A_126 : f32 to vector<16xf32>
      %broadcast_in_dim3A_128 = arith.constant 0.000000e+00 : f32
      %broadcast_in_dim3A_129 = vector.broadcast %broadcast_in_dim3A_128 : f32 to vector<16xf32>
      %broadcast_in_dim3A_130 = arith.constant 0.000000e+00 : f32
      %broadcast_in_dim3A_131 = vector.broadcast %broadcast_in_dim3A_130 : f32 to vector<16xf32>
      %scan3A_132 = arith.constant 0 : i32
      %scan3A_133 = arith.constant 8 : i32
      %scan3A_134 = arith.addi %scan3A_132, %scan3A_133 : i32
      %scan3A_135 = arith.constant 1 : i32
      %scan3A_136:5 = scf.for %scan3A_288 = %scan3A_132 to %scan3A_134 step %scan3A_135 iter_args(%scan3A_289 = %broadcast_in_dim3A_123, %scan3A_290 = %broadcast_in_dim3A_125, %scan3A_291 = %broadcast_in_dim3A_127, %scan3A_292 = %broadcast_in_dim3A_129, %scan3A_293 = %broadcast_in_dim3A_131) -> (vector<16xf32>, vector<16xf32>, vector<16xf32>, vector<16xf32>, vector<16xf32>)  : i32 {
        %mul3A_294 = arith.constant 4 : i32
        %mul3A_295 = arith.muli %scan3A_288, %mul3A_294 : i32
        %add3A_296 = arith.constant 0 : i32
        %add3A_297 = arith.addi %mul3A_295, %add3A_296 : i32
        %broadcast_in_dim3A_298 = vector.broadcast %add3A_297 : i32 to vector<16xi32>
        %gather3A = tpu.vector_load_idx %arg12[%add3A_113, %broadcast_in_dim3A_298] : memref<128x32xi32, #tpu.memory_space<vmem>>[vector<16xi32>, vector<16xi32>], vector<16xi32>,
        %bitcast3A = vector.bitcast %gather3A : vector<16xi32> to vector<32xbf16>
        %unpack3A = tpu.unpack_subelements %bitcast3A, 0 {pack_format = #tpu.pack_format<interleaved>} : vector<32xbf16> -> vector<16xf32>
        %unpack3A_299 = tpu.unpack_subelements %bitcast3A, 1 {pack_format = #tpu.pack_format<interleaved>} : vector<32xbf16> -> vector<16xf32>
        %add3A_300 = arith.constant 0 : i32
        %add3A_301 = vector.broadcast %add3A_300 : i32 to vector<16xi32>
        %add3A_302 = arith.addi %mul3A_116, %add3A_301 : vector<16xi32>
        %gather3A_303 = tpu.vector_load_idx %arg14[%add3A_302, %broadcast_in_dim3A_298] : memref<640x32xi32, #tpu.memory_space<vmem>>[vector<16xi32>, vector<16xi32>], vector<16xi32>,
        %bitcast3A_304 = vector.bitcast %gather3A_303 : vector<16xi32> to vector<32xbf16>
        %unpack3A_305 = tpu.unpack_subelements %bitcast3A_304, 0 {pack_format = #tpu.pack_format<interleaved>} : vector<32xbf16> -> vector<16xf32>
        %unpack3A_306 = tpu.unpack_subelements %bitcast3A_304, 1 {pack_format = #tpu.pack_format<interleaved>} : vector<32xbf16> -> vector<16xf32>
        %mul3A_307 = arith.mulf %unpack3A, %unpack3A_305 : vector<16xf32>
        %add3A_308 = arith.addf %scan3A_289, %mul3A_307 : vector<16xf32>
        %mul3A_309 = arith.mulf %unpack3A_299, %unpack3A_306 : vector<16xf32>
        %add3A_310 = arith.addf %add3A_308, %mul3A_309 : vector<16xf32>
        %add3A_311 = arith.constant 1 : i32
        %add3A_312 = vector.broadcast %add3A_311 : i32 to vector<16xi32>
        %add3A_313 = arith.addi %mul3A_116, %add3A_312 : vector<16xi32>
        %gather3A_314 = tpu.vector_load_idx %arg14[%add3A_313, %broadcast_in_dim3A_298] : memref<640x32xi32, #tpu.memory_space<vmem>>[vector<16xi32>, vector<16xi32>], vector<16xi32>,
        %bitcast3A_315 = vector.bitcast %gather3A_314 : vector<16xi32> to vector<32xbf16>
        %unpack3A_316 = tpu.unpack_subelements %bitcast3A_315, 0 {pack_format = #tpu.pack_format<interleaved>} : vector<32xbf16> -> vector<16xf32>
        %unpack3A_317 = tpu.unpack_subelements %bitcast3A_315, 1 {pack_format = #tpu.pack_format<interleaved>} : vector<32xbf16> -> vector<16xf32>
        %mul3A_318 = arith.mulf %unpack3A, %unpack3A_316 : vector<16xf32>
        %add3A_319 = arith.addf %scan3A_290, %mul3A_318 : vector<16xf32>
        %mul3A_320 = arith.mulf %unpack3A_299, %unpack3A_317 : vector<16xf32>
        %add3A_321 = arith.addf %add3A_319, %mul3A_320 : vector<16xf32>
        %add3A_322 = arith.constant 2 : i32
        %add3A_323 = vector.broadcast %add3A_322 : i32 to vector<16xi32>
        %add3A_324 = arith.addi %mul3A_116, %add3A_323 : vector<16xi32>
        %gather3A_325 = tpu.vector_load_idx %arg14[%add3A_324, %broadcast_in_dim3A_298] : memref<640x32xi32, #tpu.memory_space<vmem>>[vector<16xi32>, vector<16xi32>], vector<16xi32>,
        %bitcast3A_326 = vector.bitcast %gather3A_325 : vector<16xi32> to vector<32xbf16>
        %unpack3A_327 = tpu.unpack_subelements %bitcast3A_326, 0 {pack_format = #tpu.pack_format<interleaved>} : vector<32xbf16> -> vector<16xf32>
        %unpack3A_328 = tpu.unpack_subelements %bitcast3A_326, 1 {pack_format = #tpu.pack_format<interleaved>} : vector<32xbf16> -> vector<16xf32>
        %mul3A_329 = arith.mulf %unpack3A, %unpack3A_327 : vector<16xf32>
        %add3A_330 = arith.addf %scan3A_291, %mul3A_329 : vector<16xf32>
        %mul3A_331 = arith.mulf %unpack3A_299, %unpack3A_328 : vector<16xf32>
        %add3A_332 = arith.addf %add3A_330, %mul3A_331 : vector<16xf32>
        %add3A_333 = arith.constant 3 : i32
        %add3A_334 = vector.broadcast %add3A_333 : i32 to vector<16xi32>
        %add3A_335 = arith.addi %mul3A_116, %add3A_334 : vector<16xi32>
        %gather3A_336 = tpu.vector_load_idx %arg14[%add3A_335, %broadcast_in_dim3A_298] : memref<640x32xi32, #tpu.memory_space<vmem>>[vector<16xi32>, vector<16xi32>], vector<16xi32>,
        %bitcast3A_337 = vector.bitcast %gather3A_336 : vector<16xi32> to vector<32xbf16>
        %unpack3A_338 = tpu.unpack_subelements %bitcast3A_337, 0 {pack_format = #tpu.pack_format<interleaved>} : vector<32xbf16> -> vector<16xf32>
        %unpack3A_339 = tpu.unpack_subelements %bitcast3A_337, 1 {pack_format = #tpu.pack_format<interleaved>} : vector<32xbf16> -> vector<16xf32>
        %mul3A_340 = arith.mulf %unpack3A, %unpack3A_338 : vector<16xf32>
        %add3A_341 = arith.addf %scan3A_292, %mul3A_340 : vector<16xf32>
        %mul3A_342 = arith.mulf %unpack3A_299, %unpack3A_339 : vector<16xf32>
        %add3A_343 = arith.addf %add3A_341, %mul3A_342 : vector<16xf32>
        %add3A_344 = arith.constant 4 : i32
        %add3A_345 = vector.broadcast %add3A_344 : i32 to vector<16xi32>
        %add3A_346 = arith.addi %mul3A_116, %add3A_345 : vector<16xi32>
        %gather3A_347 = tpu.vector_load_idx %arg14[%add3A_346, %broadcast_in_dim3A_298] : memref<640x32xi32, #tpu.memory_space<vmem>>[vector<16xi32>, vector<16xi32>], vector<16xi32>,
        %bitcast3A_348 = vector.bitcast %gather3A_347 : vector<16xi32> to vector<32xbf16>
        %unpack3A_349 = tpu.unpack_subelements %bitcast3A_348, 0 {pack_format = #tpu.pack_format<interleaved>} : vector<32xbf16> -> vector<16xf32>
        %unpack3A_350 = tpu.unpack_subelements %bitcast3A_348, 1 {pack_format = #tpu.pack_format<interleaved>} : vector<32xbf16> -> vector<16xf32>
        %mul3A_351 = arith.mulf %unpack3A, %unpack3A_349 : vector<16xf32>
        %add3A_352 = arith.addf %scan3A_293, %mul3A_351 : vector<16xf32>
        %mul3A_353 = arith.mulf %unpack3A_299, %unpack3A_350 : vector<16xf32>
        %add3A_354 = arith.addf %add3A_352, %mul3A_353 : vector<16xf32>
        %mul3A_355 = arith.constant 4 : i32
        %mul3A_356 = arith.muli %scan3A_288, %mul3A_355 : i32
        %add3A_357 = arith.constant 1 : i32
        %add3A_358 = arith.addi %mul3A_356, %add3A_357 : i32
        %broadcast_in_dim3A_359 = vector.broadcast %add3A_358 : i32 to vector<16xi32>
        %gather3A_360 = tpu.vector_load_idx %arg12[%add3A_113, %broadcast_in_dim3A_359] : memref<128x32xi32, #tpu.memory_space<vmem>>[vector<16xi32>, vector<16xi32>], vector<16xi32>,
        %bitcast3A_361 = vector.bitcast %gather3A_360 : vector<16xi32> to vector<32xbf16>
        %unpack3A_362 = tpu.unpack_subelements %bitcast3A_361, 0 {pack_format = #tpu.pack_format<interleaved>} : vector<32xbf16> -> vector<16xf32>
        %unpack3A_363 = tpu.unpack_subelements %bitcast3A_361, 1 {pack_format = #tpu.pack_format<interleaved>} : vector<32xbf16> -> vector<16xf32>
        %add3A_364 = arith.constant 0 : i32
        %add3A_365 = vector.broadcast %add3A_364 : i32 to vector<16xi32>
        %add3A_366 = arith.addi %mul3A_116, %add3A_365 : vector<16xi32>
        %gather3A_367 = tpu.vector_load_idx %arg14[%add3A_366, %broadcast_in_dim3A_359] : memref<640x32xi32, #tpu.memory_space<vmem>>[vector<16xi32>, vector<16xi32>], vector<16xi32>,
        %bitcast3A_368 = vector.bitcast %gather3A_367 : vector<16xi32> to vector<32xbf16>
        %unpack3A_369 = tpu.unpack_subelements %bitcast3A_368, 0 {pack_format = #tpu.pack_format<interleaved>} : vector<32xbf16> -> vector<16xf32>
        %unpack3A_370 = tpu.unpack_subelements %bitcast3A_368, 1 {pack_format = #tpu.pack_format<interleaved>} : vector<32xbf16> -> vector<16xf32>
        %mul3A_371 = arith.mulf %unpack3A_362, %unpack3A_369 : vector<16xf32>
        %add3A_372 = arith.addf %add3A_310, %mul3A_371 : vector<16xf32>
        %mul3A_373 = arith.mulf %unpack3A_363, %unpack3A_370 : vector<16xf32>
        %add3A_374 = arith.addf %add3A_372, %mul3A_373 : vector<16xf32>
        %add3A_375 = arith.constant 1 : i32
        %add3A_376 = vector.broadcast %add3A_375 : i32 to vector<16xi32>
        %add3A_377 = arith.addi %mul3A_116, %add3A_376 : vector<16xi32>
        %gather3A_378 = tpu.vector_load_idx %arg14[%add3A_377, %broadcast_in_dim3A_359] : memref<640x32xi32, #tpu.memory_space<vmem>>[vector<16xi32>, vector<16xi32>], vector<16xi32>,
        %bitcast3A_379 = vector.bitcast %gather3A_378 : vector<16xi32> to vector<32xbf16>
        %unpack3A_380 = tpu.unpack_subelements %bitcast3A_379, 0 {pack_format = #tpu.pack_format<interleaved>} : vector<32xbf16> -> vector<16xf32>
        %unpack3A_381 = tpu.unpack_subelements %bitcast3A_379, 1 {pack_format = #tpu.pack_format<interleaved>} : vector<32xbf16> -> vector<16xf32>
        %mul3A_382 = arith.mulf %unpack3A_362, %unpack3A_380 : vector<16xf32>
        %add3A_383 = arith.addf %add3A_321, %mul3A_382 : vector<16xf32>
        %mul3A_384 = arith.mulf %unpack3A_363, %unpack3A_381 : vector<16xf32>
        %add3A_385 = arith.addf %add3A_383, %mul3A_384 : vector<16xf32>
        %add3A_386 = arith.constant 2 : i32
        %add3A_387 = vector.broadcast %add3A_386 : i32 to vector<16xi32>
        %add3A_388 = arith.addi %mul3A_116, %add3A_387 : vector<16xi32>
        %gather3A_389 = tpu.vector_load_idx %arg14[%add3A_388, %broadcast_in_dim3A_359] : memref<640x32xi32, #tpu.memory_space<vmem>>[vector<16xi32>, vector<16xi32>], vector<16xi32>,
        %bitcast3A_390 = vector.bitcast %gather3A_389 : vector<16xi32> to vector<32xbf16>
        %unpack3A_391 = tpu.unpack_subelements %bitcast3A_390, 0 {pack_format = #tpu.pack_format<interleaved>} : vector<32xbf16> -> vector<16xf32>
        %unpack3A_392 = tpu.unpack_subelements %bitcast3A_390, 1 {pack_format = #tpu.pack_format<interleaved>} : vector<32xbf16> -> vector<16xf32>
        %mul3A_393 = arith.mulf %unpack3A_362, %unpack3A_391 : vector<16xf32>
        %add3A_394 = arith.addf %add3A_332, %mul3A_393 : vector<16xf32>
        %mul3A_395 = arith.mulf %unpack3A_363, %unpack3A_392 : vector<16xf32>
        %add3A_396 = arith.addf %add3A_394, %mul3A_395 : vector<16xf32>
        %add3A_397 = arith.constant 3 : i32
        %add3A_398 = vector.broadcast %add3A_397 : i32 to vector<16xi32>
        %add3A_399 = arith.addi %mul3A_116, %add3A_398 : vector<16xi32>
        %gather3A_400 = tpu.vector_load_idx %arg14[%add3A_399, %broadcast_in_dim3A_359] : memref<640x32xi32, #tpu.memory_space<vmem>>[vector<16xi32>, vector<16xi32>], vector<16xi32>,
        %bitcast3A_401 = vector.bitcast %gather3A_400 : vector<16xi32> to vector<32xbf16>
        %unpack3A_402 = tpu.unpack_subelements %bitcast3A_401, 0 {pack_format = #tpu.pack_format<interleaved>} : vector<32xbf16> -> vector<16xf32>
        %unpack3A_403 = tpu.unpack_subelements %bitcast3A_401, 1 {pack_format = #tpu.pack_format<interleaved>} : vector<32xbf16> -> vector<16xf32>
        %mul3A_404 = arith.mulf %unpack3A_362, %unpack3A_402 : vector<16xf32>
        %add3A_405 = arith.addf %add3A_343, %mul3A_404 : vector<16xf32>
        %mul3A_406 = arith.mulf %unpack3A_363, %unpack3A_403 : vector<16xf32>
        %add3A_407 = arith.addf %add3A_405, %mul3A_406 : vector<16xf32>
        %add3A_408 = arith.constant 4 : i32
        %add3A_409 = vector.broadcast %add3A_408 : i32 to vector<16xi32>
        %add3A_410 = arith.addi %mul3A_116, %add3A_409 : vector<16xi32>
        %gather3A_411 = tpu.vector_load_idx %arg14[%add3A_410, %broadcast_in_dim3A_359] : memref<640x32xi32, #tpu.memory_space<vmem>>[vector<16xi32>, vector<16xi32>], vector<16xi32>,
        %bitcast3A_412 = vector.bitcast %gather3A_411 : vector<16xi32> to vector<32xbf16>
        %unpack3A_413 = tpu.unpack_subelements %bitcast3A_412, 0 {pack_format = #tpu.pack_format<interleaved>} : vector<32xbf16> -> vector<16xf32>
        %unpack3A_414 = tpu.unpack_subelements %bitcast3A_412, 1 {pack_format = #tpu.pack_format<interleaved>} : vector<32xbf16> -> vector<16xf32>
        %mul3A_415 = arith.mulf %unpack3A_362, %unpack3A_413 : vector<16xf32>
        %add3A_416 = arith.addf %add3A_354, %mul3A_415 : vector<16xf32>
        %mul3A_417 = arith.mulf %unpack3A_363, %unpack3A_414 : vector<16xf32>
        %add3A_418 = arith.addf %add3A_416, %mul3A_417 : vector<16xf32>
        %mul3A_419 = arith.constant 4 : i32
        %mul3A_420 = arith.muli %scan3A_288, %mul3A_419 : i32
        %add3A_421 = arith.constant 2 : i32
        %add3A_422 = arith.addi %mul3A_420, %add3A_421 : i32
        %broadcast_in_dim3A_423 = vector.broadcast %add3A_422 : i32 to vector<16xi32>
        %gather3A_424 = tpu.vector_load_idx %arg12[%add3A_113, %broadcast_in_dim3A_423] : memref<128x32xi32, #tpu.memory_space<vmem>>[vector<16xi32>, vector<16xi32>], vector<16xi32>,
        %bitcast3A_425 = vector.bitcast %gather3A_424 : vector<16xi32> to vector<32xbf16>
        %unpack3A_426 = tpu.unpack_subelements %bitcast3A_425, 0 {pack_format = #tpu.pack_format<interleaved>} : vector<32xbf16> -> vector<16xf32>
        %unpack3A_427 = tpu.unpack_subelements %bitcast3A_425, 1 {pack_format = #tpu.pack_format<interleaved>} : vector<32xbf16> -> vector<16xf32>
        %add3A_428 = arith.constant 0 : i32
        %add3A_429 = vector.broadcast %add3A_428 : i32 to vector<16xi32>
        %add3A_430 = arith.addi %mul3A_116, %add3A_429 : vector<16xi32>
        %gather3A_431 = tpu.vector_load_idx %arg14[%add3A_430, %broadcast_in_dim3A_423] : memref<640x32xi32, #tpu.memory_space<vmem>>[vector<16xi32>, vector<16xi32>], vector<16xi32>,
        %bitcast3A_432 = vector.bitcast %gather3A_431 : vector<16xi32> to vector<32xbf16>
        %unpack3A_433 = tpu.unpack_subelements %bitcast3A_432, 0 {pack_format = #tpu.pack_format<interleaved>} : vector<32xbf16> -> vector<16xf32>
        %unpack3A_434 = tpu.unpack_subelements %bitcast3A_432, 1 {pack_format = #tpu.pack_format<interleaved>} : vector<32xbf16> -> vector<16xf32>
        %mul3A_435 = arith.mulf %unpack3A_426, %unpack3A_433 : vector<16xf32>
        %add3A_436 = arith.addf %add3A_374, %mul3A_435 : vector<16xf32>
        %mul3A_437 = arith.mulf %unpack3A_427, %unpack3A_434 : vector<16xf32>
        %add3A_438 = arith.addf %add3A_436, %mul3A_437 : vector<16xf32>
        %add3A_439 = arith.constant 1 : i32
        %add3A_440 = vector.broadcast %add3A_439 : i32 to vector<16xi32>
        %add3A_441 = arith.addi %mul3A_116, %add3A_440 : vector<16xi32>
        %gather3A_442 = tpu.vector_load_idx %arg14[%add3A_441, %broadcast_in_dim3A_423] : memref<640x32xi32, #tpu.memory_space<vmem>>[vector<16xi32>, vector<16xi32>], vector<16xi32>,
        %bitcast3A_443 = vector.bitcast %gather3A_442 : vector<16xi32> to vector<32xbf16>
        %unpack3A_444 = tpu.unpack_subelements %bitcast3A_443, 0 {pack_format = #tpu.pack_format<interleaved>} : vector<32xbf16> -> vector<16xf32>
        %unpack3A_445 = tpu.unpack_subelements %bitcast3A_443, 1 {pack_format = #tpu.pack_format<interleaved>} : vector<32xbf16> -> vector<16xf32>
        %mul3A_446 = arith.mulf %unpack3A_426, %unpack3A_444 : vector<16xf32>
        %add3A_447 = arith.addf %add3A_385, %mul3A_446 : vector<16xf32>
        %mul3A_448 = arith.mulf %unpack3A_427, %unpack3A_445 : vector<16xf32>
        %add3A_449 = arith.addf %add3A_447, %mul3A_448 : vector<16xf32>
        %add3A_450 = arith.constant 2 : i32
        %add3A_451 = vector.broadcast %add3A_450 : i32 to vector<16xi32>
        %add3A_452 = arith.addi %mul3A_116, %add3A_451 : vector<16xi32>
        %gather3A_453 = tpu.vector_load_idx %arg14[%add3A_452, %broadcast_in_dim3A_423] : memref<640x32xi32, #tpu.memory_space<vmem>>[vector<16xi32>, vector<16xi32>], vector<16xi32>,
        %bitcast3A_454 = vector.bitcast %gather3A_453 : vector<16xi32> to vector<32xbf16>
        %unpack3A_455 = tpu.unpack_subelements %bitcast3A_454, 0 {pack_format = #tpu.pack_format<interleaved>} : vector<32xbf16> -> vector<16xf32>
        %unpack3A_456 = tpu.unpack_subelements %bitcast3A_454, 1 {pack_format = #tpu.pack_format<interleaved>} : vector<32xbf16> -> vector<16xf32>
        %mul3A_457 = arith.mulf %unpack3A_426, %unpack3A_455 : vector<16xf32>
        %add3A_458 = arith.addf %add3A_396, %mul3A_457 : vector<16xf32>
        %mul3A_459 = arith.mulf %unpack3A_427, %unpack3A_456 : vector<16xf32>
        %add3A_460 = arith.addf %add3A_458, %mul3A_459 : vector<16xf32>
        %add3A_461 = arith.constant 3 : i32
        %add3A_462 = vector.broadcast %add3A_461 : i32 to vector<16xi32>
        %add3A_463 = arith.addi %mul3A_116, %add3A_462 : vector<16xi32>
        %gather3A_464 = tpu.vector_load_idx %arg14[%add3A_463, %broadcast_in_dim3A_423] : memref<640x32xi32, #tpu.memory_space<vmem>>[vector<16xi32>, vector<16xi32>], vector<16xi32>,
        %bitcast3A_465 = vector.bitcast %gather3A_464 : vector<16xi32> to vector<32xbf16>
        %unpack3A_466 = tpu.unpack_subelements %bitcast3A_465, 0 {pack_format = #tpu.pack_format<interleaved>} : vector<32xbf16> -> vector<16xf32>
        %unpack3A_467 = tpu.unpack_subelements %bitcast3A_465, 1 {pack_format = #tpu.pack_format<interleaved>} : vector<32xbf16> -> vector<16xf32>
        %mul3A_468 = arith.mulf %unpack3A_426, %unpack3A_466 : vector<16xf32>
        %add3A_469 = arith.addf %add3A_407, %mul3A_468 : vector<16xf32>
        %mul3A_470 = arith.mulf %unpack3A_427, %unpack3A_467 : vector<16xf32>
        %add3A_471 = arith.addf %add3A_469, %mul3A_470 : vector<16xf32>
        %add3A_472 = arith.constant 4 : i32
        %add3A_473 = vector.broadcast %add3A_472 : i32 to vector<16xi32>
        %add3A_474 = arith.addi %mul3A_116, %add3A_473 : vector<16xi32>
        %gather3A_475 = tpu.vector_load_idx %arg14[%add3A_474, %broadcast_in_dim3A_423] : memref<640x32xi32, #tpu.memory_space<vmem>>[vector<16xi32>, vector<16xi32>], vector<16xi32>,
        %bitcast3A_476 = vector.bitcast %gather3A_475 : vector<16xi32> to vector<32xbf16>
        %unpack3A_477 = tpu.unpack_subelements %bitcast3A_476, 0 {pack_format = #tpu.pack_format<interleaved>} : vector<32xbf16> -> vector<16xf32>
        %unpack3A_478 = tpu.unpack_subelements %bitcast3A_476, 1 {pack_format = #tpu.pack_format<interleaved>} : vector<32xbf16> -> vector<16xf32>
        %mul3A_479 = arith.mulf %unpack3A_426, %unpack3A_477 : vector<16xf32>
        %add3A_480 = arith.addf %add3A_418, %mul3A_479 : vector<16xf32>
        %mul3A_481 = arith.mulf %unpack3A_427, %unpack3A_478 : vector<16xf32>
        %add3A_482 = arith.addf %add3A_480, %mul3A_481 : vector<16xf32>
        %mul3A_483 = arith.constant 4 : i32
        %mul3A_484 = arith.muli %scan3A_288, %mul3A_483 : i32
        %add3A_485 = arith.constant 3 : i32
        %add3A_486 = arith.addi %mul3A_484, %add3A_485 : i32
        %broadcast_in_dim3A_487 = vector.broadcast %add3A_486 : i32 to vector<16xi32>
        %gather3A_488 = tpu.vector_load_idx %arg12[%add3A_113, %broadcast_in_dim3A_487] : memref<128x32xi32, #tpu.memory_space<vmem>>[vector<16xi32>, vector<16xi32>], vector<16xi32>,
        %bitcast3A_489 = vector.bitcast %gather3A_488 : vector<16xi32> to vector<32xbf16>
        %unpack3A_490 = tpu.unpack_subelements %bitcast3A_489, 0 {pack_format = #tpu.pack_format<interleaved>} : vector<32xbf16> -> vector<16xf32>
        %unpack3A_491 = tpu.unpack_subelements %bitcast3A_489, 1 {pack_format = #tpu.pack_format<interleaved>} : vector<32xbf16> -> vector<16xf32>
        %add3A_492 = arith.constant 0 : i32
        %add3A_493 = vector.broadcast %add3A_492 : i32 to vector<16xi32>
        %add3A_494 = arith.addi %mul3A_116, %add3A_493 : vector<16xi32>
        %gather3A_495 = tpu.vector_load_idx %arg14[%add3A_494, %broadcast_in_dim3A_487] : memref<640x32xi32, #tpu.memory_space<vmem>>[vector<16xi32>, vector<16xi32>], vector<16xi32>,
        %bitcast3A_496 = vector.bitcast %gather3A_495 : vector<16xi32> to vector<32xbf16>
        %unpack3A_497 = tpu.unpack_subelements %bitcast3A_496, 0 {pack_format = #tpu.pack_format<interleaved>} : vector<32xbf16> -> vector<16xf32>
        %unpack3A_498 = tpu.unpack_subelements %bitcast3A_496, 1 {pack_format = #tpu.pack_format<interleaved>} : vector<32xbf16> -> vector<16xf32>
        %mul3A_499 = arith.mulf %unpack3A_490, %unpack3A_497 : vector<16xf32>
        %add3A_500 = arith.addf %add3A_438, %mul3A_499 : vector<16xf32>
        %mul3A_501 = arith.mulf %unpack3A_491, %unpack3A_498 : vector<16xf32>
        %add3A_502 = arith.addf %add3A_500, %mul3A_501 : vector<16xf32>
        %add3A_503 = arith.constant 1 : i32
        %add3A_504 = vector.broadcast %add3A_503 : i32 to vector<16xi32>
        %add3A_505 = arith.addi %mul3A_116, %add3A_504 : vector<16xi32>
        %gather3A_506 = tpu.vector_load_idx %arg14[%add3A_505, %broadcast_in_dim3A_487] : memref<640x32xi32, #tpu.memory_space<vmem>>[vector<16xi32>, vector<16xi32>], vector<16xi32>,
        %bitcast3A_507 = vector.bitcast %gather3A_506 : vector<16xi32> to vector<32xbf16>
        %unpack3A_508 = tpu.unpack_subelements %bitcast3A_507, 0 {pack_format = #tpu.pack_format<interleaved>} : vector<32xbf16> -> vector<16xf32>
        %unpack3A_509 = tpu.unpack_subelements %bitcast3A_507, 1 {pack_format = #tpu.pack_format<interleaved>} : vector<32xbf16> -> vector<16xf32>
        %mul3A_510 = arith.mulf %unpack3A_490, %unpack3A_508 : vector<16xf32>
        %add3A_511 = arith.addf %add3A_449, %mul3A_510 : vector<16xf32>
        %mul3A_512 = arith.mulf %unpack3A_491, %unpack3A_509 : vector<16xf32>
        %add3A_513 = arith.addf %add3A_511, %mul3A_512 : vector<16xf32>
        %add3A_514 = arith.constant 2 : i32
        %add3A_515 = vector.broadcast %add3A_514 : i32 to vector<16xi32>
        %add3A_516 = arith.addi %mul3A_116, %add3A_515 : vector<16xi32>
        %gather3A_517 = tpu.vector_load_idx %arg14[%add3A_516, %broadcast_in_dim3A_487] : memref<640x32xi32, #tpu.memory_space<vmem>>[vector<16xi32>, vector<16xi32>], vector<16xi32>,
        %bitcast3A_518 = vector.bitcast %gather3A_517 : vector<16xi32> to vector<32xbf16>
        %unpack3A_519 = tpu.unpack_subelements %bitcast3A_518, 0 {pack_format = #tpu.pack_format<interleaved>} : vector<32xbf16> -> vector<16xf32>
        %unpack3A_520 = tpu.unpack_subelements %bitcast3A_518, 1 {pack_format = #tpu.pack_format<interleaved>} : vector<32xbf16> -> vector<16xf32>
        %mul3A_521 = arith.mulf %unpack3A_490, %unpack3A_519 : vector<16xf32>
        %add3A_522 = arith.addf %add3A_460, %mul3A_521 : vector<16xf32>
        %mul3A_523 = arith.mulf %unpack3A_491, %unpack3A_520 : vector<16xf32>
        %add3A_524 = arith.addf %add3A_522, %mul3A_523 : vector<16xf32>
        %add3A_525 = arith.constant 3 : i32
        %add3A_526 = vector.broadcast %add3A_525 : i32 to vector<16xi32>
        %add3A_527 = arith.addi %mul3A_116, %add3A_526 : vector<16xi32>
        %gather3A_528 = tpu.vector_load_idx %arg14[%add3A_527, %broadcast_in_dim3A_487] : memref<640x32xi32, #tpu.memory_space<vmem>>[vector<16xi32>, vector<16xi32>], vector<16xi32>,
        %bitcast3A_529 = vector.bitcast %gather3A_528 : vector<16xi32> to vector<32xbf16>
        %unpack3A_530 = tpu.unpack_subelements %bitcast3A_529, 0 {pack_format = #tpu.pack_format<interleaved>} : vector<32xbf16> -> vector<16xf32>
        %unpack3A_531 = tpu.unpack_subelements %bitcast3A_529, 1 {pack_format = #tpu.pack_format<interleaved>} : vector<32xbf16> -> vector<16xf32>
        %mul3A_532 = arith.mulf %unpack3A_490, %unpack3A_530 : vector<16xf32>
        %add3A_533 = arith.addf %add3A_471, %mul3A_532 : vector<16xf32>
        %mul3A_534 = arith.mulf %unpack3A_491, %unpack3A_531 : vector<16xf32>
        %add3A_535 = arith.addf %add3A_533, %mul3A_534 : vector<16xf32>
        %add3A_536 = arith.constant 4 : i32
        %add3A_537 = vector.broadcast %add3A_536 : i32 to vector<16xi32>
        %add3A_538 = arith.addi %mul3A_116, %add3A_537 : vector<16xi32>
        %gather3A_539 = tpu.vector_load_idx %arg14[%add3A_538, %broadcast_in_dim3A_487] : memref<640x32xi32, #tpu.memory_space<vmem>>[vector<16xi32>, vector<16xi32>], vector<16xi32>,
        %bitcast3A_540 = vector.bitcast %gather3A_539 : vector<16xi32> to vector<32xbf16>
        %unpack3A_541 = tpu.unpack_subelements %bitcast3A_540, 0 {pack_format = #tpu.pack_format<interleaved>} : vector<32xbf16> -> vector<16xf32>
        %unpack3A_542 = tpu.unpack_subelements %bitcast3A_540, 1 {pack_format = #tpu.pack_format<interleaved>} : vector<32xbf16> -> vector<16xf32>
        %mul3A_543 = arith.mulf %unpack3A_490, %unpack3A_541 : vector<16xf32>
        %add3A_544 = arith.addf %add3A_482, %mul3A_543 : vector<16xf32>
        %mul3A_545 = arith.mulf %unpack3A_491, %unpack3A_542 : vector<16xf32>
        %add3A_546 = arith.addf %add3A_544, %mul3A_545 : vector<16xf32>
        scf.yield %add3A_502, %add3A_513, %add3A_524, %add3A_535, %add3A_546 : vector<16xf32>, vector<16xf32>, vector<16xf32>, vector<16xf32>, vector<16xf32>
      }
      %scan3A_137 = arith.constant 8 : i32
      %broadcast_in_dim3A_138 = arith.constant 0.000000e+00 : f32
      %broadcast_in_dim3A_139 = vector.broadcast %broadcast_in_dim3A_138 : f32 to vector<16xf32>
      %sub3A = arith.subf %scan3A_136#1, %scan3A_136#0 : vector<16xf32>
      %max3A = arith.constant 0.000000e+00 : f32
      %max3A_140 = vector.broadcast %max3A : f32 to vector<16xf32>
      %max3A_141 = arith.maximumf %sub3A, %max3A_140 : vector<16xf32>
      %abs3A = math.absf %sub3A : vector<16xf32>
      %neg3A = arith.constant 0.000000e+00 : f32
      %neg3A_142 = vector.broadcast %neg3A : f32 to vector<16xf32>
      %neg3A_143 = arith.subf %neg3A_142, %abs3A : vector<16xf32>
      %exp3A = math.exp %neg3A_143 : vector<16xf32>
      %add3A_144 = arith.constant 2.000000e+00 : f32
      %add3A_145 = vector.broadcast %add3A_144 : f32 to vector<16xf32>
      %add3A_146 = arith.addf %exp3A, %add3A_145 : vector<16xf32>
      %div3A = arith.divf %exp3A, %add3A_146 : vector<16xf32>
      %mul3A_147 = arith.mulf %div3A, %div3A : vector<16xf32>
      %mul3A_148 = arith.constant 0.111111112 : f32
      %mul3A_149 = vector.broadcast %mul3A_148 : f32 to vector<16xf32>
      %mul3A_150 = arith.mulf %mul3A_147, %mul3A_149 : vector<16xf32>
      %add3A_151 = arith.constant 0.142857149 : f32
      %add3A_152 = vector.broadcast %add3A_151 : f32 to vector<16xf32>
      %add3A_153 = arith.addf %add3A_152, %mul3A_150 : vector<16xf32>
      %mul3A_154 = arith.mulf %mul3A_147, %add3A_153 : vector<16xf32>
      %add3A_155 = arith.constant 2.000000e-01 : f32
      %add3A_156 = vector.broadcast %add3A_155 : f32 to vector<16xf32>
      %add3A_157 = arith.addf %add3A_156, %mul3A_154 : vector<16xf32>
      %mul3A_158 = arith.mulf %mul3A_147, %add3A_157 : vector<16xf32>
      %add3A_159 = arith.constant 0.333333343 : f32
      %add3A_160 = vector.broadcast %add3A_159 : f32 to vector<16xf32>
      %add3A_161 = arith.addf %add3A_160, %mul3A_158 : vector<16xf32>
      %mul3A_162 = arith.mulf %mul3A_147, %add3A_161 : vector<16xf32>
      %add3A_163 = arith.constant 1.000000e+00 : f32
      %add3A_164 = vector.broadcast %add3A_163 : f32 to vector<16xf32>
      %add3A_165 = arith.addf %add3A_164, %mul3A_162 : vector<16xf32>
      %mul3A_166 = arith.constant 2.000000e+00 : f32
      %mul3A_167 = vector.broadcast %mul3A_166 : f32 to vector<16xf32>
      %mul3A_168 = arith.mulf %mul3A_167, %div3A : vector<16xf32>
      %mul3A_169 = arith.mulf %mul3A_168, %add3A_165 : vector<16xf32>
      %add3A_170 = arith.addf %max3A_141, %mul3A_169 : vector<16xf32>
      %add3A_171 = arith.addf %broadcast_in_dim3A_139, %add3A_170 : vector<16xf32>
      %sub3A_172 = arith.subf %scan3A_136#2, %scan3A_136#0 : vector<16xf32>
      %max3A_173 = arith.constant 0.000000e+00 : f32
      %max3A_174 = vector.broadcast %max3A_173 : f32 to vector<16xf32>
      %max3A_175 = arith.maximumf %sub3A_172, %max3A_174 : vector<16xf32>
      %abs3A_176 = math.absf %sub3A_172 : vector<16xf32>
      %neg3A_177 = arith.constant 0.000000e+00 : f32
      %neg3A_178 = vector.broadcast %neg3A_177 : f32 to vector<16xf32>
      %neg3A_179 = arith.subf %neg3A_178, %abs3A_176 : vector<16xf32>
      %exp3A_180 = math.exp %neg3A_179 : vector<16xf32>
      %add3A_181 = arith.constant 2.000000e+00 : f32
      %add3A_182 = vector.broadcast %add3A_181 : f32 to vector<16xf32>
      %add3A_183 = arith.addf %exp3A_180, %add3A_182 : vector<16xf32>
      %div3A_184 = arith.divf %exp3A_180, %add3A_183 : vector<16xf32>
      %mul3A_185 = arith.mulf %div3A_184, %div3A_184 : vector<16xf32>
      %mul3A_186 = arith.constant 0.111111112 : f32
      %mul3A_187 = vector.broadcast %mul3A_186 : f32 to vector<16xf32>
      %mul3A_188 = arith.mulf %mul3A_185, %mul3A_187 : vector<16xf32>
      %add3A_189 = arith.constant 0.142857149 : f32
      %add3A_190 = vector.broadcast %add3A_189 : f32 to vector<16xf32>
      %add3A_191 = arith.addf %add3A_190, %mul3A_188 : vector<16xf32>
      %mul3A_192 = arith.mulf %mul3A_185, %add3A_191 : vector<16xf32>
      %add3A_193 = arith.constant 2.000000e-01 : f32
      %add3A_194 = vector.broadcast %add3A_193 : f32 to vector<16xf32>
      %add3A_195 = arith.addf %add3A_194, %mul3A_192 : vector<16xf32>
      %mul3A_196 = arith.mulf %mul3A_185, %add3A_195 : vector<16xf32>
      %add3A_197 = arith.constant 0.333333343 : f32
      %add3A_198 = vector.broadcast %add3A_197 : f32 to vector<16xf32>
      %add3A_199 = arith.addf %add3A_198, %mul3A_196 : vector<16xf32>
      %mul3A_200 = arith.mulf %mul3A_185, %add3A_199 : vector<16xf32>
      %add3A_201 = arith.constant 1.000000e+00 : f32
      %add3A_202 = vector.broadcast %add3A_201 : f32 to vector<16xf32>
      %add3A_203 = arith.addf %add3A_202, %mul3A_200 : vector<16xf32>
      %mul3A_204 = arith.constant 2.000000e+00 : f32
      %mul3A_205 = vector.broadcast %mul3A_204 : f32 to vector<16xf32>
      %mul3A_206 = arith.mulf %mul3A_205, %div3A_184 : vector<16xf32>
      %mul3A_207 = arith.mulf %mul3A_206, %add3A_203 : vector<16xf32>
      %add3A_208 = arith.addf %max3A_175, %mul3A_207 : vector<16xf32>
      %add3A_209 = arith.addf %add3A_171, %add3A_208 : vector<16xf32>
      %sub3A_210 = arith.subf %scan3A_136#3, %scan3A_136#0 : vector<16xf32>
      %max3A_211 = arith.constant 0.000000e+00 : f32
      %max3A_212 = vector.broadcast %max3A_211 : f32 to vector<16xf32>
      %max3A_213 = arith.maximumf %sub3A_210, %max3A_212 : vector<16xf32>
      %abs3A_214 = math.absf %sub3A_210 : vector<16xf32>
      %neg3A_215 = arith.constant 0.000000e+00 : f32
      %neg3A_216 = vector.broadcast %neg3A_215 : f32 to vector<16xf32>
      %neg3A_217 = arith.subf %neg3A_216, %abs3A_214 : vector<16xf32>
      %exp3A_218 = math.exp %neg3A_217 : vector<16xf32>
      %add3A_219 = arith.constant 2.000000e+00 : f32
      %add3A_220 = vector.broadcast %add3A_219 : f32 to vector<16xf32>
      %add3A_221 = arith.addf %exp3A_218, %add3A_220 : vector<16xf32>
      %div3A_222 = arith.divf %exp3A_218, %add3A_221 : vector<16xf32>
      %mul3A_223 = arith.mulf %div3A_222, %div3A_222 : vector<16xf32>
      %mul3A_224 = arith.constant 0.111111112 : f32
      %mul3A_225 = vector.broadcast %mul3A_224 : f32 to vector<16xf32>
      %mul3A_226 = arith.mulf %mul3A_223, %mul3A_225 : vector<16xf32>
      %add3A_227 = arith.constant 0.142857149 : f32
      %add3A_228 = vector.broadcast %add3A_227 : f32 to vector<16xf32>
      %add3A_229 = arith.addf %add3A_228, %mul3A_226 : vector<16xf32>
      %mul3A_230 = arith.mulf %mul3A_223, %add3A_229 : vector<16xf32>
      %add3A_231 = arith.constant 2.000000e-01 : f32
      %add3A_232 = vector.broadcast %add3A_231 : f32 to vector<16xf32>
      %add3A_233 = arith.addf %add3A_232, %mul3A_230 : vector<16xf32>
      %mul3A_234 = arith.mulf %mul3A_223, %add3A_233 : vector<16xf32>
      %add3A_235 = arith.constant 0.333333343 : f32
      %add3A_236 = vector.broadcast %add3A_235 : f32 to vector<16xf32>
      %add3A_237 = arith.addf %add3A_236, %mul3A_234 : vector<16xf32>
      %mul3A_238 = arith.mulf %mul3A_223, %add3A_237 : vector<16xf32>
      %add3A_239 = arith.constant 1.000000e+00 : f32
      %add3A_240 = vector.broadcast %add3A_239 : f32 to vector<16xf32>
      %add3A_241 = arith.addf %add3A_240, %mul3A_238 : vector<16xf32>
      %mul3A_242 = arith.constant 2.000000e+00 : f32
      %mul3A_243 = vector.broadcast %mul3A_242 : f32 to vector<16xf32>
      %mul3A_244 = arith.mulf %mul3A_243, %div3A_222 : vector<16xf32>
      %mul3A_245 = arith.mulf %mul3A_244, %add3A_241 : vector<16xf32>
      %add3A_246 = arith.addf %max3A_213, %mul3A_245 : vector<16xf32>
      %add3A_247 = arith.addf %add3A_209, %add3A_246 : vector<16xf32>
      %sub3A_248 = arith.subf %scan3A_136#4, %scan3A_136#0 : vector<16xf32>
      %max3A_249 = arith.constant 0.000000e+00 : f32
      %max3A_250 = vector.broadcast %max3A_249 : f32 to vector<16xf32>
      %max3A_251 = arith.maximumf %sub3A_248, %max3A_250 : vector<16xf32>
      %abs3A_252 = math.absf %sub3A_248 : vector<16xf32>
      %neg3A_253 = arith.constant 0.000000e+00 : f32
      %neg3A_254 = vector.broadcast %neg3A_253 : f32 to vector<16xf32>
      %neg3A_255 = arith.subf %neg3A_254, %abs3A_252 : vector<16xf32>
      %exp3A_256 = math.exp %neg3A_255 : vector<16xf32>
      %add3A_257 = arith.constant 2.000000e+00 : f32
      %add3A_258 = vector.broadcast %add3A_257 : f32 to vector<16xf32>
      %add3A_259 = arith.addf %exp3A_256, %add3A_258 : vector<16xf32>
      %div3A_260 = arith.divf %exp3A_256, %add3A_259 : vector<16xf32>
      %mul3A_261 = arith.mulf %div3A_260, %div3A_260 : vector<16xf32>
      %mul3A_262 = arith.constant 0.111111112 : f32
      %mul3A_263 = vector.broadcast %mul3A_262 : f32 to vector<16xf32>
      %mul3A_264 = arith.mulf %mul3A_261, %mul3A_263 : vector<16xf32>
      %add3A_265 = arith.constant 0.142857149 : f32
      %add3A_266 = vector.broadcast %add3A_265 : f32 to vector<16xf32>
      %add3A_267 = arith.addf %add3A_266, %mul3A_264 : vector<16xf32>
      %mul3A_268 = arith.mulf %mul3A_261, %add3A_267 : vector<16xf32>
      %add3A_269 = arith.constant 2.000000e-01 : f32
      %add3A_270 = vector.broadcast %add3A_269 : f32 to vector<16xf32>
      %add3A_271 = arith.addf %add3A_270, %mul3A_268 : vector<16xf32>
      %mul3A_272 = arith.mulf %mul3A_261, %add3A_271 : vector<16xf32>
      %add3A_273 = arith.constant 0.333333343 : f32
      %add3A_274 = vector.broadcast %add3A_273 : f32 to vector<16xf32>
      %add3A_275 = arith.addf %add3A_274, %mul3A_272 : vector<16xf32>
      %mul3A_276 = arith.mulf %mul3A_261, %add3A_275 : vector<16xf32>
      %add3A_277 = arith.constant 1.000000e+00 : f32
      %add3A_278 = vector.broadcast %add3A_277 : f32 to vector<16xf32>
      %add3A_279 = arith.addf %add3A_278, %mul3A_276 : vector<16xf32>
      %mul3A_280 = arith.constant 2.000000e+00 : f32
      %mul3A_281 = vector.broadcast %mul3A_280 : f32 to vector<16xf32>
      %mul3A_282 = arith.mulf %mul3A_281, %div3A_260 : vector<16xf32>
      %mul3A_283 = arith.mulf %mul3A_282, %add3A_279 : vector<16xf32>
      %add3A_284 = arith.addf %max3A_251, %mul3A_283 : vector<16xf32>
      %add3A_285 = arith.addf %add3A_247, %add3A_284 : vector<16xf32>
      %mul3A_286 = arith.mulf %get3A_121, %add3A_285 : vector<16xf32>
      %add3A_287 = arith.addf %scan3A_109, %mul3A_286 : vector<16xf32>
      scf.yield %add3A_287 : vector<16xf32>
    }
    %scan3A_106 = arith.constant 8 : i32
    %swap3A = arith.constant 0 : index
    %swap3A_107 = tpu.vector_load %arg15[%swap3A] {strides = array<i32>} : memref<16xf32, #tpu.memory_space<vmem>>, vector<16xf32>,
    tpu.vector_store %arg15[%swap3A], %scan3A_105 {strides = array<i32>} : memref<16xf32, #tpu.memory_space<vmem>>, vector<16xf32>,
    "tpu.region"() ({
      %run_scoped3A = tpu.sem_alloc : memref<!tpu.dma_semaphore, #tpu.memory_space<semaphore_mem>>
      %dma_start3A_108 = arith.constant 0 : i32
      %dma_start3A_109 = tpu.memref_slice %arg7[%add3A, %dma_start3A_108] : memref<32x16xf32, #tpu.memory_space<hbm>> -> memref<1x16xf32, #tpu.memory_space<hbm>>
      %dma_start3A_110 = tpu.memref_squeeze %dma_start3A_109 : memref<1x16xf32, #tpu.memory_space<hbm>> -> memref<16xf32, #tpu.memory_space<hbm>>
      %dma_start3A_111 = arith.constant 0 : i32
      %dma_start3A_112 = tpu.memref_slice %arg7[%add3A, %dma_start3A_111] : memref<32x16xf32, #tpu.memory_space<hbm>> -> memref<1x16xf32, #tpu.memory_space<hbm>>
      %dma_start3A_113 = tpu.memref_squeeze %dma_start3A_112 : memref<1x16xf32, #tpu.memory_space<hbm>> -> memref<16xf32, #tpu.memory_space<hbm>>
      tpu.enqueue_dma source(%arg15 : memref<16xf32, #tpu.memory_space<vmem>>) target(%dma_start3A_113 : memref<16xf32, #tpu.memory_space<hbm>>) target_semaphore(%run_scoped3A : memref<!tpu.dma_semaphore, #tpu.memory_space<semaphore_mem>>)
      %dma_wait3A_114 = arith.constant 0 : i32
      %dma_wait3A_115 = tpu.memref_slice %arg7[%add3A, %dma_wait3A_114] : memref<32x16xf32, #tpu.memory_space<hbm>> -> memref<1x16xf32, #tpu.memory_space<hbm>>
      %dma_wait3A_116 = tpu.memref_squeeze %dma_wait3A_115 : memref<1x16xf32, #tpu.memory_space<hbm>> -> memref<16xf32, #tpu.memory_space<hbm>>
      %dma_wait3A_117 = arith.constant 0 : i32
      %dma_wait3A_118 = tpu.memref_slice %arg7[%add3A, %dma_wait3A_117] : memref<32x16xf32, #tpu.memory_space<hbm>> -> memref<1x16xf32, #tpu.memory_space<hbm>>
      %dma_wait3A_119 = tpu.memref_squeeze %dma_wait3A_118 : memref<1x16xf32, #tpu.memory_space<hbm>> -> memref<16xf32, #tpu.memory_space<hbm>>
      tpu.wait_dma2 semaphore(%run_scoped3A : memref<!tpu.dma_semaphore, #tpu.memory_space<semaphore_mem>>) src(%arg15 : memref<16xf32, #tpu.memory_space<vmem>>) dst(%dma_wait3A_119 : memref<16xf32, #tpu.memory_space<hbm>>)
      tpu.yield
    }) : () -> ()
    return
  }
}

</mosaic_0001>

<sc_bundles>
// kernel: _run.3.cloned.1.call-start
scs
__scs_entry_jumppad:
0x0: {  	(pc) =	sbr.rel $0x88, $3  }
0x1: {  	(tag) =	ssettag $0x0;
	lr =	simm.s32 $0x1  }
0x2: {  	[smem:$0x3F9C] =	sst lr;
	_ =	strace $0xD0000000  }
0x3: {  	_ = 	snop  }
0x4: {  	_ = 	snop  }
0x5: {  	_ = 	snop  }
0x6: {  	_ = 	snop  }
0x7: {  	_ = 	snop  }
__scs_overlays_trampoline_lowered:
0x8: {  	[smem:$0x3FAB] =	sst s0  }
0x9: {  	[smem:$0x3FAC] =	sst s1  }
0xa: {  	[smem:$0x3FAD] =	sst s2  }
0xb: {  	[smem:$0x3FAE] =	sst s3  }
0xc: {  	[smem:$0x3FAF] =	sst s4  }
0xd: {  	[smem:$0x3FB0] =	sst s5  }
0xe: {  	[smem:$0x3FB1] =	sst s6  }
0xf: {  	[smem:$0x3FB2] =	sst s7  }
0x10: {  	[smem:$0x3FB3] =	sst s8  }
0x11: {  	[smem:$0x3FB4] =	sst s9;
	s0 =	simm.s32 @!p0 $0x0  }
0x12: {  	s1 =	sld [smem:$0x3F9A];
	s0 =	simm.s32 @p0 $0x1  }
0x13: {  	[smem:$0x3FB5] =	sst s0;
	s0 =	simm.s32 @!p1 $0x0  }
0x14: {  	s2 =	sld [smem:$0x3F99];
	s0 =	simm.s32 @p1 $0x1  }
0x15: {  	[smem:$0x3FB6] =	sst s0;
	s0 =	simm.s32 @!p2 $0x0  }
0x16: {  	s3 =	sld [smem:$0x3FDB];
	s0 =	simm.s32 @p2 $0x1  }
0x17: {  	s4 =	simm.s32 $0x1BF5;
	[smem:$0x3FB8] =	sst s0  }
0x18: {  	s0 =	sld [smem:$0x3F9B];
	_ =	swait.ge [sflag:s4], $0x0  }
0x19: {  	s7 =	sld [smem:$0x3F9C]  }
0x1a: {  	s8 =	sadd.s32 $0xFFFFE003, lr  }
0x1b: {  	s9 =	sadd.s32 $0xFFFFFEF7, lr;
	s5 =	simm.s32 $0xFFFFFFFF;
	p2 =	slt.u32 s8, $0xFFFFF086  }
0x1c: {  	p1 =	slt.u32 s9, $0xF7A;
	s5 =	simm.s32 @!p2 $0x0  }
0x1d: {  	s5 =	simm.s32 @p1 $0x1;
	p0 =	seq.s32 s7, s2  }
0x1e: {  	s7 =	smul.u32 @!p0 $0xF7A, s2;
	p2 =	seq.s32 @!p0 s5, $0x0  }
0x1f: {  	s9 =	smul.u32 $0xF7A, s1;
	s8 =	simm.s32 @!p0 $0x1BF5;
	p2 =	por !p2, p0  }
0x20: {  	[sflag:s8] =	ssyncset.s32 @!p0 $0xFFFFF086;
	s6 =	sadd.s32 @!p0 s3, s7;
	s7 =	simm.s32 @!p0 $0x108  }
0x21: {  	s3 =	sadd.s32 s3, s9;
	s6 =	sadd.s32 @!p0 $0x88, s6;
	s7 =	simm.s32 @p2 $0x1082  }
0x22: {  	[simem:s7], [sflag:s8] =	dma.local @!p0 [hbm:s6], $0xF7A  }
0x23: {  	s9 =	sor.u32 $0xD0000000, s2;
	s6 =	simm.s32 $0x108;
	_ =	swait.ge @!p0 [sflag:s8], $0x0  }
0x24: {  	s3 =	sadd.s32 $0x88, s3;
	s6 =	simm.s32 @!p1 $0x1082;
	[sflag:s4] =	ssyncset.s32 $0xFFFFF086  }
0x25: {  	[simem:s6], [sflag:s4] =	dma.local [hbm:s3], $0xF7A  }
0x26: {  	[smem:$0x3F9C] =	sst s1;
	(tag) =	ssettag s2;
	_ =	strace s9  }
0x27: {  	s1 =	sld [smem:$0x3FAC]  }
0x28: {  	s2 =	sld [smem:$0x3FAD]  }
0x29: {  	s4 =	sld [smem:$0x3FAF]  }
0x2a: {  	p0 =	seq.s32 s5, $0x0;
	s5 =	sld [smem:$0x3FB0]  }
0x2b: {  	s6 =	sld [smem:$0x3FB1]  }
0x2c: {  	s7 =	sld [smem:$0x3FB2]  }
0x2d: {  	s3 =	simm.s32 $0x108;
	s8 =	sld [smem:$0x3FB3]  }
0x2e: {  	s3 =	simm.s32 @!p0 $0x1082;
	s9 =	sld [smem:$0x3FB4]  }
0x2f: {  	lr =	sadd.s32 s0, s3;
	s0 =	sld [smem:$0x3FAB]  }
0x30: {  	s3 =	sld [smem:$0x3FAE]  }
0x31: {  	[smem:$0x3FB7] =	sst s10  }
0x32: {  	s10 =	sld [smem:$0x3FB5];
	_ =	sdelay $0x3  }
0x33: {  	p0 =	seq.s32 s10, $0x1;
	s10 =	sld [smem:$0x3FB7];
	_ =	sdelay $0x3  }
0x34: {  	[smem:$0x3FB7] =	sst s10  }
0x35: {  	s10 =	sld [smem:$0x3FB6];
	_ =	sdelay $0x3  }
0x36: {  	p1 =	seq.s32 s10, $0x1;
	s10 =	sld [smem:$0x3FB7];
	_ =	sdelay $0x3  }
0x37: {  	[smem:$0x3FB7] =	sst s10  }
0x38: {  	s10 =	sld [smem:$0x3FB8]  }
0x39: {  	_ = 	snop;
	(pc) =	sbr.ind lr, $3  }
0x3a: {  	_ = 	snop  }
0x3b: {  	_ = 	snop  }
0x3c: {  	p2 =	seq.s32 s10, $0x1;
	s10 =	sld [smem:$0x3FB7]  }
0x3d: {  	_ =	shalt  }
0x3e: {  	_ =	shalt  }
0x3f: {  	_ =	shalt  }
0x40: {  	_ =	shalt  }
0x41: {  	_ =	shalt  }
0x42: {  	_ =	shalt  }
0x43: {  	_ =	shalt  }
0x44: {  	_ =	shalt  }
0x45: {  	_ =	shalt  }
0x46: {  	_ =	shalt  }
0x47: {  	_ =	shalt  }
0x48: {  	_ =	shalt  }
0x49: {  	_ =	shalt  }
0x4a: {  	_ =	shalt  }
0x4b: {  	_ =	shalt  }
0x4c: {  	_ =	shalt  }
0x4d: {  	_ =	shalt  }
0x4e: {  	_ =	shalt  }
0x4f: {  	_ =	shalt  }
0x50: {  	_ =	shalt  }
0x51: {  	_ =	shalt  }
0x52: {  	_ =	shalt  }
0x53: {  	_ =	shalt  }
0x54: {  	_ =	shalt  }
0x55: {  	_ =	shalt  }
0x56: {  	_ =	shalt  }
0x57: {  	_ =	shalt  }
0x58: {  	_ =	shalt  }
0x59: {  	_ =	shalt  }
0x5a: {  	_ =	shalt  }
0x5b: {  	_ =	shalt  }
0x5c: {  	_ =	shalt  }
0x5d: {  	_ =	shalt  }
0x5e: {  	_ =	shalt  }
0x5f: {  	_ =	shalt  }
0x60: {  	_ =	shalt  }
0x61: {  	_ =	shalt  }
0x62: {  	_ =	shalt  }
0x63: {  	_ =	shalt  }
0x64: {  	_ =	shalt  }
0x65: {  	_ =	shalt  }
0x66: {  	_ =	shalt  }
0x67: {  	_ =	shalt  }
0x68: {  	_ =	shalt  }
0x69: {  	_ =	shalt  }
0x6a: {  	_ =	shalt  }
0x6b: {  	_ =	shalt  }
0x6c: {  	_ =	shalt  }
0x6d: {  	_ =	shalt  }
0x6e: {  	_ =	shalt  }
0x6f: {  	_ =	shalt  }
0x70: {  	_ =	shalt  }
0x71: {  	_ =	shalt  }
0x72: {  	_ =	shalt  }
0x73: {  	_ =	shalt  }
0x74: {  	_ =	shalt  }
0x75: {  	_ =	shalt  }
0x76: {  	_ =	shalt  }
0x77: {  	_ =	shalt  }
0x78: {  	_ =	shalt  }
0x79: {  	_ =	shalt  }
0x7a: {  	_ =	shalt  }
0x7b: {  	_ =	shalt  }
0x7c: {  	_ =	shalt  }
0x7d: {  	_ =	shalt  }
0x7e: {  	_ =	shalt  }
0x7f: {  	_ =	shalt  }
0x80: {  	_ =	shalt  }
0x81: {  	_ =	shalt  }
0x82: {  	_ =	shalt  }
0x83: {  	_ =	shalt  }
0x84: {  	_ =	shalt  }
0x85: {  	_ =	shalt  }
0x86: {  	_ =	shalt  }
0x87: {  	_ =	shalt  }
.Lfunc_end0:
.L_simem_size_0:
called_computation_lowered:
.L_overlay_start_0:
0x88: {  	s2 =	sld [smem:$0x3FD9]  }
0x89: {  	s3 =	sld [smem:$0x3FFE];
	_ =	sdelay $0x1  }
0x8a: {  	s1 =	srdreg.scid  }
0x8b: {  	s0 =	sand.u32 $0x1, s1  }
0x8c: {  	s17 =	sshll.u32 s0, $0xA;
	s2 =	sadd.s32 s3, s2  }
0x8d: {  	s2 =	sadd.s32 s2, s17  }
0x8e: {  	[smem:$0x3FC3] =	sst s2  }
0x8f: {  	_ = 	snop  }
0x90: {  	s2 =	sld [smem:$0x3FC7]  }
0x91: {  	s18 =	sld [smem:$0x3FC6]  }
0x92: {  	s4 =	sld [smem:$0x3FC5];
	(tm) =	ssettm $0x1  }
0x93: {  	s5 =	sld [smem:$0x3FFB];
	_ =	sdelay $0x3  }
0x94: {  	_ =	strace s5  }
0x95: {  	s5 =	sld [smem:$0x3FFC];
	_ =	sdelay $0x3  }
0x96: {  	_ =	strace s5  }
0x97: {  	s5 =	sld [smem:$0x3FFD];
	_ =	sdelay $0x3  }
0x98: {  	_ =	strace s5  }
0x99: {  	_ =	strace $0x8FFFFFFF  }
0x9a: {  	s19 =	sld [smem:$0x3FDB];
	_ =	sdelay $0x1  }
0x9b: {  	s6 =	simm.s32 $_scs_section_size  }
0x9c: {  	s7 =	simm.s32 $_size__tile_overlayer_lowered;
	s8 =	simm.s32 $_tile_overlayer_lowered  }
0x9d: {  	s22 =	simm.s32 $0x1BFF;
	s21 =	sshll.u32 s8, $0x1;
	s5 =	sadd.s32 s6, s19  }
0x9e: {  	s9 =	simm.s32 $0x0;
	s20 =	sshll.u32 s7, $0x1;
	s7 =	sadd.s32 s21, s5  }
0x9f: {  	[timem:s9], [sflag:s22] =	dma.local [hbm:s7], s20  }
0xa0: {  	_ =	swait.ge [sflag:s22], s20  }
0xa1: {  	s6 =	ssub.s32 $0x0, s20;
	[sflag:s22] =	ssyncset.done $0x0  }
0xa2: {  	[sflag:s22] =	ssyncadd.s32 s6;
	_ =	sdelay $0x1  }
0xa3: {  	s23 =	simm.s32 $0x1B8B  }
0xa4: {  	_ =	swait.ge [sflag:s23], $0x1  }
0xa5: {  	[sflag:s23] =	ssyncset.done $0x0  }
0xa6: {  	s25 =	simm.s32 $0x1B8E;
	s24 =	sld [smem:$0x3FFE];
	[sflag:s23] =	ssyncadd.s32 $0xFFFFFFFF  }
0xa7: {  	s26 =	simm.s32 $execute0_lowered;
	[smem:$0x3FD2] =	sst s25  }
0xa8: {  	s7 =	sshll.u32 s26, $0x1;
	_ =	strace $0x80000046;
	[dreg:$0x1] =	wrdreg $0xFFFFFFFF  }
0xa9: {  	s28 =	simm.s32 $_size_execute0_lowered;
	s5 =	sadd.s32 s5, s7;
	[dreg:$0x0] =	wrdreg $0x0  }
0xaa: {  	s7 =	sshll.u32 s28, $0x1;
	[dreg:$0x2] =	wrdreg s5  }
0xab: {  	[dreg:$0x3] =	wrdreg s7  }
0xac: {  	[dreg:$0x4] =	wrdreg $0xC0  }
0xad: {  	_ =	task [dreg:s9], $0x5FFFF  }
0xae: {  	[dreg:$0x1] =	wrdreg $0xFFFFFFFF  }
0xaf: {  	[dreg:$0x0] =	wrdreg $0x60  }
0xb0: {  	[dreg:$0x2] =	wrdreg s24  }
0xb1: {  	[dreg:$0x3] =	wrdreg s2  }
0xb2: {  	[dreg:$0x4] =	wrdreg s18  }
0xb3: {  	[dreg:$0x5] =	wrdreg s4  }
0xb4: {  	[dreg:$0x6] =	wrdreg $0x9  }
0xb5: {  	_ =	task.clear_ibuf [dreg:s9], $0x7FFFF;
	_ =	strace $0x90000046  }
0xb6: {  	s29 =	simm.s32 $0x9;
	_ =	strace $0x80000048  }
0xb7: {  	_ =	swait.ge [sflag:s29], $0x1  }
0xb8: {  	[sflag:s29] =	ssyncadd.s32 $0xFFFFFFFF  }
0xb9: {  	_ =	strace $0x90000048  }
0xba: {  	_ =	sfence  }
0xbb: {  	s30 =	sld [smem:$0x0];
	_ =	sdelay $0x2  }
0xbc: {  	s31 =	sshll.u32 s1, $0xD;
	s1 =	sshrl.u32 s1, $0x2  }
0xbd: {  	s3 =	sand.u32 $0x4000, s31;
	s1 =	sadd.s32 s1, s30  }
0xbe: {  	s0 =	sor.u32 s3, s0;
	s1 =	sshll.u32 s1, $0x11  }
0xbf: {  	s0 =	sor.u32 s1, s0  }
0xc0: {  	s0 =	sadd.s32 $0x8F2B, s0  }
0xc1: {  	[sflag:s0] =	ssyncadd.remote.s32 $0x1  }
0xc2: {  	_ =	sfence.sel $0xFFFF  }
0xc3: {  	[dreg:$0x0] =	wrdreg $0xFFFFFFFF;
	(pc) =	sbr.abs _section_cstart, $3  }
0xc4: {  	[dreg:$0x1] =	wrdreg $0xFFFFFFFF  }
0xc5: {  	_ =	task.clear_ibuf [dreg:s9], $0x2FFFF;
	_ =	strace $0x9FFFFFFF  }
0xc6: {  	(tm) =	ssettm $0x7FFFFFFF  }
0xc7: {  	_ =	shalt  }
tec
execute0_lowered:
.L_overlay_start_1:
0x0: {  	(tag) =	ssettag $0x1  }
0x1: {  	s0 =	rddreg [dreg:$0x0]  }
0x2: {  	s7 =	rddreg [dreg:$0x1]  }
0x3: {  	s5 =	rddreg [dreg:$0x2]  }
0x4: {  	s6 =	rddreg [dreg:$0x3];
	s2 =	simm.s32 $0x0  }
0x5: {  	s3 =	srdreg.scid;
	s1 =	stileid.u32;
	s12 =	simm.s32 $0xC00  }
0x6: {  	s13 =	simm.s32 $0x80;
	s14 =	simm.s32 $0xE00;
	s15 =	simm.s32 $0x280  }
0x7: {  	s16 =	simm.s32 $0x2E00;
	s17 =	simm.s32 $0x1E00;
	s18 =	simm.s32 $0x480  }
0x8: {  	s19 =	simm.s32 $0x7E00;
	s20 =	simm.s32 $0x1;
	s21 =	simm.s32 $0x100  }
0x9: {  	s22 =	simm.s32 $0x700;
	s23 =	simm.s32 $0x2;
	s24 =	simm.s32 $0x180  }
0xa: {  	s25 =	simm.s32 $0x980;
	s26 =	simm.s32 $0xCE00;
	s28 =	simm.s32 $0x0  }
0xb: {  	[smem:$0x7FF] =	sst s2;
	s8 =	sand.u32 $0x1, s3;
	s9 =	sshll.u32 s1, $0x1  }
0xc: {  	s3 =	sadd.s32 $0x186C00, s0;
	s4 =	sadd.s32 $0xF42600, s0;
	s9 =	sor.u32 s8, s9  }
0xd: {  	_ =	strace $0x80000047;
	s8 =	ssub.s32 $0x2, s8;
	s10 =	sshll.u32 s9, $0x1  }
0xe: {  	s11 =	smul.u32 $0x140, s9;
	s31 =	sshrl.u32 s8, $0x1;
	s9 =	sshll.u32 s9, $0x6  }
0xf: {  	s0 =	sadd.s32 s10, s0;
	s10 =	ssub.s32 s8, s31;
	s5 =	sadd.s32 s5, s9  }
0x10: {  	s7 =	sadd.s32 s7, s9;
	s6 =	sadd.s32 s6, s11;
	s8 =	sadd.s32 $0x200, s0  }
0x11: {  	v62 =	vlaneseq.u32;
	s9 =	smax.u32 s10, $0x1;
	s10 =	simm.s32 $0x3;
	s11 =	simm.s32 $0x200  }
.LBB2_1:
0x12: {  	[tilespmem:s2], [sflag:$0x3] =	stream.linear.gather [hbm4b:s5+s2], $0x200, $0x38;
	[tilespmem:$0xCE10] =	vst v63  }
0x13: {  	_ =	swait.ge [sflag:s10], $0x200  }
0x14: {  	[sflag:s10] =	ssyncset.done $0x0  }
0x15: {  	[sflag:s10] =	ssyncadd.s32 $0xFFFFFE00  }
0x16: {  	[tilespmem:s11], [sflag:$0x3] =	stream.linear.gather [hbm4b:s6+s2], $0xA00, $0x38;
	[tilespmem:$0xCE10] =	vst v63  }
0x17: {  	_ =	swait.ge [sflag:s10], $0xA00  }
0x18: {  	[sflag:s10] =	ssyncset.done $0x0  }
0x19: {  	[sflag:s10] =	ssyncadd.s32 $0xFFFFF600  }
0x1a: {  	[tilespmem:s12], [sflag:$0x3] =	stream.linear.gather [hbm4b:s7+s2], $0x200, $0x38;
	[tilespmem:$0xCE10] =	vst v63  }
0x1b: {  	_ =	swait.ge [sflag:s10], $0x200  }
0x1c: {  	[sflag:s10] =	ssyncset.done $0x0  }
0x1d: {  	[sflag:s10] =	ssyncadd.s32 $0xFFFFFE00  }
0x1e: {  	[tilespmem:s14], [sflag:$0x1] =	stream.indirect.gather [hbm4b:s3+s13], $0x20, s2, s13, $0xb8;
	[tilespmem:$0xCE10] =	vst v63  }
0x1f: {  	_ = 	snop  }
0x20: {  	[tilespmem:s16], [sflag:$0x1] =	stream.indirect.gather [hbm4b:s4+s15], $0x20, s11, s15, $0xb8;
	[tilespmem:$0xCE10] =	vst v63  }
0x21: {  	_ = 	snop  }
0x22: {  	[tilespmem:s17], [sflag:$0x2] =	stream.indirect.gather [hbm4b:s3+s13], $0x20, s13, s13, $0xb8;
	[tilespmem:$0xCE10] =	vst v63  }
0x23: {  	_ = 	snop  }
0x24: {  	[tilespmem:s19], [sflag:$0x2] =	stream.indirect.gather [hbm4b:s4+s15], $0x20, s18, s15, $0xb8;
	[tilespmem:$0xCE10] =	vst v63  }
0x25: {  	_ =	swait.ge [sflag:s20], $0x1000  }
0x26: {  	[sflag:s20] =	ssyncset.done $0x0  }
0x27: {  	[sflag:s20] =	ssyncadd.s32 $0xFFFFF000  }
0x28: {  	_ =	swait.ge [sflag:s20], $0x5000  }
0x29: {  	[sflag:s20] =	ssyncset.done $0x0  }
0x2a: {  	v2 =	vimm.f32 $0.0e+00;
	v1 =	vimm.f32 $0.0e+00;
	s29 =	simm.s32 $0x0;
	[sflag:s20] =	ssyncadd.s32 $0xFFFFB000  }
.LBB2_2:
0x2b: {  	s0 =	simm.s32 $0x1  }
0x2c: {  	s30 =	sshll.u32 s29, $0x4;
	v3 =	vmov s0  }
0x2d: {  	v9 =	vor.u32 s30, v62;
	v3 =	vand.u32 $0x1D, v3  }
0x2e: {  	v4 =	vmul.u32 $0xA0, v9;
	v3 =	vbroadcast v3, $0x0  }
0x2f: {  	s31 =	simm.s32 $0x2  }
0x30: {  	v7 =	vmov s31;
	v5 =	vadd.s32 $0x80, v4;
	v10 =	vor.u32 v4, v3  }
0x31: {  	v8 =	vand.u32 $0x1E, v7;
	v6 =	vadd.s32 $0x20, v4;
	v11 =	vor.u32 v5, v3  }
0x32: {  	v13 =	vbroadcast v8, $0x0;
	v7 =	vadd.s32 $0x60, v4;
	v12 =	vor.u32 v6, v3  }
0x33: {  	s1 =	simm.s32 $0x3;
	v14 =	vor.u32 v7, v3  }
0x34: {  	v17 =	vmov s1;
	v8 =	vadd.s32 $0x40, v4;
	v15 =	vor.u32 v7, v13  }
0x35: {  	v17 =	vand.u32 $0x1F, v17;
	v16 =	vor.u32 v8, v13;
	v10 =	vld.idx.msk [tilespmem:v10+s16+$0x0], $0xffff  }
0x36: {  	v17 =	vbroadcast v17, $0x0;
	v18 =	vor.u32 v6, v13;
	v11 =	vld.idx.msk [tilespmem:v11+s16+$0x0], $0xffff  }
0x37: {  	v9 =	vshll.u32 v9, $0x5;
	v19 =	vor.u32 v5, v13;
	v32 =	vld.idx.msk [tilespmem:v12+s16+$0x0], $0xffff  }
0x38: {  	v20 =	vor.u32 v9, v17;
	v14 =	vld.idx.msk [tilespmem:v14+s16+$0x0], $0xffff  }
0x39: {  	v21 =	vor.u32 v6, v17;
	v15 =	vld.idx.msk [tilespmem:v15+s16+$0x0], $0xffff  }
0x3a: {  	v22 =	vor.u32 v8, v17;
	v16 =	vld.idx.msk [tilespmem:v16+s16+$0x0], $0xffff  }
0x3b: {  	s31 =	simm.s32 $0x0;
	v24 =	vor.u32 v8, v3;
	v18 =	vld.idx.msk [tilespmem:v18+s16+$0x0], $0xffff  }
0x3c: {  	v23 =	vmov s31;
	v3 =	vor.u32 v9, v3;
	v33 =	vld.idx.msk [tilespmem:v19+s16+$0x0], $0xffff  }
0x3d: {  	v12 =	vor.u32 v4, v13;
	v19 =	vand.u32 $0x1C, v23;
	v54 =	vld.idx.msk [tilespmem:v20+s14+$0x0], $0xffff  }
0x3e: {  	v13 =	vor.u32 v9, v13;
	v20 =	vld.idx.msk [tilespmem:v21+s16+$0x0], $0xffff;
	v19 =	vbroadcast v19, $0x0  }
0x3f: {  	v34 =	vor.u32 v5, v17;
	v23 =	vor.u32 v7, v17;
	v30 =	vld.idx.msk [tilespmem:v22+s16+$0x0], $0xffff;
	v17 =	vor.u32 v4, v17  }
0x40: {  	v39 =	vld.idx.msk [tilespmem:v24+s16+$0x0], $0xffff;
	v21 =	vor.u32 v4, v19;
	v29 =	vor.u32 v6, v19;
	v31 =	vor.u32 v8, v19  }
0x41: {  	v3 =	vld.idx.msk [tilespmem:v3+s14+$0x0], $0xffff;
	v36 =	vor.u32 v5, v19;
	v35 =	vunpack.i.u.bf16.f32 v10;
	v40 =	vunpack.i.l.bf16.f32 v10  }
0x42: {  	v12 =	vld.idx.msk [tilespmem:v12+s16+$0x0], $0xffff;
	v27 =	vunpack.i.l.bf16.f32 v11;
	v10 =	vor.u32 v9, v19;
	v28 =	vunpack.i.l.bf16.f32 v15  }
0x43: {  	v26 =	vld.idx.msk [tilespmem:v13+s14+$0x0], $0xffff;
	v38 =	vunpack.i.u.bf16.f32 v18;
	v19 =	vor.u32 v7, v19;
	v41 =	vunpack.i.u.bf16.f32 v16  }
0x44: {  	v13 =	vld.idx.msk [tilespmem:v23+s16+$0x0], $0xffff;
	v23 =	vunpack.i.l.bf16.f32 v16;
	v42 =	vunpack.i.u.bf16.f32 v15;
	v16 =	vunpack.i.u.bf16.f32 v33  }
0x45: {  	v25 =	vunpack.i.u.bf16.f32 v20;
	v48 =	vunpack.i.l.bf16.f32 v14;
	v24 =	vunpack.i.l.bf16.f32 v30  }
0x46: {  	v49 =	vunpack.i.l.bf16.f32 v32;
	v17 =	vld.idx.msk [tilespmem:v17+s16+$0x0], $0xffff;
	v52 =	vunpack.i.l.bf16.f32 v39;
	v53 =	vunpack.i.u.bf16.f32 v14  }
0x47: {  	v55 =	vunpack.i.u.bf16.f32 v3;
	v3 =	vunpack.i.l.bf16.f32 v3;
	v39 =	vunpack.i.u.bf16.f32 v39;
	v45 =	vld.idx.msk [tilespmem:v21+s16+$0x0], $0xffff  }
0x48: {  	v32 =	vunpack.i.u.bf16.f32 v32;
	v49 =	vmul.f32 v49, v3;
	v21 =	vunpack.i.l.bf16.f32 v18;
	v47 =	vld.idx.msk [tilespmem:v31+s16+$0x0], $0xffff  }
0x49: {  	v31 =	vunpack.i.l.bf16.f32 v20;
	v22 =	vunpack.i.l.bf16.f32 v12;
	v43 =	vld.idx.msk [tilespmem:v10+s14+$0x0], $0xffff;
	v10 =	vunpack.i.l.bf16.f32 v54  }
0x4a: {  	v18 =	vld.idx.msk [tilespmem:v36+s16+$0x0], $0xffff;
	v44 =	vunpack.i.u.bf16.f32 v12;
	v61 =	vunpack.i.u.bf16.f32 v26;
	v15 =	vunpack.i.l.bf16.f32 v26  }
0x4b: {  	v46 =	vld.idx.msk [tilespmem:v19+s16+$0x0], $0xffff;
	v14 =	vunpack.i.l.bf16.f32 v13;
	v19 =	vunpack.i.u.bf16.f32 v11;
	v26 =	vmul.f32 v27, v3  }
0x4c: {  	v12 =	vunpack.i.u.bf16.f32 v30;
	v11 =	vmul.f32 v14, v10;
	v20 =	vmul.f32 v19, v55  }
0x4d: {  	v14 =	vmul.f32 v16, v61;
	v27 =	vmul.f32 v41, v61;
	v41 =	vunpack.i.u.bf16.f32 v17  }
0x4e: {  	v51 =	vld.idx.msk [tilespmem:v29+s16+$0x0], $0xffff;
	v16 =	vmul.f32 v31, v10;
	v19 =	vmul.f32 v38, v61;
	v31 =	vunpack.i.l.bf16.f32 v17  }
0x4f: {  	v38 =	vld.idx.msk [tilespmem:v34+s16+$0x0], $0xffff;
	v34 =	vmul.f32 v53, v55;
	v30 =	vunpack.i.u.bf16.f32 v18;
	v56 =	vunpack.i.l.bf16.f32 v45  }
0x50: {  	v18 =	vunpack.i.l.bf16.f32 v18;
	v50 =	vunpack.i.u.bf16.f32 v45;
	v17 =	vunpack.i.l.bf16.f32 v47  }
0x51: {  	v37 =	vunpack.i.l.bf16.f32 v43;
	v57 =	vunpack.i.l.bf16.f32 v46;
	v29 =	vunpack.i.u.bf16.f32 v43  }
0x52: {  	v43 =	vunpack.i.u.bf16.f32 v46;
	v62 =	vmul.f32 v18, v37;
	v18 =	vmul.f32 v28, v15  }
0x53: {  	v28 =	vunpack.i.u.bf16.f32 v47;
	v63 =	vmul.f32 v17, v37;
	v17 =	vmul.f32 v42, v61  }
0x54: {  	v47 =	vunpack.i.u.bf16.f32 v51;
	v51 =	vunpack.i.l.bf16.f32 v51;
	v36 =	vunpack.i.l.bf16.f32 v38  }
0x55: {  	v58 =	vmul.f32 v28, v29;
	v28 =	vmul.f32 v44, v61;
	v59 =	vadd.f32 v63, v2  }
0x56: {  	v46 =	vmul.f32 v47, v29;
	v47 =	vunpack.i.l.bf16.f32 v33;
	v61 =	vmul.f32 v57, v37  }
0x57: {  	v42 =	vadd.f32 v62, v2;
	v62 =	vmul.f32 v52, v3;
	v60 =	vadd.f32 v59, v58  }
0x58: {  	v44 =	vmul.f32 v35, v55;
	v35 =	vimm.f32 $0.0e+00;
	v52 =	vmul.f32 v56, v37  }
0x59: {  	v63 =	vmul.f32 v39, v55;
	v39 =	vmul.f32 v48, v3;
	v33 =	vadd.f32 v62, v60  }
0x5a: {  	v48 =	vmul.f32 v32, v55;
	v32 =	vunpack.i.u.bf16.f32 v54;
	v45 =	vadd.f32 v61, v2  }
0x5b: {  	v53 =	vadd.f32 v33, v63;
	v33 =	vmul.f32 v40, v3;
	v3 =	vld [tilespmem:s30+$0xC00];
	s30 =	simm.s32 $0x4;
	v40 =	vimm.f32 $0.0e+00  }
.LBB2_3:
0x5c: {  	s0 =	sadd.s32 $0x1, s30  }
0x5d: {  	p0 =	sne.s32 s30, $0x1C;
	v54 =	vmul.f32 v23, v15;
	v47 =	vmul.f32 v47, v15;
	v13 =	vunpack.i.u.bf16.f32 v13;
	s31 =	smov.u32 s30;
	s30 =	sadd.s32 $0x4, s30  }
0x5e: {  	v50 =	vmul.f32 v50, v29;
	v22 =	vmul.f32 v22, v15;
	v23 =	vmov s0  }
0x5f: {  	v30 =	vmul.f32 v30, v29;
	v55 =	vand.u32 $0x1D, v23;
	v23 =	vmul.f32 v41, v32  }
0x60: {  	v25 =	vmul.f32 v25, v32;
	s0 =	sadd.s32 $0x2, s31;
	v53 =	vadd.f32 v54, v53;
	v41 =	vbroadcast v55, $0x0  }
0x61: {  	v24 =	vmul.f32 v24, v10;
	v54 =	vmov s0;
	v30 =	vadd.f32 v42, v30  }
0x62: {  	v38 =	vunpack.i.u.bf16.f32 v38;
	v13 =	vmul.f32 v13, v32;
	v42 =	vor.u32 v4, v41  }
0x63: {  	v56 =	vmul.f32 v36, v10;
	v38 =	vmul.f32 v38, v32;
	v55 =	vor.u32 v9, v41  }
0x64: {  	v37 =	vmul.f32 v51, v37;
	v26 =	vadd.f32 v26, v30;
	v36 =	vor.u32 v5, v41  }
0x65: {  	v29 =	vmul.f32 v43, v29;
	v15 =	vmul.f32 v21, v15;
	v30 =	vor.u32 v7, v41  }
0x66: {  	v40 =	vadd.f32 v52, v40;
	v21 =	vor.u32 v8, v41;
	v20 =	vadd.f32 v26, v20  }
0x67: {  	v35 =	vadd.f32 v37, v35;
	v29 =	vadd.f32 v45, v29;
	v41 =	vor.u32 v6, v41;
	v26 =	vld.idx.msk [tilespmem:v42+s16+$0x0], $0xffff  }
0x68: {  	v40 =	vadd.f32 v40, v50;
	v37 =	vand.u32 $0x1E, v54;
	v27 =	vadd.f32 v53, v27  }
0x69: {  	s0 =	sadd.s32 $0x3, s31;
	v37 =	vbroadcast v37, $0x0;
	v35 =	vadd.f32 v35, v46;
	v20 =	vadd.f32 v47, v20;
	v43 =	vld.idx.msk [tilespmem:v36+s16+$0x0], $0xffff  }
0x6a: {  	v40 =	vadd.f32 v33, v40;
	v29 =	vadd.f32 v39, v29;
	v42 =	vmov s0  }
0x6b: {  	v45 =	vor.u32 v9, v37;
	v46 =	vor.u32 v8, v37;
	v14 =	vadd.f32 v20, v14  }
0x6c: {  	v35 =	vadd.f32 v49, v35;
	v47 =	vor.u32 v7, v37;
	v20 =	vor.u32 v6, v37  }
0x6d: {  	v10 =	vmul.f32 v31, v10;
	v36 =	vunpack.i.u.bf16.f32 v26;
	v33 =	vunpack.i.l.bf16.f32 v26  }
0x6e: {  	v31 =	vand.u32 $0x1F, v42;
	v14 =	vadd.f32 v56, v14;
	v26 =	vor.u32 v5, v37  }
0x6f: {  	v24 =	vadd.f32 v24, v27;
	v37 =	vor.u32 v4, v37;
	v39 =	vld.idx.msk [tilespmem:v41+s16+$0x0], $0xffff;
	v41 =	vunpack.i.l.bf16.f32 v43  }
0x70: {  	v42 =	vadd.f32 v14, v38;
	v27 =	vld.idx.msk [tilespmem:v30+s16+$0x0], $0xffff;
	v30 =	vbroadcast v31, $0x0;
	v31 =	vadd.f32 v40, v44  }
0x71: {  	v12 =	vmul.f32 v12, v32;
	v29 =	vadd.f32 v29, v34;
	v35 =	vadd.f32 v35, v48;
	v14 =	vld.idx.msk [tilespmem:v47+s16+$0x0], $0xffff  }
0x72: {  	v32 =	vld.idx.msk [tilespmem:v46+s16+$0x0], $0xffff;
	v34 =	vor.u32 v9, v30;
	v38 =	vor.u32 v6, v30;
	v22 =	vadd.f32 v22, v31  }
0x73: {  	v18 =	vadd.f32 v18, v29;
	v31 =	vor.u32 v8, v30;
	v44 =	vor.u32 v5, v30;
	v20 =	vld.idx.msk [tilespmem:v20+s16+$0x0], $0xffff  }
0x74: {  	v29 =	vmov s31;
	v15 =	vadd.f32 v15, v35;
	v47 =	vld.idx.msk [tilespmem:v26+s16+$0x0], $0xffff;
	v22 =	vadd.f32 v22, v28  }
0x75: {  	v17 =	vadd.f32 v18, v17;
	v26 =	vand.u32 $0x1C, v29;
	v29 =	vor.u32 v7, v30;
	v28 =	vld.idx.msk [tilespmem:v37+s16+$0x0], $0xffff  }
0x76: {  	v15 =	vadd.f32 v15, v19;
	v18 =	vbroadcast v26, $0x0;
	v26 =	vld.idx.msk [tilespmem:v45+s14+$0x0], $0xffff;
	v10 =	vadd.f32 v10, v22  }
0x77: {  	v11 =	vadd.f32 v11, v17;
	v45 =	vunpack.i.l.bf16.f32 v14;
	v54 =	vld.idx.msk [tilespmem:v34+s14+$0x0], $0xffff;
	v34 =	vadd.f32 v24, v12  }
0x78: {  	v15 =	vadd.f32 v16, v15;
	v12 =	vor.u32 v9, v18;
	v17 =	vor.u32 v4, v18;
	v19 =	vld.idx.msk [tilespmem:v38+s16+$0x0], $0xffff  }
0x79: {  	v48 =	vadd.f32 v11, v13;
	v16 =	vor.u32 v6, v18;
	v38 =	vor.u32 v8, v18;
	v31 =	vld.idx.msk [tilespmem:v31+s16+$0x0], $0xffff  }
0x7a: {  	v35 =	vadd.f32 v15, v25;
	v30 =	vor.u32 v4, v30;
	v11 =	vor.u32 v5, v18;
	v13 =	vld.idx.msk [tilespmem:v29+s16+$0x0], $0xffff  }
0x7b: {  	v40 =	vadd.f32 v10, v23;
	v22 =	vunpack.i.l.bf16.f32 v28;
	v29 =	vunpack.i.u.bf16.f32 v20;
	v49 =	vld.idx.msk [tilespmem:v21+s16+$0x0], $0xffff  }
0x7c: {  	v50 =	vunpack.i.u.bf16.f32 v32;
	v18 =	vor.u32 v7, v18;
	v23 =	vunpack.i.l.bf16.f32 v32;
	v46 =	vld.idx.msk [tilespmem:v55+s14+$0x0], $0xffff  }
0x7d: {  	v51 =	vunpack.i.u.bf16.f32 v14;
	v14 =	vunpack.i.u.bf16.f32 v47;
	v10 =	vunpack.i.l.bf16.f32 v54;
	v32 =	vld.idx.msk [tilespmem:v12+s14+$0x0], $0xffff  }
0x7e: {  	v28 =	vunpack.i.u.bf16.f32 v28;
	v21 =	vunpack.i.l.bf16.f32 v20;
	v25 =	vunpack.i.u.bf16.f32 v19;
	v17 =	vld.idx.msk [tilespmem:v17+s16+$0x0], $0xffff  }
0x7f: {  	v53 =	vunpack.i.u.bf16.f32 v26;
	v55 =	vunpack.i.l.bf16.f32 v27;
	v24 =	vunpack.i.l.bf16.f32 v31;
	v52 =	vld.idx.msk [tilespmem:v11+s16+$0x0], $0xffff  }
0x80: {  	v56 =	vunpack.i.l.bf16.f32 v39;
	v15 =	vunpack.i.l.bf16.f32 v26;
	v12 =	vunpack.i.u.bf16.f32 v31;
	v57 =	vld.idx.msk [tilespmem:v30+s16+$0x0], $0xffff  }
0x81: {  	v60 =	vunpack.i.u.bf16.f32 v27;
	v11 =	vunpack.i.l.bf16.f32 v13;
	v59 =	vunpack.i.l.bf16.f32 v49;
	v58 =	vld.idx.msk [tilespmem:v18+s16+$0x0], $0xffff  }
0x82: {  	v11 =	vmul.f32 v11, v10;
	v61 =	vunpack.i.u.bf16.f32 v46;
	v18 =	vunpack.i.u.bf16.f32 v43  }
0x83: {  	v19 =	vunpack.i.l.bf16.f32 v19;
	v62 =	vunpack.i.l.bf16.f32 v46;
	v37 =	vunpack.i.l.bf16.f32 v32;
	v38 =	vld.idx.msk [tilespmem:v38+s16+$0x0], $0xffff  }
0x84: {  	v14 =	vmul.f32 v14, v53;
	v20 =	vmul.f32 v18, v61  }
0x85: {  	v27 =	vmul.f32 v50, v53;
	v26 =	vmul.f32 v41, v62;
	v30 =	vunpack.i.u.bf16.f32 v52;
	v43 =	vld.idx.msk [tilespmem:v16+s16+$0x0], $0xffff  }
0x86: {  	v63 =	vunpack.i.l.bf16.f32 v17;
	v41 =	vunpack.i.u.bf16.f32 v57;
	v16 =	vmul.f32 v19, v10  }
0x87: {  	v18 =	vunpack.i.l.bf16.f32 v52;
	v19 =	vmul.f32 v29, v53;
	v0 =	vunpack.i.l.bf16.f32 v58  }
0x88: {  	v50 =	vunpack.i.u.bf16.f32 v17;
	v29 =	vunpack.i.u.bf16.f32 v32;
	v31 =	vunpack.i.l.bf16.f32 v57  }
0x89: {  	v32 =	vmul.f32 v18, v37;
	v18 =	vmul.f32 v45, v15;
	v17 =	vunpack.i.l.bf16.f32 v38  }
0x8a: {  	v38 =	vunpack.i.u.bf16.f32 v38;
	v45 =	vmul.f32 v17, v37;
	v17 =	vmul.f32 v51, v53  }
0x8b: {  	v28 =	vmul.f32 v28, v53;
	v52 =	vmul.f32 v38, v29;
	v46 =	vunpack.i.u.bf16.f32 v43;
	v38 =	vld.idx.msk [tilespmem:v44+s16+$0x0], $0xffff  }
0x8c: {  	v51 =	vunpack.i.l.bf16.f32 v43;
	v43 =	vunpack.i.u.bf16.f32 v58;
	v34 =	vadd.f32 v45, v34  }
0x8d: {  	v47 =	vunpack.i.l.bf16.f32 v47;
	v42 =	vadd.f32 v32, v42;
	v46 =	vmul.f32 v46, v29  }
0x8e: {  	v0 =	vmul.f32 v0, v37;
	v44 =	vmul.f32 v59, v62;
	v32 =	vadd.f32 v34, v52  }
.Ltmp0:
0x8f: {  	v49 =	vunpack.i.u.bf16.f32 v49;
	v52 =	vmul.f32 v63, v37;
	v34 =	vmul.f32 v60, v61;
	(pc) =	sbr.rel @p0 .LBB2_3-.Ltmp0, $4  }
0x90: {  	v45 =	vadd.f32 v0, v48;
	v0 =	vadd.f32 v44, v32;
	v32 =	vmul.f32 v49, v61  }
0x91: {  	v44 =	vmul.f32 v36, v61;
	v49 =	vmul.f32 v56, v62;
	v36 =	vunpack.i.l.bf16.f32 v38  }
0x92: {  	v48 =	vunpack.i.u.bf16.f32 v39;
	v39 =	vmul.f32 v55, v62;
	v53 =	vadd.f32 v0, v32  }
0x93: {  	v33 =	vmul.f32 v33, v62;
	v48 =	vmul.f32 v48, v61;
	v32 =	vunpack.i.u.bf16.f32 v54  }
0x94: {  	v0 =	vmul.f32 v51, v37;
	_ =	sdelay $0x1  }
0x95: {  	v4 =	vmul.f32 v50, v29;
	v5 =	vadd.f32 v52, v40;
	v0 =	vadd.f32 v0, v35;
	_ =	sdelay $0x1  }
0x96: {  	v4 =	vadd.f32 v5, v4;
	v0 =	vadd.f32 v0, v46;
	_ =	sdelay $0x1  }
0x97: {  	v4 =	vadd.f32 v33, v4;
	v0 =	vadd.f32 v49, v0  }
0x98: {  	v58 =	vmul.f32 v22, v15  }
0x99: {  	v6 =	vmul.f32 v21, v15;
	v4 =	vadd.f32 v4, v44;
	v0 =	vadd.f32 v0, v48;
	_ =	sdelay $0x1  }
0x9a: {  	v4 =	vadd.f32 v58, v4;
	v0 =	vadd.f32 v6, v0;
	_ =	sdelay $0x1  }
0x9b: {  	v59 =	vmul.f32 v31, v10;
	v4 =	vadd.f32 v4, v28;
	v0 =	vadd.f32 v0, v19  }
0x9c: {  	v60 =	vmul.f32 v41, v32  }
0x9d: {  	v7 =	vmul.f32 v25, v32;
	v4 =	vadd.f32 v59, v4;
	v0 =	vadd.f32 v16, v0;
	_ =	sdelay $0x1  }
0x9e: {  	v4 =	vadd.f32 v4, v60;
	v0 =	vadd.f32 v0, v7;
	_ =	sdelay $0x1  }
0x9f: {  	v0 =	vsub.f32 v0, v4;
	_ =	sdelay $0x1  }
0xa0: {  	v61 =	vand.u32 $0x7FFFFFFF, v0  }
0xa1: {  	v62 =	vmul.f32 v23, v15;
	v5 =	vsub.f32 $0.0e+00, v61;
	_ =	sdelay $0x1  }
0xa2: {  	v6 =	vadd.f32 v62, v53;
	v5 =	vmul.f32 $1.442695020e+00, v5;
	_ =	sdelay $0x1  }
0xa3: {  	v63 =	vmul.f32 v24, v10;
	v6 =	vadd.f32 v6, v27;
	(erf) = vpow2.f32 v5;
	_ =	sdelay $0x1  }
0xa4: {  	v12 =	vmul.f32 v12, v32;
	v9 =	vadd.f32 v63, v6  }
0xa5: {  	v16 =	vmul.f32 v43, v29  }
0xa6: {  	v5 =	vadd.f32 v9, v12  }
0xa7: {  	v19 =	vadd.f32 v45, v16  }
0xa8: {  	v5 =	vsub.f32 v5, v4  }
0xa9: {  	v6 =	vadd.f32 v39, v19  }
0xaa: {  	v21 =	vand.u32 $0x7FFFFFFF, v5  }
0xab: {  	v6 =	vadd.f32 v6, v34;
	v7 =	vsub.f32 $0.0e+00, v21;
	v8 =	vpop (erf)  }
0xac: {  	v9 =	vadd.f32 $2.000000000e+00, v8  }
0xad: {  	v6 =	vadd.f32 v18, v6;
	v7 =	vmul.f32 $1.442695020e+00, v7  }
0xae: {  	(erf) = vrcp.f32 v9  }
0xaf: {  	v6 =	vadd.f32 v6, v17;
	(erf) = vpow2.f32 v7  }
0xb0: {  	v22 =	vunpack.i.u.bf16.f32 v13  }
0xb1: {  	v6 =	vadd.f32 v11, v6;
	v7 =	vmul.f32 v22, v32  }
0xb2: {  	v23 =	vmul.f32 v30, v29  }
0xb3: {  	v6 =	vadd.f32 v6, v7  }
0xb4: {  	v24 =	vadd.f32 v42, v23  }
0xb5: {  	v6 =	vsub.f32 v6, v4  }
0xb6: {  	v7 =	vadd.f32 v26, v24  }
0xb7: {  	v26 =	vand.u32 $0x7FFFFFFF, v6;
	v25 =	vpop (erf)  }
0xb8: {  	v27 =	vmul.f32 v47, v15;
	v7 =	vadd.f32 v7, v20;
	v11 =	vsub.f32 $0.0e+00, v26;
	v28 =	vpop (erf)  }
0xb9: {  	v29 =	vadd.f32 $2.000000000e+00, v28  }
0xba: {  	v7 =	vadd.f32 v27, v7;
	v11 =	vmul.f32 $1.442695020e+00, v11  }
0xbb: {  	(erf) = vrcp.f32 v29  }
0xbc: {  	v30 =	vmul.f32 v36, v10;
	v7 =	vadd.f32 v7, v14;
	(erf) = vpow2.f32 v11  }
0xbd: {  	v31 =	vunpack.i.u.bf16.f32 v38  }
0xbe: {  	v7 =	vadd.f32 v30, v7;
	v11 =	vmul.f32 v31, v32;
	_ =	sdelay $0x1  }
0xbf: {  	v7 =	vadd.f32 v7, v11;
	_ =	sdelay $0x1  }
0xc0: {  	v4 =	vsub.f32 v7, v4;
	_ =	sdelay $0x1  }
0xc1: {  	v34 =	vand.u32 $0x7FFFFFFF, v4;
	v33 =	vpop (erf)  }
0xc2: {  	v10 =	vsub.f32 $0.0e+00, v34;
	v35 =	vpop (erf)  }
0xc3: {  	v36 =	vadd.f32 $2.000000000e+00, v35  }
0xc4: {  	v10 =	vmul.f32 $1.442695020e+00, v10  }
0xc5: {  	(erf) = vrcp.f32 v36  }
0xc6: {  	(erf) = vpow2.f32 v10;
	_ =	sdelay $0x7  }
0xc7: {  	v37 =	vpop (erf)  }
0xc8: {  	v38 =	vpop (erf)  }
0xc9: {  	v39 =	vadd.f32 $2.000000000e+00, v38;
	_ =	sdelay $0x1  }
0xca: {  	(erf) = vrcp.f32 v39;
	_ =	sdelay $0x2  }
0xcb: {  	v8 =	vmul.f32 v25, v8;
	_ =	sdelay $0x1  }
0xcc: {  	v9 =	vmul.f32 v8, v8;
	v7 =	vmul.f32 v33, v28;
	_ =	sdelay $0x1  }
0xcd: {  	v40 =	vmul.f32 $1.111111120e-01, v9;
	v41 =	vmul.f32 v7, v7  }
0xce: {  	v10 =	vmul.f32 v37, v35  }
0xcf: {  	v42 =	vadd.f32 $1.428571490e-01, v40;
	v43 =	vmul.f32 $1.111111120e-01, v41;
	v44 =	vpop (erf)  }
0xd0: {  	v45 =	vmul.f32 v10, v10;
	v12 =	vmul.f32 v44, v38  }
0xd1: {  	v11 =	vmul.f32 v42, v9;
	v13 =	vadd.f32 $1.428571490e-01, v43  }
0xd2: {  	v46 =	vmul.f32 $1.111111120e-01, v45;
	v47 =	vmul.f32 v12, v12  }
0xd3: {  	v11 =	vadd.f32 $2.000000030e-01, v11;
	v13 =	vmul.f32 v13, v41  }
0xd4: {  	v15 =	vadd.f32 $1.428571490e-01, v46;
	v48 =	vmul.f32 $1.111111120e-01, v47  }
0xd5: {  	v11 =	vmul.f32 v11, v9;
	v13 =	vadd.f32 $2.000000030e-01, v13  }
0xd6: {  	v15 =	vmul.f32 v15, v45;
	v18 =	vadd.f32 $1.428571490e-01, v48  }
0xd7: {  	v11 =	vadd.f32 $3.333333430e-01, v11;
	v13 =	vmul.f32 v13, v41  }
0xd8: {  	v15 =	vadd.f32 $2.000000030e-01, v15;
	v18 =	vmul.f32 v18, v47  }
0xd9: {  	v9 =	vmul.f32 v11, v9;
	v49 =	vadd.f32 $3.333333430e-01, v13  }
0xda: {  	v50 =	vmul.f32 v15, v45;
	v51 =	vadd.f32 $2.000000030e-01, v18  }
0xdb: {  	v8 =	vadd.f32 v8, v8;
	v9 =	vadd.f32 $1.000000000e+00, v9;
	v11 =	vmul.f32 v49, v41  }
0xdc: {  	v13 =	vadd.f32 $3.333333430e-01, v50;
	v52 =	vmul.f32 v51, v47  }
0xdd: {  	v7 =	vadd.f32 v7, v7;
	v8 =	vmul.f32 v9, v8;
	v53 =	vadd.f32 $1.000000000e+00, v11  }
0xde: {  	v0 =	vmax.f32 v0, $0.0e+00;
	v54 =	vmul.f32 v13, v45;
	v55 =	vadd.f32 $3.333333430e-01, v52  }
0xdf: {  	v5 =	vmax.f32 v5, $0.0e+00;
	v0 =	vadd.f32 v8, v0;
	v7 =	vmul.f32 v53, v7  }
0xe0: {  	v57 =	vadd.f32 v10, v10;
	v56 =	vadd.f32 $1.000000000e+00, v54;
	v58 =	vmul.f32 v55, v47  }
0xe1: {  	v0 =	vadd.f32 $0.0e+00, v0;
	v5 =	vadd.f32 v7, v5  }
0xe2: {  	v61 =	vadd.f32 v12, v12;
	v59 =	vmul.f32 v56, v57;
	v60 =	vadd.f32 $1.000000000e+00, v58  }
0xe3: {  	v6 =	vmax.f32 v6, $0.0e+00  }
0xe4: {  	v0 =	vadd.f32 v5, v0;
	v62 =	vadd.f32 v59, v6;
	v63 =	vmul.f32 v60, v61  }
0xe5: {  	v4 =	vmax.f32 v4, $0.0e+00  }
0xe6: {  	s29 =	sadd.s32 $0x1, s29;
	v0 =	vadd.f32 v62, v0;
	v4 =	vadd.f32 v63, v4  }
0xe7: {  	p0 =	sne.s32 s29, $0x8  }
.Ltmp1:
0xe8: {  	v0 =	vadd.f32 v4, v0;
	(pc) =	sbr.rel @p0 .LBB2_2-.Ltmp1, $3  }
0xe9: {  	_ = 	snop  }
0xea: {  	v0 =	vmul.f32 v0, v3;
	_ =	sdelay $0x1  }
0xeb: {  	v62 =	vlaneseq.u32;
	v1 =	vadd.f32 v0, v1  }
0xec: {  	[tilespmem:s14], [sflag:$0x1] =	stream.indirect.gather [hbm4b:s3+s13], $0x20, s21, s13, $0xb8;
	[tilespmem:$0xCE10] =	vst v63  }
0xed: {  	_ = 	snop  }
0xee: {  	[tilespmem:s16], [sflag:$0x1] =	stream.indirect.gather [hbm4b:s4+s15], $0x20, s22, s15, $0xb8;
	[tilespmem:$0xCE10] =	vst v63  }
0xef: {  	_ =	swait.ge [sflag:s23], $0x1000  }
0xf0: {  	[sflag:s23] =	ssyncset.done $0x0  }
0xf1: {  	[sflag:s23] =	ssyncadd.s32 $0xFFFFF000  }
0xf2: {  	_ =	swait.ge [sflag:s23], $0x5000  }
0xf3: {  	[sflag:s23] =	ssyncset.done $0x0  }
0xf4: {  	s29 =	simm.s32 $0x0;
	s30 =	simm.s32 $0x0;
	[sflag:s23] =	ssyncadd.s32 $0xFFFFB000  }
.LBB2_6:
0xf5: {  	s0 =	simm.s32 $0x1  }
0xf6: {  	s31 =	sshll.u32 s30, $0x4;
	v0 =	vmov s0  }
0xf7: {  	v2 =	vor.u32 s31, v62;
	v0 =	vand.u32 $0x1D, v0  }
0xf8: {  	v3 =	vmul.u32 $0xA0, v2;
	v0 =	vbroadcast v0, $0x0  }
0xf9: {  	s1 =	simm.s32 $0x2  }
0xfa: {  	v6 =	vmov s1;
	v4 =	vadd.s32 $0x80, v3;
	v8 =	vor.u32 v3, v0  }
0xfb: {  	v7 =	vand.u32 $0x1E, v6;
	v5 =	vadd.s32 $0x20, v3;
	v9 =	vor.u32 v4, v0  }
0xfc: {  	v11 =	vbroadcast v7, $0x0;
	v6 =	vadd.s32 $0x60, v3;
	v10 =	vor.u32 v5, v0  }
0xfd: {  	v12 =	vor.u32 v6, v0  }
0xfe: {  	v7 =	vadd.s32 $0x40, v3;
	v13 =	vor.u32 v6, v11  }
0xff: {  	v15 =	vor.u32 v7, v11;
	v14 =	vld.idx.msk [tilespmem:v8+s19+$0x0], $0xffff  }
0x100: {  	v17 =	vor.u32 v4, v11;
	v16 =	vld.idx.msk [tilespmem:v9+s19+$0x0], $0xffff  }
0x101: {  	s1 =	simm.s32 $0x3;
	v22 =	vor.u32 v7, v0;
	v32 =	vld.idx.msk [tilespmem:v10+s19+$0x0], $0xffff  }
0x102: {  	v8 =	vmov s1;
	v9 =	vor.u32 v5, v11;
	v10 =	vld.idx.msk [tilespmem:v12+s19+$0x0], $0xffff  }
0x103: {  	v19 =	vld.idx.msk [tilespmem:v13+s19+$0x0], $0xffff;
	v18 =	vand.u32 $0x1F, v8;
	v8 =	vshll.u32 v2, $0x5;
	v2 =	vor.u32 v3, v11  }
0x104: {  	v15 =	vld.idx.msk [tilespmem:v15+s19+$0x0], $0xffff;
	v13 =	vmov s29;
	v18 =	vbroadcast v18, $0x0;
	v11 =	vor.u32 v8, v11  }
0x105: {  	v33 =	vld.idx.msk [tilespmem:v17+s19+$0x0], $0xffff;
	v13 =	vand.u32 $0x1C, v13;
	v0 =	vor.u32 v8, v0  }
0x106: {  	v36 =	vld.idx.msk [tilespmem:v22+s19+$0x0], $0xffff;
	v23 =	vbroadcast v13, $0x0;
	v12 =	vor.u32 v8, v18  }
0x107: {  	v13 =	vimm.f32 $0.0e+00;
	v20 =	vor.u32 v5, v18;
	v21 =	vld.idx.msk [tilespmem:v9+s19+$0x0], $0xffff  }
0x108: {  	v17 =	vor.u32 v6, v18;
	v34 =	vor.u32 v4, v18;
	v24 =	vor.u32 v3, v23;
	v2 =	vld.idx.msk [tilespmem:v2+s19+$0x0], $0xffff  }
0x109: {  	v29 =	vor.u32 v5, v23;
	v30 =	vor.u32 v7, v23;
	v31 =	vor.u32 v4, v23;
	v11 =	vld.idx.msk [tilespmem:v11+s17+$0x0], $0xffff  }
0x10a: {  	v37 =	vor.u32 v6, v23;
	v9 =	vor.u32 v7, v18;
	v35 =	vunpack.i.u.bf16.f32 v14;
	v0 =	vld.idx.msk [tilespmem:v0+s17+$0x0], $0xffff  }
0x10b: {  	v47 =	vunpack.i.l.bf16.f32 v14;
	v26 =	vunpack.i.l.bf16.f32 v16;
	v14 =	vor.u32 v8, v23;
	v53 =	vld.idx.msk [tilespmem:v12+s17+$0x0], $0xffff  }
0x10c: {  	v28 =	vunpack.i.l.bf16.f32 v19;
	v38 =	vunpack.i.u.bf16.f32 v15;
	v23 =	vunpack.i.l.bf16.f32 v15;
	v20 =	vld.idx.msk [tilespmem:v20+s19+$0x0], $0xffff  }
0x10d: {  	v41 =	vunpack.i.u.bf16.f32 v19;
	v54 =	vunpack.i.l.bf16.f32 v10;
	v48 =	vunpack.i.l.bf16.f32 v32;
	v12 =	vld.idx.msk [tilespmem:v17+s19+$0x0], $0xffff  }
0x10e: {  	v51 =	vunpack.i.l.bf16.f32 v36;
	v52 =	vunpack.i.u.bf16.f32 v10;
	v16 =	vunpack.i.u.bf16.f32 v16;
	v42 =	vld.idx.msk [tilespmem:v24+s19+$0x0], $0xffff  }
0x10f: {  	v36 =	vunpack.i.u.bf16.f32 v36;
	v17 =	vor.u32 v3, v18;
	v19 =	vld.idx.msk [tilespmem:v31+s19+$0x0], $0xffff;
	v18 =	vunpack.i.u.bf16.f32 v21  }
0x110: {  	v39 =	vld.idx.msk [tilespmem:v14+s17+$0x0], $0xffff;
	v14 =	vunpack.i.u.bf16.f32 v33;
	v21 =	vunpack.i.l.bf16.f32 v21;
	v22 =	vunpack.i.l.bf16.f32 v2  }
0x111: {  	v44 =	vld.idx.msk [tilespmem:v37+s19+$0x0], $0xffff;
	v2 =	vunpack.i.u.bf16.f32 v2;
	v43 =	vunpack.i.u.bf16.f32 v11;
	v15 =	vunpack.i.l.bf16.f32 v11  }
0x112: {  	v45 =	vld.idx.msk [tilespmem:v30+s19+$0x0], $0xffff;
	v55 =	vunpack.i.u.bf16.f32 v0;
	v0 =	vunpack.i.l.bf16.f32 v0;
	v14 =	vmul.f32 v14, v43  }
0x113: {  	v27 =	vld.idx.msk [tilespmem:v9+s19+$0x0], $0xffff;
	v26 =	vmul.f32 v26, v0;
	v48 =	vmul.f32 v48, v0;
	v9 =	vunpack.i.l.bf16.f32 v53  }
0x114: {  	v25 =	vunpack.i.u.bf16.f32 v20;
	v10 =	vunpack.i.l.bf16.f32 v12;
	v31 =	vunpack.i.l.bf16.f32 v20  }
0x115: {  	v20 =	vmul.f32 v16, v55;
	v30 =	vunpack.i.u.bf16.f32 v19;
	v56 =	vunpack.i.l.bf16.f32 v42  }
0x116: {  	v17 =	vld.idx.msk [tilespmem:v17+s19+$0x0], $0xffff;
	v57 =	vunpack.i.l.bf16.f32 v44;
	v60 =	vunpack.i.l.bf16.f32 v19;
	v19 =	vmul.f32 v18, v43  }
0x117: {  	v46 =	vld.idx.msk [tilespmem:v29+s19+$0x0], $0xffff;
	v49 =	vunpack.i.u.bf16.f32 v42;
	v18 =	vmul.f32 v28, v15;
	v28 =	vunpack.i.u.bf16.f32 v45  }
0x118: {  	v24 =	vunpack.i.l.bf16.f32 v27;
	v11 =	vunpack.i.u.bf16.f32 v27;
	v10 =	vmul.f32 v10, v9  }
0x119: {  	v37 =	vunpack.i.l.bf16.f32 v39;
	v27 =	vmul.f32 v38, v43;
	v16 =	vmul.f32 v31, v9  }
0x11a: {  	v29 =	vunpack.i.u.bf16.f32 v39;
	v38 =	vld.idx.msk [tilespmem:v34+s19+$0x0], $0xffff;
	v34 =	vmul.f32 v52, v55;
	v39 =	vmul.f32 v54, v0  }
0x11b: {  	v40 =	vunpack.i.u.bf16.f32 v17;
	v31 =	vunpack.i.l.bf16.f32 v17;
	v17 =	vunpack.i.l.bf16.f32 v45  }
0x11c: {  	v50 =	vunpack.i.l.bf16.f32 v46;
	v61 =	vmul.f32 v60, v37;
	v63 =	vmul.f32 v17, v37  }
0x11d: {  	v42 =	vunpack.i.u.bf16.f32 v44;
	v58 =	vmul.f32 v28, v29;
	v59 =	vmul.f32 v57, v37  }
0x11e: {  	v28 =	vmul.f32 v2, v43;
	v60 =	vmul.f32 v51, v0;
	v2 =	vadd.f32 v63, v13  }
0x11f: {  	v51 =	vmul.f32 v56, v37;
	v44 =	vadd.f32 v59, v13;
	v45 =	vunpack.i.u.bf16.f32 v46  }
0x120: {  	v46 =	vunpack.i.l.bf16.f32 v33;
	v33 =	vunpack.i.u.bf16.f32 v53;
	v2 =	vadd.f32 v2, v58  }
0x121: {  	v17 =	vmul.f32 v41, v43;
	v45 =	vmul.f32 v45, v29;
	v41 =	vadd.f32 v61, v13  }
0x122: {  	v61 =	vmul.f32 v36, v55;
	v43 =	vmul.f32 v35, v55;
	v2 =	vadd.f32 v60, v2  }
0x123: {  	v36 =	vunpack.i.l.bf16.f32 v38;
	v35 =	vimm.f32 $0.0e+00;
	v63 =	vunpack.i.u.bf16.f32 v32  }
0x124: {  	v32 =	vmul.f32 v47, v0;
	v47 =	vmul.f32 v63, v55;
	v52 =	vadd.f32 v2, v61;
	v2 =	vld [tilespmem:s31+$0xC80];
	s31 =	simm.s32 $0x4  }
.LBB2_7:
0x125: {  	s1 =	sadd.s32 $0x1, s31  }
0x126: {  	p0 =	sne.s32 s31, $0x1C;
	v0 =	vmul.f32 v23, v15;
	v46 =	vmul.f32 v46, v15;
	v12 =	vunpack.i.u.bf16.f32 v12;
	s0 =	smov.u32 s31;
	s31 =	sadd.s32 $0x4, s31  }
0x127: {  	v49 =	vmul.f32 v49, v29;
	v22 =	vmul.f32 v22, v15;
	v23 =	vmov s1  }
0x128: {  	v30 =	vmul.f32 v30, v29;
	v53 =	vand.u32 $0x1D, v23;
	v23 =	vmul.f32 v40, v33  }
0x129: {  	v25 =	vmul.f32 v25, v33;
	s1 =	sadd.s32 $0x2, s0;
	v0 =	vadd.f32 v0, v52;
	v40 =	vbroadcast v53, $0x0  }
0x12a: {  	v24 =	vmul.f32 v24, v9;
	v52 =	vmov s1;
	v30 =	vadd.f32 v41, v30  }
0x12b: {  	v38 =	vunpack.i.u.bf16.f32 v38;
	v12 =	vmul.f32 v12, v33;
	v41 =	vor.u32 v3, v40  }
0x12c: {  	v54 =	vmul.f32 v36, v9;
	v38 =	vmul.f32 v38, v33;
	v53 =	vor.u32 v8, v40  }
0x12d: {  	v37 =	vmul.f32 v50, v37;
	v26 =	vadd.f32 v26, v30;
	v36 =	vor.u32 v4, v40  }
0x12e: {  	v29 =	vmul.f32 v42, v29;
	v15 =	vmul.f32 v21, v15;
	v30 =	vor.u32 v6, v40  }
0x12f: {  	v13 =	vadd.f32 v51, v13;
	v21 =	vor.u32 v7, v40;
	v20 =	vadd.f32 v26, v20  }
0x130: {  	v35 =	vadd.f32 v37, v35;
	v29 =	vadd.f32 v44, v29;
	v40 =	vor.u32 v5, v40;
	v26 =	vld.idx.msk [tilespmem:v41+s19+$0x0], $0xffff  }
0x131: {  	v13 =	vadd.f32 v13, v49;
	v37 =	vand.u32 $0x1E, v52;
	v0 =	vadd.f32 v0, v27  }
0x132: {  	s1 =	sadd.s32 $0x3, s0;
	v37 =	vbroadcast v37, $0x0;
	v35 =	vadd.f32 v35, v45;
	v20 =	vadd.f32 v46, v20;
	v27 =	vld.idx.msk [tilespmem:v36+s19+$0x0], $0xffff  }
0x133: {  	v13 =	vadd.f32 v32, v13;
	v29 =	vadd.f32 v39, v29;
	v41 =	vmov s1  }
0x134: {  	v42 =	vor.u32 v8, v37;
	v44 =	vor.u32 v7, v37;
	v14 =	vadd.f32 v20, v14  }
0x135: {  	v45 =	vor.u32 v6, v37;
	v35 =	vadd.f32 v48, v35;
	v20 =	vor.u32 v5, v37  }
0x136: {  	v9 =	vmul.f32 v31, v9;
	v36 =	vunpack.i.u.bf16.f32 v26;
	v32 =	vunpack.i.l.bf16.f32 v26  }
0x137: {  	v31 =	vand.u32 $0x1F, v41;
	v14 =	vadd.f32 v54, v14;
	v26 =	vor.u32 v4, v37  }
0x138: {  	v0 =	vadd.f32 v24, v0;
	v37 =	vor.u32 v3, v37;
	v39 =	vld.idx.msk [tilespmem:v40+s19+$0x0], $0xffff;
	v40 =	vunpack.i.l.bf16.f32 v27  }
0x139: {  	v13 =	vadd.f32 v13, v43;
	v24 =	vbroadcast v31, $0x0;
	v41 =	vadd.f32 v14, v38;
	v30 =	vld.idx.msk [tilespmem:v30+s19+$0x0], $0xffff  }
0x13a: {  	v11 =	vmul.f32 v11, v33;
	v29 =	vadd.f32 v29, v34;
	v31 =	vadd.f32 v35, v47;
	v14 =	vld.idx.msk [tilespmem:v45+s19+$0x0], $0xffff  }
0x13b: {  	v13 =	vadd.f32 v22, v13;
	v34 =	vor.u32 v8, v24;
	v35 =	vor.u32 v5, v24;
	v33 =	vld.idx.msk [tilespmem:v44+s19+$0x0], $0xffff  }
0x13c: {  	v18 =	vadd.f32 v18, v29;
	v22 =	vor.u32 v7, v24;
	v38 =	vor.u32 v4, v24;
	v20 =	vld.idx.msk [tilespmem:v20+s19+$0x0], $0xffff  }
0x13d: {  	v29 =	vmov s0;
	v13 =	vadd.f32 v13, v28;
	v15 =	vadd.f32 v15, v31;
	v43 =	vld.idx.msk [tilespmem:v26+s19+$0x0], $0xffff  }
0x13e: {  	v17 =	vadd.f32 v18, v17;
	v26 =	vand.u32 $0x1C, v29;
	v29 =	vor.u32 v6, v24;
	v28 =	vld.idx.msk [tilespmem:v37+s19+$0x0], $0xffff  }
0x13f: {  	v9 =	vadd.f32 v9, v13;
	v15 =	vadd.f32 v15, v19;
	v18 =	vbroadcast v26, $0x0;
	v26 =	vld.idx.msk [tilespmem:v42+s17+$0x0], $0xffff  }
0x140: {  	v0 =	vadd.f32 v0, v11;
	v10 =	vadd.f32 v10, v17;
	v42 =	vunpack.i.l.bf16.f32 v14;
	v54 =	vld.idx.msk [tilespmem:v34+s17+$0x0], $0xffff  }
0x141: {  	v13 =	vadd.f32 v16, v15;
	v11 =	vor.u32 v8, v18;
	v17 =	vor.u32 v3, v18;
	v19 =	vld.idx.msk [tilespmem:v35+s19+$0x0], $0xffff  }
0x142: {  	v44 =	vadd.f32 v10, v12;
	v16 =	vor.u32 v5, v18;
	v31 =	vor.u32 v7, v18;
	v34 =	vld.idx.msk [tilespmem:v22+s19+$0x0], $0xffff  }
0x143: {  	v37 =	vor.u32 v3, v24;
	v10 =	vor.u32 v4, v18;
	v35 =	vadd.f32 v13, v25;
	v12 =	vld.idx.msk [tilespmem:v29+s19+$0x0], $0xffff  }
0x144: {  	v13 =	vadd.f32 v9, v23;
	v22 =	vunpack.i.l.bf16.f32 v28;
	v29 =	vunpack.i.u.bf16.f32 v20;
	v47 =	vld.idx.msk [tilespmem:v21+s19+$0x0], $0xffff  }
0x145: {  	v18 =	vor.u32 v6, v18;
	v46 =	vunpack.i.u.bf16.f32 v33;
	v23 =	vunpack.i.l.bf16.f32 v33;
	v45 =	vld.idx.msk [tilespmem:v53+s17+$0x0], $0xffff  }
0x146: {  	v48 =	vunpack.i.u.bf16.f32 v14;
	v14 =	vunpack.i.u.bf16.f32 v43;
	v9 =	vunpack.i.l.bf16.f32 v54;
	v33 =	vld.idx.msk [tilespmem:v11+s17+$0x0], $0xffff  }
0x147: {  	v28 =	vunpack.i.u.bf16.f32 v28;
	v21 =	vunpack.i.l.bf16.f32 v20;
	v25 =	vunpack.i.u.bf16.f32 v19;
	v17 =	vld.idx.msk [tilespmem:v17+s19+$0x0], $0xffff  }
0x148: {  	v50 =	vunpack.i.u.bf16.f32 v26;
	v53 =	vunpack.i.l.bf16.f32 v30;
	v24 =	vunpack.i.l.bf16.f32 v34;
	v49 =	vld.idx.msk [tilespmem:v10+s19+$0x0], $0xffff  }
0x149: {  	v52 =	vunpack.i.l.bf16.f32 v39;
	v15 =	vunpack.i.l.bf16.f32 v26;
	v11 =	vunpack.i.u.bf16.f32 v34;
	v51 =	vld.idx.msk [tilespmem:v37+s19+$0x0], $0xffff  }
0x14a: {  	v56 =	vunpack.i.u.bf16.f32 v30;
	v10 =	vunpack.i.l.bf16.f32 v12;
	v55 =	vunpack.i.l.bf16.f32 v47;
	v34 =	vld.idx.msk [tilespmem:v18+s19+$0x0], $0xffff  }
0x14b: {  	v10 =	vmul.f32 v10, v9;
	v57 =	vunpack.i.u.bf16.f32 v45;
	v18 =	vunpack.i.u.bf16.f32 v27  }
0x14c: {  	v19 =	vunpack.i.l.bf16.f32 v19;
	v59 =	vunpack.i.l.bf16.f32 v45;
	v37 =	vunpack.i.l.bf16.f32 v33;
	v58 =	vld.idx.msk [tilespmem:v31+s19+$0x0], $0xffff  }
0x14d: {  	v14 =	vmul.f32 v14, v50;
	v20 =	vmul.f32 v18, v57  }
0x14e: {  	v27 =	vmul.f32 v46, v50;
	v26 =	vmul.f32 v40, v59;
	v30 =	vunpack.i.u.bf16.f32 v49;
	v45 =	vld.idx.msk [tilespmem:v16+s19+$0x0], $0xffff  }
0x14f: {  	v60 =	vunpack.i.l.bf16.f32 v17;
	v40 =	vunpack.i.u.bf16.f32 v51;
	v16 =	vmul.f32 v19, v9  }
0x150: {  	v18 =	vunpack.i.l.bf16.f32 v49;
	v19 =	vmul.f32 v29, v50;
	v61 =	vunpack.i.l.bf16.f32 v34  }
0x151: {  	v49 =	vunpack.i.u.bf16.f32 v17;
	v29 =	vunpack.i.u.bf16.f32 v33;
	v31 =	vunpack.i.l.bf16.f32 v51  }
0x152: {  	v33 =	vmul.f32 v18, v37;
	v18 =	vmul.f32 v42, v15;
	v17 =	vunpack.i.l.bf16.f32 v58  }
0x153: {  	v42 =	vunpack.i.u.bf16.f32 v58;
	v46 =	vmul.f32 v17, v37;
	v17 =	vmul.f32 v48, v50  }
0x154: {  	v28 =	vmul.f32 v28, v50;
	v51 =	vmul.f32 v42, v29;
	v48 =	vunpack.i.u.bf16.f32 v45;
	v38 =	vld.idx.msk [tilespmem:v38+s19+$0x0], $0xffff  }
0x155: {  	v42 =	vunpack.i.u.bf16.f32 v34;
	v50 =	vunpack.i.l.bf16.f32 v45;
	v0 =	vadd.f32 v46, v0  }
0x156: {  	v41 =	vadd.f32 v33, v41;
	v45 =	vmul.f32 v48, v29;
	v46 =	vunpack.i.l.bf16.f32 v43  }
0x157: {  	v33 =	vmul.f32 v61, v37;
	v43 =	vmul.f32 v55, v59;
	v0 =	vadd.f32 v0, v51  }
.Ltmp2:
0x158: {  	v47 =	vunpack.i.u.bf16.f32 v47;
	v34 =	vmul.f32 v56, v57;
	v51 =	vmul.f32 v60, v37;
	(pc) =	sbr.rel @p0 .LBB2_7-.Ltmp2, $4  }
0x159: {  	v44 =	vadd.f32 v33, v44;
	v33 =	vmul.f32 v47, v57;
	v0 =	vadd.f32 v43, v0  }
0x15a: {  	v48 =	vmul.f32 v52, v59;
	v43 =	vmul.f32 v36, v57;
	v36 =	vunpack.i.l.bf16.f32 v38  }
0x15b: {  	v47 =	vunpack.i.u.bf16.f32 v39;
	v39 =	vmul.f32 v53, v59;
	v52 =	vadd.f32 v0, v33  }
0x15c: {  	v32 =	vmul.f32 v32, v59;
	v47 =	vmul.f32 v47, v57;
	v33 =	vunpack.i.u.bf16.f32 v54  }
0x15d: {  	v0 =	vmul.f32 v50, v37;
	_ =	sdelay $0x1  }
0x15e: {  	v3 =	vmul.f32 v49, v29;
	v4 =	vadd.f32 v51, v13;
	v0 =	vadd.f32 v0, v35;
	_ =	sdelay $0x1  }
0x15f: {  	v3 =	vadd.f32 v4, v3;
	v0 =	vadd.f32 v0, v45;
	_ =	sdelay $0x1  }
0x160: {  	v3 =	vadd.f32 v32, v3;
	v0 =	vadd.f32 v48, v0  }
0x161: {  	v56 =	vmul.f32 v22, v15  }
0x162: {  	v5 =	vmul.f32 v21, v15;
	v3 =	vadd.f32 v3, v43;
	v0 =	vadd.f32 v0, v47;
	_ =	sdelay $0x1  }
0x163: {  	v3 =	vadd.f32 v56, v3;
	v0 =	vadd.f32 v5, v0;
	_ =	sdelay $0x1  }
0x164: {  	v57 =	vmul.f32 v31, v9;
	v3 =	vadd.f32 v3, v28;
	v0 =	vadd.f32 v0, v19  }
0x165: {  	v58 =	vmul.f32 v40, v33  }
0x166: {  	v6 =	vmul.f32 v25, v33;
	v3 =	vadd.f32 v57, v3;
	v0 =	vadd.f32 v16, v0;
	_ =	sdelay $0x1  }
0x167: {  	v3 =	vadd.f32 v3, v58;
	v0 =	vadd.f32 v0, v6;
	_ =	sdelay $0x1  }
0x168: {  	v0 =	vsub.f32 v0, v3;
	_ =	sdelay $0x1  }
0x169: {  	v59 =	vand.u32 $0x7FFFFFFF, v0  }
0x16a: {  	v60 =	vmul.f32 v23, v15;
	v4 =	vsub.f32 $0.0e+00, v59;
	_ =	sdelay $0x1  }
0x16b: {  	v5 =	vadd.f32 v60, v52;
	v4 =	vmul.f32 $1.442695020e+00, v4;
	_ =	sdelay $0x1  }
0x16c: {  	v61 =	vmul.f32 v24, v9;
	v5 =	vadd.f32 v5, v27;
	(erf) = vpow2.f32 v4;
	_ =	sdelay $0x1  }
0x16d: {  	v13 =	vmul.f32 v11, v33;
	v63 =	vadd.f32 v61, v5  }
0x16e: {  	v16 =	vmul.f32 v42, v29  }
0x16f: {  	v4 =	vadd.f32 v63, v13  }
0x170: {  	v19 =	vadd.f32 v44, v16  }
0x171: {  	v4 =	vsub.f32 v4, v3  }
0x172: {  	v5 =	vadd.f32 v39, v19  }
0x173: {  	v21 =	vand.u32 $0x7FFFFFFF, v4  }
0x174: {  	v5 =	vadd.f32 v5, v34;
	v6 =	vsub.f32 $0.0e+00, v21;
	v7 =	vpop (erf)  }
0x175: {  	v8 =	vadd.f32 $2.000000000e+00, v7  }
0x176: {  	v5 =	vadd.f32 v18, v5;
	v6 =	vmul.f32 $1.442695020e+00, v6  }
0x177: {  	(erf) = vrcp.f32 v8  }
0x178: {  	v5 =	vadd.f32 v5, v17;
	(erf) = vpow2.f32 v6  }
0x179: {  	v22 =	vunpack.i.u.bf16.f32 v12  }
0x17a: {  	v5 =	vadd.f32 v10, v5;
	v6 =	vmul.f32 v22, v33  }
0x17b: {  	v23 =	vmul.f32 v30, v29  }
0x17c: {  	v5 =	vadd.f32 v5, v6  }
0x17d: {  	v24 =	vadd.f32 v41, v23  }
0x17e: {  	v5 =	vsub.f32 v5, v3  }
0x17f: {  	v6 =	vadd.f32 v26, v24  }
0x180: {  	v26 =	vand.u32 $0x7FFFFFFF, v5;
	v25 =	vpop (erf)  }
0x181: {  	v27 =	vmul.f32 v46, v15;
	v6 =	vadd.f32 v6, v20;
	v10 =	vsub.f32 $0.0e+00, v26;
	v28 =	vpop (erf)  }
0x182: {  	v29 =	vadd.f32 $2.000000000e+00, v28  }
0x183: {  	v6 =	vadd.f32 v27, v6;
	v10 =	vmul.f32 $1.442695020e+00, v10  }
0x184: {  	(erf) = vrcp.f32 v29  }
0x185: {  	v30 =	vmul.f32 v36, v9;
	v6 =	vadd.f32 v6, v14;
	(erf) = vpow2.f32 v10  }
0x186: {  	v31 =	vunpack.i.u.bf16.f32 v38  }
0x187: {  	v6 =	vadd.f32 v30, v6;
	v10 =	vmul.f32 v31, v33;
	_ =	sdelay $0x1  }
0x188: {  	v6 =	vadd.f32 v6, v10;
	_ =	sdelay $0x1  }
0x189: {  	v3 =	vsub.f32 v6, v3;
	_ =	sdelay $0x1  }
0x18a: {  	v33 =	vand.u32 $0x7FFFFFFF, v3;
	v32 =	vpop (erf)  }
0x18b: {  	v9 =	vsub.f32 $0.0e+00, v33;
	v34 =	vpop (erf)  }
0x18c: {  	v35 =	vadd.f32 $2.000000000e+00, v34  }
0x18d: {  	v9 =	vmul.f32 $1.442695020e+00, v9  }
0x18e: {  	(erf) = vrcp.f32 v35  }
0x18f: {  	(erf) = vpow2.f32 v9;
	_ =	sdelay $0x7  }
0x190: {  	v36 =	vpop (erf)  }
0x191: {  	v37 =	vpop (erf)  }
0x192: {  	v38 =	vadd.f32 $2.000000000e+00, v37;
	_ =	sdelay $0x1  }
0x193: {  	(erf) = vrcp.f32 v38;
	_ =	sdelay $0x2  }
0x194: {  	v7 =	vmul.f32 v25, v7;
	_ =	sdelay $0x1  }
0x195: {  	v8 =	vmul.f32 v7, v7;
	v6 =	vmul.f32 v32, v28;
	_ =	sdelay $0x1  }
0x196: {  	v39 =	vmul.f32 $1.111111120e-01, v8;
	v40 =	vmul.f32 v6, v6  }
0x197: {  	v9 =	vmul.f32 v36, v34  }
0x198: {  	v41 =	vadd.f32 $1.428571490e-01, v39;
	v42 =	vmul.f32 $1.111111120e-01, v40;
	v43 =	vpop (erf)  }
0x199: {  	v44 =	vmul.f32 v9, v9;
	v11 =	vmul.f32 v43, v37  }
0x19a: {  	v10 =	vmul.f32 v41, v8;
	v12 =	vadd.f32 $1.428571490e-01, v42  }
0x19b: {  	v45 =	vmul.f32 $1.111111120e-01, v44;
	v46 =	vmul.f32 v11, v11  }
0x19c: {  	v10 =	vadd.f32 $2.000000030e-01, v10;
	v12 =	vmul.f32 v12, v40  }
0x19d: {  	v14 =	vadd.f32 $1.428571490e-01, v45;
	v47 =	vmul.f32 $1.111111120e-01, v46  }
0x19e: {  	v10 =	vmul.f32 v10, v8;
	v12 =	vadd.f32 $2.000000030e-01, v12  }
0x19f: {  	v14 =	vmul.f32 v14, v44;
	v17 =	vadd.f32 $1.428571490e-01, v47  }
0x1a0: {  	v10 =	vadd.f32 $3.333333430e-01, v10;
	v12 =	vmul.f32 v12, v40  }
0x1a1: {  	v14 =	vadd.f32 $2.000000030e-01, v14;
	v17 =	vmul.f32 v17, v46  }
0x1a2: {  	v8 =	vmul.f32 v10, v8;
	v48 =	vadd.f32 $3.333333430e-01, v12  }
0x1a3: {  	v49 =	vmul.f32 v14, v44;
	v50 =	vadd.f32 $2.000000030e-01, v17  }
0x1a4: {  	v7 =	vadd.f32 v7, v7;
	v8 =	vadd.f32 $1.000000000e+00, v8;
	v10 =	vmul.f32 v48, v40  }
0x1a5: {  	v12 =	vadd.f32 $3.333333430e-01, v49;
	v51 =	vmul.f32 v50, v46  }
0x1a6: {  	v6 =	vadd.f32 v6, v6;
	v7 =	vmul.f32 v8, v7;
	v52 =	vadd.f32 $1.000000000e+00, v10  }
0x1a7: {  	v0 =	vmax.f32 v0, $0.0e+00;
	v53 =	vmul.f32 v12, v44;
	v54 =	vadd.f32 $3.333333430e-01, v51  }
0x1a8: {  	v4 =	vmax.f32 v4, $0.0e+00;
	v0 =	vadd.f32 v7, v0;
	v6 =	vmul.f32 v52, v6  }
0x1a9: {  	v56 =	vadd.f32 v9, v9;
	v55 =	vadd.f32 $1.000000000e+00, v53;
	v57 =	vmul.f32 v54, v46  }
0x1aa: {  	v0 =	vadd.f32 $0.0e+00, v0;
	v4 =	vadd.f32 v6, v4  }
0x1ab: {  	v60 =	vadd.f32 v11, v11;
	v58 =	vmul.f32 v55, v56;
	v59 =	vadd.f32 $1.000000000e+00, v57  }
0x1ac: {  	v5 =	vmax.f32 v5, $0.0e+00  }
0x1ad: {  	v0 =	vadd.f32 v4, v0;
	v61 =	vadd.f32 v58, v5;
	v63 =	vmul.f32 v59, v60  }
0x1ae: {  	v3 =	vmax.f32 v3, $0.0e+00  }
0x1af: {  	s30 =	sadd.s32 $0x1, s30;
	v0 =	vadd.f32 v61, v0;
	v3 =	vadd.f32 v63, v3  }
0x1b0: {  	p0 =	sne.s32 s30, $0x8  }
.Ltmp3:
0x1b1: {  	v0 =	vadd.f32 v3, v0;
	(pc) =	sbr.rel @p0 .LBB2_6-.Ltmp3, $3  }
0x1b2: {  	_ = 	snop  }
0x1b3: {  	v0 =	vmul.f32 v0, v2;
	_ =	sdelay $0x1  }
0x1b4: {  	v1 =	vadd.f32 v0, v1  }
0x1b5: {  	[tilespmem:s17], [sflag:$0x2] =	stream.indirect.gather [hbm4b:s3+s13], $0x20, s24, s13, $0xb8;
	[tilespmem:$0xCE10] =	vst v63  }
0x1b6: {  	_ = 	snop  }
0x1b7: {  	[tilespmem:s19], [sflag:$0x2] =	stream.indirect.gather [hbm4b:s4+s15], $0x20, s25, s15, $0xb8;
	[tilespmem:$0xCE10] =	vst v63  }
0x1b8: {  	_ =	swait.ge [sflag:s20], $0x1000  }
0x1b9: {  	[sflag:s20] =	ssyncset.done $0x0  }
0x1ba: {  	[sflag:s20] =	ssyncadd.s32 $0xFFFFF000  }
0x1bb: {  	_ =	swait.ge [sflag:s20], $0x5000  }
0x1bc: {  	[sflag:s20] =	ssyncset.done $0x0  }
0x1bd: {  	s29 =	simm.s32 $0x0;
	s30 =	simm.s32 $0x0;
	[sflag:s20] =	ssyncadd.s32 $0xFFFFB000  }
.LBB2_10:
0x1be: {  	s0 =	simm.s32 $0x1  }
0x1bf: {  	s31 =	sshll.u32 s30, $0x4;
	v0 =	vmov s0  }
0x1c0: {  	v2 =	vor.u32 s31, v62;
	v0 =	vand.u32 $0x1D, v0  }
0x1c1: {  	v3 =	vmul.u32 $0xA0, v2;
	v0 =	vbroadcast v0, $0x0  }
0x1c2: {  	s1 =	simm.s32 $0x2  }
0x1c3: {  	v6 =	vmov s1;
	v4 =	vadd.s32 $0x80, v3;
	v8 =	vor.u32 v3, v0  }
0x1c4: {  	v7 =	vand.u32 $0x1E, v6;
	v5 =	vadd.s32 $0x20, v3;
	v9 =	vor.u32 v4, v0  }
0x1c5: {  	v11 =	vbroadcast v7, $0x0;
	v6 =	vadd.s32 $0x60, v3;
	v10 =	vor.u32 v5, v0  }
0x1c6: {  	v12 =	vor.u32 v6, v0  }
0x1c7: {  	v7 =	vadd.s32 $0x40, v3;
	v13 =	vor.u32 v6, v11  }
0x1c8: {  	v15 =	vor.u32 v7, v11;
	v14 =	vld.idx.msk [tilespmem:v8+s16+$0x0], $0xffff  }
0x1c9: {  	v17 =	vor.u32 v4, v11;
	v16 =	vld.idx.msk [tilespmem:v9+s16+$0x0], $0xffff  }
0x1ca: {  	s1 =	simm.s32 $0x3;
	v22 =	vor.u32 v7, v0;
	v32 =	vld.idx.msk [tilespmem:v10+s16+$0x0], $0xffff  }
0x1cb: {  	v8 =	vmov s1;
	v9 =	vor.u32 v5, v11;
	v10 =	vld.idx.msk [tilespmem:v12+s16+$0x0], $0xffff  }
0x1cc: {  	v19 =	vld.idx.msk [tilespmem:v13+s16+$0x0], $0xffff;
	v18 =	vand.u32 $0x1F, v8;
	v8 =	vshll.u32 v2, $0x5;
	v2 =	vor.u32 v3, v11  }
0x1cd: {  	v15 =	vld.idx.msk [tilespmem:v15+s16+$0x0], $0xffff;
	v13 =	vmov s29;
	v18 =	vbroadcast v18, $0x0;
	v11 =	vor.u32 v8, v11  }
0x1ce: {  	v33 =	vld.idx.msk [tilespmem:v17+s16+$0x0], $0xffff;
	v13 =	vand.u32 $0x1C, v13;
	v0 =	vor.u32 v8, v0  }
0x1cf: {  	v36 =	vld.idx.msk [tilespmem:v22+s16+$0x0], $0xffff;
	v23 =	vbroadcast v13, $0x0;
	v12 =	vor.u32 v8, v18  }
0x1d0: {  	v13 =	vimm.f32 $0.0e+00;
	v20 =	vor.u32 v5, v18;
	v21 =	vld.idx.msk [tilespmem:v9+s16+$0x0], $0xffff  }
0x1d1: {  	v17 =	vor.u32 v6, v18;
	v34 =	vor.u32 v4, v18;
	v24 =	vor.u32 v3, v23;
	v2 =	vld.idx.msk [tilespmem:v2+s16+$0x0], $0xffff  }
0x1d2: {  	v29 =	vor.u32 v5, v23;
	v30 =	vor.u32 v7, v23;
	v31 =	vor.u32 v4, v23;
	v11 =	vld.idx.msk [tilespmem:v11+s14+$0x0], $0xffff  }
0x1d3: {  	v37 =	vor.u32 v6, v23;
	v9 =	vor.u32 v7, v18;
	v35 =	vunpack.i.u.bf16.f32 v14;
	v0 =	vld.idx.msk [tilespmem:v0+s14+$0x0], $0xffff  }
0x1d4: {  	v47 =	vunpack.i.l.bf16.f32 v14;
	v26 =	vunpack.i.l.bf16.f32 v16;
	v14 =	vor.u32 v8, v23;
	v53 =	vld.idx.msk [tilespmem:v12+s14+$0x0], $0xffff  }
0x1d5: {  	v28 =	vunpack.i.l.bf16.f32 v19;
	v38 =	vunpack.i.u.bf16.f32 v15;
	v23 =	vunpack.i.l.bf16.f32 v15;
	v20 =	vld.idx.msk [tilespmem:v20+s16+$0x0], $0xffff  }
0x1d6: {  	v41 =	vunpack.i.u.bf16.f32 v19;
	v54 =	vunpack.i.l.bf16.f32 v10;
	v48 =	vunpack.i.l.bf16.f32 v32;
	v12 =	vld.idx.msk [tilespmem:v17+s16+$0x0], $0xffff  }
0x1d7: {  	v51 =	vunpack.i.l.bf16.f32 v36;
	v52 =	vunpack.i.u.bf16.f32 v10;
	v16 =	vunpack.i.u.bf16.f32 v16;
	v42 =	vld.idx.msk [tilespmem:v24+s16+$0x0], $0xffff  }
0x1d8: {  	v36 =	vunpack.i.u.bf16.f32 v36;
	v17 =	vor.u32 v3, v18;
	v19 =	vld.idx.msk [tilespmem:v31+s16+$0x0], $0xffff;
	v18 =	vunpack.i.u.bf16.f32 v21  }
0x1d9: {  	v39 =	vld.idx.msk [tilespmem:v14+s14+$0x0], $0xffff;
	v14 =	vunpack.i.u.bf16.f32 v33;
	v21 =	vunpack.i.l.bf16.f32 v21;
	v22 =	vunpack.i.l.bf16.f32 v2  }
0x1da: {  	v44 =	vld.idx.msk [tilespmem:v37+s16+$0x0], $0xffff;
	v2 =	vunpack.i.u.bf16.f32 v2;
	v43 =	vunpack.i.u.bf16.f32 v11;
	v15 =	vunpack.i.l.bf16.f32 v11  }
0x1db: {  	v45 =	vld.idx.msk [tilespmem:v30+s16+$0x0], $0xffff;
	v55 =	vunpack.i.u.bf16.f32 v0;
	v0 =	vunpack.i.l.bf16.f32 v0;
	v14 =	vmul.f32 v14, v43  }
0x1dc: {  	v27 =	vld.idx.msk [tilespmem:v9+s16+$0x0], $0xffff;
	v26 =	vmul.f32 v26, v0;
	v48 =	vmul.f32 v48, v0;
	v9 =	vunpack.i.l.bf16.f32 v53  }
0x1dd: {  	v25 =	vunpack.i.u.bf16.f32 v20;
	v10 =	vunpack.i.l.bf16.f32 v12;
	v31 =	vunpack.i.l.bf16.f32 v20  }
0x1de: {  	v20 =	vmul.f32 v16, v55;
	v30 =	vunpack.i.u.bf16.f32 v19;
	v56 =	vunpack.i.l.bf16.f32 v42  }
0x1df: {  	v17 =	vld.idx.msk [tilespmem:v17+s16+$0x0], $0xffff;
	v57 =	vunpack.i.l.bf16.f32 v44;
	v60 =	vunpack.i.l.bf16.f32 v19;
	v19 =	vmul.f32 v18, v43  }
0x1e0: {  	v46 =	vld.idx.msk [tilespmem:v29+s16+$0x0], $0xffff;
	v49 =	vunpack.i.u.bf16.f32 v42;
	v18 =	vmul.f32 v28, v15;
	v28 =	vunpack.i.u.bf16.f32 v45  }
0x1e1: {  	v24 =	vunpack.i.l.bf16.f32 v27;
	v11 =	vunpack.i.u.bf16.f32 v27;
	v10 =	vmul.f32 v10, v9  }
0x1e2: {  	v37 =	vunpack.i.l.bf16.f32 v39;
	v27 =	vmul.f32 v38, v43;
	v16 =	vmul.f32 v31, v9  }
0x1e3: {  	v29 =	vunpack.i.u.bf16.f32 v39;
	v38 =	vld.idx.msk [tilespmem:v34+s16+$0x0], $0xffff;
	v34 =	vmul.f32 v52, v55;
	v39 =	vmul.f32 v54, v0  }
0x1e4: {  	v40 =	vunpack.i.u.bf16.f32 v17;
	v31 =	vunpack.i.l.bf16.f32 v17;
	v17 =	vunpack.i.l.bf16.f32 v45  }
0x1e5: {  	v50 =	vunpack.i.l.bf16.f32 v46;
	v61 =	vmul.f32 v60, v37;
	v63 =	vmul.f32 v17, v37  }
0x1e6: {  	v42 =	vunpack.i.u.bf16.f32 v44;
	v58 =	vmul.f32 v28, v29;
	v59 =	vmul.f32 v57, v37  }
0x1e7: {  	v28 =	vmul.f32 v2, v43;
	v60 =	vmul.f32 v51, v0;
	v2 =	vadd.f32 v63, v13  }
0x1e8: {  	v51 =	vmul.f32 v56, v37;
	v44 =	vadd.f32 v59, v13;
	v45 =	vunpack.i.u.bf16.f32 v46  }
0x1e9: {  	v46 =	vunpack.i.l.bf16.f32 v33;
	v33 =	vunpack.i.u.bf16.f32 v53;
	v2 =	vadd.f32 v2, v58  }
0x1ea: {  	v17 =	vmul.f32 v41, v43;
	v45 =	vmul.f32 v45, v29;
	v41 =	vadd.f32 v61, v13  }
0x1eb: {  	v61 =	vmul.f32 v36, v55;
	v43 =	vmul.f32 v35, v55;
	v2 =	vadd.f32 v60, v2  }
0x1ec: {  	v36 =	vunpack.i.l.bf16.f32 v38;
	v35 =	vimm.f32 $0.0e+00;
	v63 =	vunpack.i.u.bf16.f32 v32  }
0x1ed: {  	v32 =	vmul.f32 v47, v0;
	v47 =	vmul.f32 v63, v55;
	v52 =	vadd.f32 v2, v61;
	v2 =	vld [tilespmem:s31+$0xD00];
	s31 =	simm.s32 $0x4  }
.LBB2_11:
0x1ee: {  	s1 =	sadd.s32 $0x1, s31  }
0x1ef: {  	p0 =	sne.s32 s31, $0x1C;
	v0 =	vmul.f32 v23, v15;
	v46 =	vmul.f32 v46, v15;
	v12 =	vunpack.i.u.bf16.f32 v12;
	s0 =	smov.u32 s31;
	s31 =	sadd.s32 $0x4, s31  }
0x1f0: {  	v49 =	vmul.f32 v49, v29;
	v22 =	vmul.f32 v22, v15;
	v23 =	vmov s1  }
0x1f1: {  	v30 =	vmul.f32 v30, v29;
	v53 =	vand.u32 $0x1D, v23;
	v23 =	vmul.f32 v40, v33  }
0x1f2: {  	v25 =	vmul.f32 v25, v33;
	s1 =	sadd.s32 $0x2, s0;
	v0 =	vadd.f32 v0, v52;
	v40 =	vbroadcast v53, $0x0  }
0x1f3: {  	v24 =	vmul.f32 v24, v9;
	v52 =	vmov s1;
	v30 =	vadd.f32 v41, v30  }
0x1f4: {  	v38 =	vunpack.i.u.bf16.f32 v38;
	v12 =	vmul.f32 v12, v33;
	v41 =	vor.u32 v3, v40  }
0x1f5: {  	v54 =	vmul.f32 v36, v9;
	v38 =	vmul.f32 v38, v33;
	v53 =	vor.u32 v8, v40  }
0x1f6: {  	v37 =	vmul.f32 v50, v37;
	v26 =	vadd.f32 v26, v30;
	v36 =	vor.u32 v4, v40  }
0x1f7: {  	v29 =	vmul.f32 v42, v29;
	v15 =	vmul.f32 v21, v15;
	v30 =	vor.u32 v6, v40  }
0x1f8: {  	v13 =	vadd.f32 v51, v13;
	v21 =	vor.u32 v7, v40;
	v20 =	vadd.f32 v26, v20  }
0x1f9: {  	v35 =	vadd.f32 v37, v35;
	v29 =	vadd.f32 v44, v29;
	v40 =	vor.u32 v5, v40;
	v26 =	vld.idx.msk [tilespmem:v41+s16+$0x0], $0xffff  }
0x1fa: {  	v13 =	vadd.f32 v13, v49;
	v37 =	vand.u32 $0x1E, v52;
	v0 =	vadd.f32 v0, v27  }
0x1fb: {  	s1 =	sadd.s32 $0x3, s0;
	v37 =	vbroadcast v37, $0x0;
	v35 =	vadd.f32 v35, v45;
	v20 =	vadd.f32 v46, v20;
	v27 =	vld.idx.msk [tilespmem:v36+s16+$0x0], $0xffff  }
0x1fc: {  	v13 =	vadd.f32 v32, v13;
	v29 =	vadd.f32 v39, v29;
	v41 =	vmov s1  }
0x1fd: {  	v42 =	vor.u32 v8, v37;
	v44 =	vor.u32 v7, v37;
	v14 =	vadd.f32 v20, v14  }
0x1fe: {  	v45 =	vor.u32 v6, v37;
	v35 =	vadd.f32 v48, v35;
	v20 =	vor.u32 v5, v37  }
0x1ff: {  	v9 =	vmul.f32 v31, v9;
	v36 =	vunpack.i.u.bf16.f32 v26;
	v32 =	vunpack.i.l.bf16.f32 v26  }
0x200: {  	v31 =	vand.u32 $0x1F, v41;
	v14 =	vadd.f32 v54, v14;
	v26 =	vor.u32 v4, v37  }
0x201: {  	v0 =	vadd.f32 v24, v0;
	v37 =	vor.u32 v3, v37;
	v39 =	vld.idx.msk [tilespmem:v40+s16+$0x0], $0xffff;
	v40 =	vunpack.i.l.bf16.f32 v27  }
0x202: {  	v13 =	vadd.f32 v13, v43;
	v24 =	vbroadcast v31, $0x0;
	v41 =	vadd.f32 v14, v38;
	v30 =	vld.idx.msk [tilespmem:v30+s16+$0x0], $0xffff  }
0x203: {  	v11 =	vmul.f32 v11, v33;
	v29 =	vadd.f32 v29, v34;
	v31 =	vadd.f32 v35, v47;
	v14 =	vld.idx.msk [tilespmem:v45+s16+$0x0], $0xffff  }
0x204: {  	v13 =	vadd.f32 v22, v13;
	v34 =	vor.u32 v8, v24;
	v35 =	vor.u32 v5, v24;
	v33 =	vld.idx.msk [tilespmem:v44+s16+$0x0], $0xffff  }
0x205: {  	v18 =	vadd.f32 v18, v29;
	v22 =	vor.u32 v7, v24;
	v38 =	vor.u32 v4, v24;
	v20 =	vld.idx.msk [tilespmem:v20+s16+$0x0], $0xffff  }
0x206: {  	v29 =	vmov s0;
	v13 =	vadd.f32 v13, v28;
	v15 =	vadd.f32 v15, v31;
	v43 =	vld.idx.msk [tilespmem:v26+s16+$0x0], $0xffff  }
0x207: {  	v17 =	vadd.f32 v18, v17;
	v26 =	vand.u32 $0x1C, v29;
	v29 =	vor.u32 v6, v24;
	v28 =	vld.idx.msk [tilespmem:v37+s16+$0x0], $0xffff  }
0x208: {  	v9 =	vadd.f32 v9, v13;
	v15 =	vadd.f32 v15, v19;
	v18 =	vbroadcast v26, $0x0;
	v26 =	vld.idx.msk [tilespmem:v42+s14+$0x0], $0xffff  }
0x209: {  	v0 =	vadd.f32 v0, v11;
	v10 =	vadd.f32 v10, v17;
	v42 =	vunpack.i.l.bf16.f32 v14;
	v54 =	vld.idx.msk [tilespmem:v34+s14+$0x0], $0xffff  }
0x20a: {  	v13 =	vadd.f32 v16, v15;
	v11 =	vor.u32 v8, v18;
	v17 =	vor.u32 v3, v18;
	v19 =	vld.idx.msk [tilespmem:v35+s16+$0x0], $0xffff  }
0x20b: {  	v44 =	vadd.f32 v10, v12;
	v16 =	vor.u32 v5, v18;
	v31 =	vor.u32 v7, v18;
	v34 =	vld.idx.msk [tilespmem:v22+s16+$0x0], $0xffff  }
0x20c: {  	v37 =	vor.u32 v3, v24;
	v10 =	vor.u32 v4, v18;
	v35 =	vadd.f32 v13, v25;
	v12 =	vld.idx.msk [tilespmem:v29+s16+$0x0], $0xffff  }
0x20d: {  	v13 =	vadd.f32 v9, v23;
	v22 =	vunpack.i.l.bf16.f32 v28;
	v29 =	vunpack.i.u.bf16.f32 v20;
	v47 =	vld.idx.msk [tilespmem:v21+s16+$0x0], $0xffff  }
0x20e: {  	v18 =	vor.u32 v6, v18;
	v46 =	vunpack.i.u.bf16.f32 v33;
	v23 =	vunpack.i.l.bf16.f32 v33;
	v45 =	vld.idx.msk [tilespmem:v53+s14+$0x0], $0xffff  }
0x20f: {  	v48 =	vunpack.i.u.bf16.f32 v14;
	v14 =	vunpack.i.u.bf16.f32 v43;
	v9 =	vunpack.i.l.bf16.f32 v54;
	v33 =	vld.idx.msk [tilespmem:v11+s14+$0x0], $0xffff  }
0x210: {  	v28 =	vunpack.i.u.bf16.f32 v28;
	v21 =	vunpack.i.l.bf16.f32 v20;
	v25 =	vunpack.i.u.bf16.f32 v19;
	v17 =	vld.idx.msk [tilespmem:v17+s16+$0x0], $0xffff  }
0x211: {  	v50 =	vunpack.i.u.bf16.f32 v26;
	v53 =	vunpack.i.l.bf16.f32 v30;
	v24 =	vunpack.i.l.bf16.f32 v34;
	v49 =	vld.idx.msk [tilespmem:v10+s16+$0x0], $0xffff  }
0x212: {  	v52 =	vunpack.i.l.bf16.f32 v39;
	v15 =	vunpack.i.l.bf16.f32 v26;
	v11 =	vunpack.i.u.bf16.f32 v34;
	v51 =	vld.idx.msk [tilespmem:v37+s16+$0x0], $0xffff  }
0x213: {  	v56 =	vunpack.i.u.bf16.f32 v30;
	v10 =	vunpack.i.l.bf16.f32 v12;
	v55 =	vunpack.i.l.bf16.f32 v47;
	v34 =	vld.idx.msk [tilespmem:v18+s16+$0x0], $0xffff  }
0x214: {  	v10 =	vmul.f32 v10, v9;
	v57 =	vunpack.i.u.bf16.f32 v45;
	v18 =	vunpack.i.u.bf16.f32 v27  }
0x215: {  	v19 =	vunpack.i.l.bf16.f32 v19;
	v59 =	vunpack.i.l.bf16.f32 v45;
	v37 =	vunpack.i.l.bf16.f32 v33;
	v58 =	vld.idx.msk [tilespmem:v31+s16+$0x0], $0xffff  }
0x216: {  	v14 =	vmul.f32 v14, v50;
	v20 =	vmul.f32 v18, v57  }
0x217: {  	v27 =	vmul.f32 v46, v50;
	v26 =	vmul.f32 v40, v59;
	v30 =	vunpack.i.u.bf16.f32 v49;
	v45 =	vld.idx.msk [tilespmem:v16+s16+$0x0], $0xffff  }
0x218: {  	v60 =	vunpack.i.l.bf16.f32 v17;
	v40 =	vunpack.i.u.bf16.f32 v51;
	v16 =	vmul.f32 v19, v9  }
0x219: {  	v18 =	vunpack.i.l.bf16.f32 v49;
	v19 =	vmul.f32 v29, v50;
	v61 =	vunpack.i.l.bf16.f32 v34  }
0x21a: {  	v49 =	vunpack.i.u.bf16.f32 v17;
	v29 =	vunpack.i.u.bf16.f32 v33;
	v31 =	vunpack.i.l.bf16.f32 v51  }
0x21b: {  	v33 =	vmul.f32 v18, v37;
	v18 =	vmul.f32 v42, v15;
	v17 =	vunpack.i.l.bf16.f32 v58  }
0x21c: {  	v42 =	vunpack.i.u.bf16.f32 v58;
	v46 =	vmul.f32 v17, v37;
	v17 =	vmul.f32 v48, v50  }
0x21d: {  	v28 =	vmul.f32 v28, v50;
	v51 =	vmul.f32 v42, v29;
	v48 =	vunpack.i.u.bf16.f32 v45;
	v38 =	vld.idx.msk [tilespmem:v38+s16+$0x0], $0xffff  }
0x21e: {  	v42 =	vunpack.i.u.bf16.f32 v34;
	v50 =	vunpack.i.l.bf16.f32 v45;
	v0 =	vadd.f32 v46, v0  }
0x21f: {  	v41 =	vadd.f32 v33, v41;
	v45 =	vmul.f32 v48, v29;
	v46 =	vunpack.i.l.bf16.f32 v43  }
0x220: {  	v33 =	vmul.f32 v61, v37;
	v43 =	vmul.f32 v55, v59;
	v0 =	vadd.f32 v0, v51  }
.Ltmp4:
0x221: {  	v47 =	vunpack.i.u.bf16.f32 v47;
	v34 =	vmul.f32 v56, v57;
	v51 =	vmul.f32 v60, v37;
	(pc) =	sbr.rel @p0 .LBB2_11-.Ltmp4, $4  }
0x222: {  	v44 =	vadd.f32 v33, v44;
	v33 =	vmul.f32 v47, v57;
	v0 =	vadd.f32 v43, v0  }
0x223: {  	v48 =	vmul.f32 v52, v59;
	v43 =	vmul.f32 v36, v57;
	v36 =	vunpack.i.l.bf16.f32 v38  }
0x224: {  	v47 =	vunpack.i.u.bf16.f32 v39;
	v39 =	vmul.f32 v53, v59;
	v52 =	vadd.f32 v0, v33  }
0x225: {  	v32 =	vmul.f32 v32, v59;
	v47 =	vmul.f32 v47, v57;
	v33 =	vunpack.i.u.bf16.f32 v54  }
0x226: {  	v0 =	vmul.f32 v50, v37;
	_ =	sdelay $0x1  }
0x227: {  	v3 =	vmul.f32 v49, v29;
	v4 =	vadd.f32 v51, v13;
	v0 =	vadd.f32 v0, v35;
	_ =	sdelay $0x1  }
0x228: {  	v3 =	vadd.f32 v4, v3;
	v0 =	vadd.f32 v0, v45;
	_ =	sdelay $0x1  }
0x229: {  	v3 =	vadd.f32 v32, v3;
	v0 =	vadd.f32 v48, v0  }
0x22a: {  	v56 =	vmul.f32 v22, v15  }
0x22b: {  	v5 =	vmul.f32 v21, v15;
	v3 =	vadd.f32 v3, v43;
	v0 =	vadd.f32 v0, v47;
	_ =	sdelay $0x1  }
0x22c: {  	v3 =	vadd.f32 v56, v3;
	v0 =	vadd.f32 v5, v0;
	_ =	sdelay $0x1  }
0x22d: {  	v57 =	vmul.f32 v31, v9;
	v3 =	vadd.f32 v3, v28;
	v0 =	vadd.f32 v0, v19  }
0x22e: {  	v58 =	vmul.f32 v40, v33  }
0x22f: {  	v6 =	vmul.f32 v25, v33;
	v3 =	vadd.f32 v57, v3;
	v0 =	vadd.f32 v16, v0;
	_ =	sdelay $0x1  }
0x230: {  	v3 =	vadd.f32 v3, v58;
	v0 =	vadd.f32 v0, v6;
	_ =	sdelay $0x1  }
0x231: {  	v0 =	vsub.f32 v0, v3;
	_ =	sdelay $0x1  }
0x232: {  	v59 =	vand.u32 $0x7FFFFFFF, v0  }
0x233: {  	v60 =	vmul.f32 v23, v15;
	v4 =	vsub.f32 $0.0e+00, v59;
	_ =	sdelay $0x1  }
0x234: {  	v5 =	vadd.f32 v60, v52;
	v4 =	vmul.f32 $1.442695020e+00, v4;
	_ =	sdelay $0x1  }
0x235: {  	v61 =	vmul.f32 v24, v9;
	v5 =	vadd.f32 v5, v27;
	(erf) = vpow2.f32 v4;
	_ =	sdelay $0x1  }
0x236: {  	v13 =	vmul.f32 v11, v33;
	v63 =	vadd.f32 v61, v5  }
0x237: {  	v16 =	vmul.f32 v42, v29  }
0x238: {  	v4 =	vadd.f32 v63, v13  }
0x239: {  	v19 =	vadd.f32 v44, v16  }
0x23a: {  	v4 =	vsub.f32 v4, v3  }
0x23b: {  	v5 =	vadd.f32 v39, v19  }
0x23c: {  	v21 =	vand.u32 $0x7FFFFFFF, v4  }
0x23d: {  	v5 =	vadd.f32 v5, v34;
	v6 =	vsub.f32 $0.0e+00, v21;
	v7 =	vpop (erf)  }
0x23e: {  	v8 =	vadd.f32 $2.000000000e+00, v7  }
0x23f: {  	v5 =	vadd.f32 v18, v5;
	v6 =	vmul.f32 $1.442695020e+00, v6  }
0x240: {  	(erf) = vrcp.f32 v8  }
0x241: {  	v5 =	vadd.f32 v5, v17;
	(erf) = vpow2.f32 v6  }
0x242: {  	v22 =	vunpack.i.u.bf16.f32 v12  }
0x243: {  	v5 =	vadd.f32 v10, v5;
	v6 =	vmul.f32 v22, v33  }
0x244: {  	v23 =	vmul.f32 v30, v29  }
0x245: {  	v5 =	vadd.f32 v5, v6  }
0x246: {  	v24 =	vadd.f32 v41, v23  }
0x247: {  	v5 =	vsub.f32 v5, v3  }
0x248: {  	v6 =	vadd.f32 v26, v24  }
0x249: {  	v26 =	vand.u32 $0x7FFFFFFF, v5;
	v25 =	vpop (erf)  }
0x24a: {  	v27 =	vmul.f32 v46, v15;
	v6 =	vadd.f32 v6, v20;
	v10 =	vsub.f32 $0.0e+00, v26;
	v28 =	vpop (erf)  }
0x24b: {  	v29 =	vadd.f32 $2.000000000e+00, v28  }
0x24c: {  	v6 =	vadd.f32 v27, v6;
	v10 =	vmul.f32 $1.442695020e+00, v10  }
0x24d: {  	(erf) = vrcp.f32 v29  }
0x24e: {  	v30 =	vmul.f32 v36, v9;
	v6 =	vadd.f32 v6, v14;
	(erf) = vpow2.f32 v10  }
0x24f: {  	v31 =	vunpack.i.u.bf16.f32 v38  }
0x250: {  	v6 =	vadd.f32 v30, v6;
	v10 =	vmul.f32 v31, v33;
	_ =	sdelay $0x1  }
0x251: {  	v6 =	vadd.f32 v6, v10;
	_ =	sdelay $0x1  }
0x252: {  	v3 =	vsub.f32 v6, v3;
	_ =	sdelay $0x1  }
0x253: {  	v33 =	vand.u32 $0x7FFFFFFF, v3;
	v32 =	vpop (erf)  }
0x254: {  	v9 =	vsub.f32 $0.0e+00, v33;
	v34 =	vpop (erf)  }
0x255: {  	v35 =	vadd.f32 $2.000000000e+00, v34  }
0x256: {  	v9 =	vmul.f32 $1.442695020e+00, v9  }
0x257: {  	(erf) = vrcp.f32 v35  }
0x258: {  	(erf) = vpow2.f32 v9;
	_ =	sdelay $0x7  }
0x259: {  	v36 =	vpop (erf)  }
0x25a: {  	v37 =	vpop (erf)  }
0x25b: {  	v38 =	vadd.f32 $2.000000000e+00, v37;
	_ =	sdelay $0x1  }
0x25c: {  	(erf) = vrcp.f32 v38;
	_ =	sdelay $0x2  }
0x25d: {  	v7 =	vmul.f32 v25, v7;
	_ =	sdelay $0x1  }
0x25e: {  	v8 =	vmul.f32 v7, v7;
	v6 =	vmul.f32 v32, v28;
	_ =	sdelay $0x1  }
0x25f: {  	v39 =	vmul.f32 $1.111111120e-01, v8;
	v40 =	vmul.f32 v6, v6  }
0x260: {  	v9 =	vmul.f32 v36, v34  }
0x261: {  	v41 =	vadd.f32 $1.428571490e-01, v39;
	v42 =	vmul.f32 $1.111111120e-01, v40;
	v43 =	vpop (erf)  }
0x262: {  	v44 =	vmul.f32 v9, v9;
	v11 =	vmul.f32 v43, v37  }
0x263: {  	v10 =	vmul.f32 v41, v8;
	v12 =	vadd.f32 $1.428571490e-01, v42  }
0x264: {  	v45 =	vmul.f32 $1.111111120e-01, v44;
	v46 =	vmul.f32 v11, v11  }
0x265: {  	v10 =	vadd.f32 $2.000000030e-01, v10;
	v12 =	vmul.f32 v12, v40  }
0x266: {  	v14 =	vadd.f32 $1.428571490e-01, v45;
	v47 =	vmul.f32 $1.111111120e-01, v46  }
0x267: {  	v10 =	vmul.f32 v10, v8;
	v12 =	vadd.f32 $2.000000030e-01, v12  }
0x268: {  	v14 =	vmul.f32 v14, v44;
	v17 =	vadd.f32 $1.428571490e-01, v47  }
0x269: {  	v10 =	vadd.f32 $3.333333430e-01, v10;
	v12 =	vmul.f32 v12, v40  }
0x26a: {  	v14 =	vadd.f32 $2.000000030e-01, v14;
	v17 =	vmul.f32 v17, v46  }
0x26b: {  	v8 =	vmul.f32 v10, v8;
	v48 =	vadd.f32 $3.333333430e-01, v12  }
0x26c: {  	v49 =	vmul.f32 v14, v44;
	v50 =	vadd.f32 $2.000000030e-01, v17  }
0x26d: {  	v7 =	vadd.f32 v7, v7;
	v8 =	vadd.f32 $1.000000000e+00, v8;
	v10 =	vmul.f32 v48, v40  }
0x26e: {  	v12 =	vadd.f32 $3.333333430e-01, v49;
	v51 =	vmul.f32 v50, v46  }
0x26f: {  	v6 =	vadd.f32 v6, v6;
	v7 =	vmul.f32 v8, v7;
	v52 =	vadd.f32 $1.000000000e+00, v10  }
0x270: {  	v0 =	vmax.f32 v0, $0.0e+00;
	v53 =	vmul.f32 v12, v44;
	v54 =	vadd.f32 $3.333333430e-01, v51  }
0x271: {  	v4 =	vmax.f32 v4, $0.0e+00;
	v0 =	vadd.f32 v7, v0;
	v6 =	vmul.f32 v52, v6  }
0x272: {  	v56 =	vadd.f32 v9, v9;
	v55 =	vadd.f32 $1.000000000e+00, v53;
	v57 =	vmul.f32 v54, v46  }
0x273: {  	v0 =	vadd.f32 $0.0e+00, v0;
	v4 =	vadd.f32 v6, v4  }
0x274: {  	v60 =	vadd.f32 v11, v11;
	v58 =	vmul.f32 v55, v56;
	v59 =	vadd.f32 $1.000000000e+00, v57  }
0x275: {  	v5 =	vmax.f32 v5, $0.0e+00  }
0x276: {  	v0 =	vadd.f32 v4, v0;
	v61 =	vadd.f32 v58, v5;
	v63 =	vmul.f32 v59, v60  }
0x277: {  	v3 =	vmax.f32 v3, $0.0e+00  }
0x278: {  	s30 =	sadd.s32 $0x1, s30;
	v0 =	vadd.f32 v61, v0;
	v3 =	vadd.f32 v63, v3  }
0x279: {  	p0 =	sne.s32 s30, $0x8  }
.Ltmp5:
0x27a: {  	v0 =	vadd.f32 v3, v0;
	(pc) =	sbr.rel @p0 .LBB2_10-.Ltmp5, $3  }
0x27b: {  	_ = 	snop  }
0x27c: {  	v0 =	vmul.f32 v0, v2;
	_ =	sdelay $0x1  }
0x27d: {  	v1 =	vadd.f32 v0, v1  }
0x27e: {  	_ =	swait.ge [sflag:s23], $0x1000  }
0x27f: {  	[sflag:s23] =	ssyncset.done $0x0  }
0x280: {  	[sflag:s23] =	ssyncadd.s32 $0xFFFFF000  }
0x281: {  	_ =	swait.ge [sflag:s23], $0x5000  }
0x282: {  	[sflag:s23] =	ssyncset.done $0x0  }
0x283: {  	s29 =	simm.s32 $0x0;
	s30 =	simm.s32 $0x0;
	[sflag:s23] =	ssyncadd.s32 $0xFFFFB000  }
.LBB2_14:
0x284: {  	s0 =	simm.s32 $0x1  }
0x285: {  	s31 =	sshll.u32 s30, $0x4;
	v0 =	vmov s0  }
0x286: {  	v2 =	vor.u32 s31, v62;
	v0 =	vand.u32 $0x1D, v0  }
0x287: {  	v3 =	vmul.u32 $0xA0, v2;
	v0 =	vbroadcast v0, $0x0  }
0x288: {  	s1 =	simm.s32 $0x2  }
0x289: {  	v6 =	vmov s1;
	v4 =	vadd.s32 $0x80, v3;
	v8 =	vor.u32 v3, v0  }
0x28a: {  	v7 =	vand.u32 $0x1E, v6;
	v5 =	vadd.s32 $0x20, v3;
	v9 =	vor.u32 v4, v0  }
0x28b: {  	v11 =	vbroadcast v7, $0x0;
	v6 =	vadd.s32 $0x60, v3;
	v10 =	vor.u32 v5, v0  }
0x28c: {  	v12 =	vor.u32 v6, v0  }
0x28d: {  	v7 =	vadd.s32 $0x40, v3;
	v13 =	vor.u32 v6, v11  }
0x28e: {  	v15 =	vor.u32 v7, v11;
	v14 =	vld.idx.msk [tilespmem:v8+s19+$0x0], $0xffff  }
0x28f: {  	v17 =	vor.u32 v4, v11;
	v16 =	vld.idx.msk [tilespmem:v9+s19+$0x0], $0xffff  }
0x290: {  	s1 =	simm.s32 $0x3;
	v22 =	vor.u32 v7, v0;
	v32 =	vld.idx.msk [tilespmem:v10+s19+$0x0], $0xffff  }
0x291: {  	v8 =	vmov s1;
	v9 =	vor.u32 v5, v11;
	v10 =	vld.idx.msk [tilespmem:v12+s19+$0x0], $0xffff  }
0x292: {  	v19 =	vld.idx.msk [tilespmem:v13+s19+$0x0], $0xffff;
	v18 =	vand.u32 $0x1F, v8;
	v8 =	vshll.u32 v2, $0x5;
	v2 =	vor.u32 v3, v11  }
0x293: {  	v15 =	vld.idx.msk [tilespmem:v15+s19+$0x0], $0xffff;
	v13 =	vmov s29;
	v18 =	vbroadcast v18, $0x0;
	v11 =	vor.u32 v8, v11  }
0x294: {  	v33 =	vld.idx.msk [tilespmem:v17+s19+$0x0], $0xffff;
	v13 =	vand.u32 $0x1C, v13;
	v0 =	vor.u32 v8, v0  }
0x295: {  	v36 =	vld.idx.msk [tilespmem:v22+s19+$0x0], $0xffff;
	v23 =	vbroadcast v13, $0x0;
	v12 =	vor.u32 v8, v18  }
0x296: {  	v13 =	vimm.f32 $0.0e+00;
	v20 =	vor.u32 v5, v18;
	v21 =	vld.idx.msk [tilespmem:v9+s19+$0x0], $0xffff  }
0x297: {  	v17 =	vor.u32 v6, v18;
	v34 =	vor.u32 v4, v18;
	v24 =	vor.u32 v3, v23;
	v2 =	vld.idx.msk [tilespmem:v2+s19+$0x0], $0xffff  }
0x298: {  	v29 =	vor.u32 v5, v23;
	v30 =	vor.u32 v7, v23;
	v31 =	vor.u32 v4, v23;
	v11 =	vld.idx.msk [tilespmem:v11+s17+$0x0], $0xffff  }
0x299: {  	v37 =	vor.u32 v6, v23;
	v9 =	vor.u32 v7, v18;
	v35 =	vunpack.i.u.bf16.f32 v14;
	v0 =	vld.idx.msk [tilespmem:v0+s17+$0x0], $0xffff  }
0x29a: {  	v47 =	vunpack.i.l.bf16.f32 v14;
	v26 =	vunpack.i.l.bf16.f32 v16;
	v14 =	vor.u32 v8, v23;
	v53 =	vld.idx.msk [tilespmem:v12+s17+$0x0], $0xffff  }
0x29b: {  	v28 =	vunpack.i.l.bf16.f32 v19;
	v38 =	vunpack.i.u.bf16.f32 v15;
	v23 =	vunpack.i.l.bf16.f32 v15;
	v20 =	vld.idx.msk [tilespmem:v20+s19+$0x0], $0xffff  }
0x29c: {  	v41 =	vunpack.i.u.bf16.f32 v19;
	v54 =	vunpack.i.l.bf16.f32 v10;
	v48 =	vunpack.i.l.bf16.f32 v32;
	v12 =	vld.idx.msk [tilespmem:v17+s19+$0x0], $0xffff  }
0x29d: {  	v51 =	vunpack.i.l.bf16.f32 v36;
	v52 =	vunpack.i.u.bf16.f32 v10;
	v16 =	vunpack.i.u.bf16.f32 v16;
	v42 =	vld.idx.msk [tilespmem:v24+s19+$0x0], $0xffff  }
0x29e: {  	v36 =	vunpack.i.u.bf16.f32 v36;
	v17 =	vor.u32 v3, v18;
	v19 =	vld.idx.msk [tilespmem:v31+s19+$0x0], $0xffff;
	v18 =	vunpack.i.u.bf16.f32 v21  }
0x29f: {  	v39 =	vld.idx.msk [tilespmem:v14+s17+$0x0], $0xffff;
	v14 =	vunpack.i.u.bf16.f32 v33;
	v21 =	vunpack.i.l.bf16.f32 v21;
	v22 =	vunpack.i.l.bf16.f32 v2  }
0x2a0: {  	v44 =	vld.idx.msk [tilespmem:v37+s19+$0x0], $0xffff;
	v2 =	vunpack.i.u.bf16.f32 v2;
	v43 =	vunpack.i.u.bf16.f32 v11;
	v15 =	vunpack.i.l.bf16.f32 v11  }
0x2a1: {  	v45 =	vld.idx.msk [tilespmem:v30+s19+$0x0], $0xffff;
	v55 =	vunpack.i.u.bf16.f32 v0;
	v0 =	vunpack.i.l.bf16.f32 v0;
	v14 =	vmul.f32 v14, v43  }
0x2a2: {  	v27 =	vld.idx.msk [tilespmem:v9+s19+$0x0], $0xffff;
	v26 =	vmul.f32 v26, v0;
	v48 =	vmul.f32 v48, v0;
	v9 =	vunpack.i.l.bf16.f32 v53  }
0x2a3: {  	v25 =	vunpack.i.u.bf16.f32 v20;
	v10 =	vunpack.i.l.bf16.f32 v12;
	v31 =	vunpack.i.l.bf16.f32 v20  }
0x2a4: {  	v20 =	vmul.f32 v16, v55;
	v30 =	vunpack.i.u.bf16.f32 v19;
	v56 =	vunpack.i.l.bf16.f32 v42  }
0x2a5: {  	v17 =	vld.idx.msk [tilespmem:v17+s19+$0x0], $0xffff;
	v57 =	vunpack.i.l.bf16.f32 v44;
	v60 =	vunpack.i.l.bf16.f32 v19;
	v19 =	vmul.f32 v18, v43  }
0x2a6: {  	v46 =	vld.idx.msk [tilespmem:v29+s19+$0x0], $0xffff;
	v49 =	vunpack.i.u.bf16.f32 v42;
	v18 =	vmul.f32 v28, v15;
	v28 =	vunpack.i.u.bf16.f32 v45  }
0x2a7: {  	v24 =	vunpack.i.l.bf16.f32 v27;
	v11 =	vunpack.i.u.bf16.f32 v27;
	v10 =	vmul.f32 v10, v9  }
0x2a8: {  	v37 =	vunpack.i.l.bf16.f32 v39;
	v27 =	vmul.f32 v38, v43;
	v16 =	vmul.f32 v31, v9  }
0x2a9: {  	v29 =	vunpack.i.u.bf16.f32 v39;
	v38 =	vld.idx.msk [tilespmem:v34+s19+$0x0], $0xffff;
	v34 =	vmul.f32 v52, v55;
	v39 =	vmul.f32 v54, v0  }
0x2aa: {  	v40 =	vunpack.i.u.bf16.f32 v17;
	v31 =	vunpack.i.l.bf16.f32 v17;
	v17 =	vunpack.i.l.bf16.f32 v45  }
0x2ab: {  	v50 =	vunpack.i.l.bf16.f32 v46;
	v61 =	vmul.f32 v60, v37;
	v63 =	vmul.f32 v17, v37  }
0x2ac: {  	v42 =	vunpack.i.u.bf16.f32 v44;
	v58 =	vmul.f32 v28, v29;
	v59 =	vmul.f32 v57, v37  }
0x2ad: {  	v28 =	vmul.f32 v2, v43;
	v60 =	vmul.f32 v51, v0;
	v2 =	vadd.f32 v63, v13  }
0x2ae: {  	v51 =	vmul.f32 v56, v37;
	v44 =	vadd.f32 v59, v13;
	v45 =	vunpack.i.u.bf16.f32 v46  }
0x2af: {  	v46 =	vunpack.i.l.bf16.f32 v33;
	v33 =	vunpack.i.u.bf16.f32 v53;
	v2 =	vadd.f32 v2, v58  }
0x2b0: {  	v17 =	vmul.f32 v41, v43;
	v45 =	vmul.f32 v45, v29;
	v41 =	vadd.f32 v61, v13  }
0x2b1: {  	v61 =	vmul.f32 v36, v55;
	v43 =	vmul.f32 v35, v55;
	v2 =	vadd.f32 v60, v2  }
0x2b2: {  	v36 =	vunpack.i.l.bf16.f32 v38;
	v35 =	vimm.f32 $0.0e+00;
	v63 =	vunpack.i.u.bf16.f32 v32  }
0x2b3: {  	v32 =	vmul.f32 v47, v0;
	v47 =	vmul.f32 v63, v55;
	v52 =	vadd.f32 v2, v61;
	v2 =	vld [tilespmem:s31+$0xD80];
	s31 =	simm.s32 $0x4  }
.LBB2_15:
0x2b4: {  	s1 =	sadd.s32 $0x1, s31  }
0x2b5: {  	p0 =	sne.s32 s31, $0x1C;
	v0 =	vmul.f32 v23, v15;
	v46 =	vmul.f32 v46, v15;
	v12 =	vunpack.i.u.bf16.f32 v12;
	s0 =	smov.u32 s31;
	s31 =	sadd.s32 $0x4, s31  }
0x2b6: {  	v49 =	vmul.f32 v49, v29;
	v22 =	vmul.f32 v22, v15;
	v23 =	vmov s1  }
0x2b7: {  	v30 =	vmul.f32 v30, v29;
	v53 =	vand.u32 $0x1D, v23;
	v23 =	vmul.f32 v40, v33  }
0x2b8: {  	v25 =	vmul.f32 v25, v33;
	s1 =	sadd.s32 $0x2, s0;
	v0 =	vadd.f32 v0, v52;
	v40 =	vbroadcast v53, $0x0  }
0x2b9: {  	v24 =	vmul.f32 v24, v9;
	v52 =	vmov s1;
	v30 =	vadd.f32 v41, v30  }
0x2ba: {  	v38 =	vunpack.i.u.bf16.f32 v38;
	v12 =	vmul.f32 v12, v33;
	v41 =	vor.u32 v3, v40  }
0x2bb: {  	v54 =	vmul.f32 v36, v9;
	v38 =	vmul.f32 v38, v33;
	v53 =	vor.u32 v8, v40  }
0x2bc: {  	v37 =	vmul.f32 v50, v37;
	v26 =	vadd.f32 v26, v30;
	v36 =	vor.u32 v4, v40  }
0x2bd: {  	v29 =	vmul.f32 v42, v29;
	v15 =	vmul.f32 v21, v15;
	v30 =	vor.u32 v6, v40  }
0x2be: {  	v13 =	vadd.f32 v51, v13;
	v21 =	vor.u32 v7, v40;
	v20 =	vadd.f32 v26, v20  }
0x2bf: {  	v35 =	vadd.f32 v37, v35;
	v29 =	vadd.f32 v44, v29;
	v40 =	vor.u32 v5, v40;
	v26 =	vld.idx.msk [tilespmem:v41+s19+$0x0], $0xffff  }
0x2c0: {  	v13 =	vadd.f32 v13, v49;
	v37 =	vand.u32 $0x1E, v52;
	v0 =	vadd.f32 v0, v27  }
0x2c1: {  	s1 =	sadd.s32 $0x3, s0;
	v37 =	vbroadcast v37, $0x0;
	v35 =	vadd.f32 v35, v45;
	v20 =	vadd.f32 v46, v20;
	v27 =	vld.idx.msk [tilespmem:v36+s19+$0x0], $0xffff  }
0x2c2: {  	v13 =	vadd.f32 v32, v13;
	v29 =	vadd.f32 v39, v29;
	v41 =	vmov s1  }
0x2c3: {  	v42 =	vor.u32 v8, v37;
	v44 =	vor.u32 v7, v37;
	v14 =	vadd.f32 v20, v14  }
0x2c4: {  	v45 =	vor.u32 v6, v37;
	v35 =	vadd.f32 v48, v35;
	v20 =	vor.u32 v5, v37  }
0x2c5: {  	v9 =	vmul.f32 v31, v9;
	v36 =	vunpack.i.u.bf16.f32 v26;
	v32 =	vunpack.i.l.bf16.f32 v26  }
0x2c6: {  	v31 =	vand.u32 $0x1F, v41;
	v14 =	vadd.f32 v54, v14;
	v26 =	vor.u32 v4, v37  }
0x2c7: {  	v0 =	vadd.f32 v24, v0;
	v37 =	vor.u32 v3, v37;
	v39 =	vld.idx.msk [tilespmem:v40+s19+$0x0], $0xffff;
	v40 =	vunpack.i.l.bf16.f32 v27  }
0x2c8: {  	v13 =	vadd.f32 v13, v43;
	v24 =	vbroadcast v31, $0x0;
	v41 =	vadd.f32 v14, v38;
	v30 =	vld.idx.msk [tilespmem:v30+s19+$0x0], $0xffff  }
0x2c9: {  	v11 =	vmul.f32 v11, v33;
	v29 =	vadd.f32 v29, v34;
	v31 =	vadd.f32 v35, v47;
	v14 =	vld.idx.msk [tilespmem:v45+s19+$0x0], $0xffff  }
0x2ca: {  	v13 =	vadd.f32 v22, v13;
	v34 =	vor.u32 v8, v24;
	v35 =	vor.u32 v5, v24;
	v33 =	vld.idx.msk [tilespmem:v44+s19+$0x0], $0xffff  }
0x2cb: {  	v18 =	vadd.f32 v18, v29;
	v22 =	vor.u32 v7, v24;
	v38 =	vor.u32 v4, v24;
	v20 =	vld.idx.msk [tilespmem:v20+s19+$0x0], $0xffff  }
0x2cc: {  	v29 =	vmov s0;
	v13 =	vadd.f32 v13, v28;
	v15 =	vadd.f32 v15, v31;
	v43 =	vld.idx.msk [tilespmem:v26+s19+$0x0], $0xffff  }
0x2cd: {  	v17 =	vadd.f32 v18, v17;
	v26 =	vand.u32 $0x1C, v29;
	v29 =	vor.u32 v6, v24;
	v28 =	vld.idx.msk [tilespmem:v37+s19+$0x0], $0xffff  }
0x2ce: {  	v9 =	vadd.f32 v9, v13;
	v15 =	vadd.f32 v15, v19;
	v18 =	vbroadcast v26, $0x0;
	v26 =	vld.idx.msk [tilespmem:v42+s17+$0x0], $0xffff  }
0x2cf: {  	v0 =	vadd.f32 v0, v11;
	v10 =	vadd.f32 v10, v17;
	v42 =	vunpack.i.l.bf16.f32 v14;
	v54 =	vld.idx.msk [tilespmem:v34+s17+$0x0], $0xffff  }
0x2d0: {  	v13 =	vadd.f32 v16, v15;
	v11 =	vor.u32 v8, v18;
	v17 =	vor.u32 v3, v18;
	v19 =	vld.idx.msk [tilespmem:v35+s19+$0x0], $0xffff  }
0x2d1: {  	v44 =	vadd.f32 v10, v12;
	v16 =	vor.u32 v5, v18;
	v31 =	vor.u32 v7, v18;
	v34 =	vld.idx.msk [tilespmem:v22+s19+$0x0], $0xffff  }
0x2d2: {  	v37 =	vor.u32 v3, v24;
	v10 =	vor.u32 v4, v18;
	v35 =	vadd.f32 v13, v25;
	v12 =	vld.idx.msk [tilespmem:v29+s19+$0x0], $0xffff  }
0x2d3: {  	v13 =	vadd.f32 v9, v23;
	v22 =	vunpack.i.l.bf16.f32 v28;
	v29 =	vunpack.i.u.bf16.f32 v20;
	v47 =	vld.idx.msk [tilespmem:v21+s19+$0x0], $0xffff  }
0x2d4: {  	v18 =	vor.u32 v6, v18;
	v46 =	vunpack.i.u.bf16.f32 v33;
	v23 =	vunpack.i.l.bf16.f32 v33;
	v45 =	vld.idx.msk [tilespmem:v53+s17+$0x0], $0xffff  }
0x2d5: {  	v48 =	vunpack.i.u.bf16.f32 v14;
	v14 =	vunpack.i.u.bf16.f32 v43;
	v9 =	vunpack.i.l.bf16.f32 v54;
	v33 =	vld.idx.msk [tilespmem:v11+s17+$0x0], $0xffff  }
0x2d6: {  	v28 =	vunpack.i.u.bf16.f32 v28;
	v21 =	vunpack.i.l.bf16.f32 v20;
	v25 =	vunpack.i.u.bf16.f32 v19;
	v17 =	vld.idx.msk [tilespmem:v17+s19+$0x0], $0xffff  }
0x2d7: {  	v50 =	vunpack.i.u.bf16.f32 v26;
	v53 =	vunpack.i.l.bf16.f32 v30;
	v24 =	vunpack.i.l.bf16.f32 v34;
	v49 =	vld.idx.msk [tilespmem:v10+s19+$0x0], $0xffff  }
0x2d8: {  	v52 =	vunpack.i.l.bf16.f32 v39;
	v15 =	vunpack.i.l.bf16.f32 v26;
	v11 =	vunpack.i.u.bf16.f32 v34;
	v51 =	vld.idx.msk [tilespmem:v37+s19+$0x0], $0xffff  }
0x2d9: {  	v56 =	vunpack.i.u.bf16.f32 v30;
	v10 =	vunpack.i.l.bf16.f32 v12;
	v55 =	vunpack.i.l.bf16.f32 v47;
	v34 =	vld.idx.msk [tilespmem:v18+s19+$0x0], $0xffff  }
0x2da: {  	v10 =	vmul.f32 v10, v9;
	v57 =	vunpack.i.u.bf16.f32 v45;
	v18 =	vunpack.i.u.bf16.f32 v27  }
0x2db: {  	v19 =	vunpack.i.l.bf16.f32 v19;
	v59 =	vunpack.i.l.bf16.f32 v45;
	v37 =	vunpack.i.l.bf16.f32 v33;
	v58 =	vld.idx.msk [tilespmem:v31+s19+$0x0], $0xffff  }
0x2dc: {  	v14 =	vmul.f32 v14, v50;
	v20 =	vmul.f32 v18, v57  }
0x2dd: {  	v27 =	vmul.f32 v46, v50;
	v26 =	vmul.f32 v40, v59;
	v30 =	vunpack.i.u.bf16.f32 v49;
	v45 =	vld.idx.msk [tilespmem:v16+s19+$0x0], $0xffff  }
0x2de: {  	v60 =	vunpack.i.l.bf16.f32 v17;
	v40 =	vunpack.i.u.bf16.f32 v51;
	v16 =	vmul.f32 v19, v9  }
0x2df: {  	v18 =	vunpack.i.l.bf16.f32 v49;
	v19 =	vmul.f32 v29, v50;
	v61 =	vunpack.i.l.bf16.f32 v34  }
0x2e0: {  	v49 =	vunpack.i.u.bf16.f32 v17;
	v29 =	vunpack.i.u.bf16.f32 v33;
	v31 =	vunpack.i.l.bf16.f32 v51  }
0x2e1: {  	v33 =	vmul.f32 v18, v37;
	v18 =	vmul.f32 v42, v15;
	v17 =	vunpack.i.l.bf16.f32 v58  }
0x2e2: {  	v42 =	vunpack.i.u.bf16.f32 v58;
	v46 =	vmul.f32 v17, v37;
	v17 =	vmul.f32 v48, v50  }
0x2e3: {  	v28 =	vmul.f32 v28, v50;
	v51 =	vmul.f32 v42, v29;
	v48 =	vunpack.i.u.bf16.f32 v45;
	v38 =	vld.idx.msk [tilespmem:v38+s19+$0x0], $0xffff  }
0x2e4: {  	v42 =	vunpack.i.u.bf16.f32 v34;
	v50 =	vunpack.i.l.bf16.f32 v45;
	v0 =	vadd.f32 v46, v0  }
0x2e5: {  	v41 =	vadd.f32 v33, v41;
	v45 =	vmul.f32 v48, v29;
	v46 =	vunpack.i.l.bf16.f32 v43  }
0x2e6: {  	v33 =	vmul.f32 v61, v37;
	v43 =	vmul.f32 v55, v59;
	v0 =	vadd.f32 v0, v51  }
.Ltmp6:
0x2e7: {  	v47 =	vunpack.i.u.bf16.f32 v47;
	v34 =	vmul.f32 v56, v57;
	v51 =	vmul.f32 v60, v37;
	(pc) =	sbr.rel @p0 .LBB2_15-.Ltmp6, $4  }
0x2e8: {  	v44 =	vadd.f32 v33, v44;
	v33 =	vmul.f32 v47, v57;
	v0 =	vadd.f32 v43, v0  }
0x2e9: {  	v48 =	vmul.f32 v52, v59;
	v43 =	vmul.f32 v36, v57;
	v36 =	vunpack.i.l.bf16.f32 v38  }
0x2ea: {  	v47 =	vunpack.i.u.bf16.f32 v39;
	v39 =	vmul.f32 v53, v59;
	v52 =	vadd.f32 v0, v33  }
0x2eb: {  	v32 =	vmul.f32 v32, v59;
	v47 =	vmul.f32 v47, v57;
	v33 =	vunpack.i.u.bf16.f32 v54  }
0x2ec: {  	v0 =	vmul.f32 v50, v37;
	_ =	sdelay $0x1  }
0x2ed: {  	v3 =	vmul.f32 v49, v29;
	v4 =	vadd.f32 v51, v13;
	v0 =	vadd.f32 v0, v35;
	_ =	sdelay $0x1  }
0x2ee: {  	v3 =	vadd.f32 v4, v3;
	v0 =	vadd.f32 v0, v45;
	_ =	sdelay $0x1  }
0x2ef: {  	v3 =	vadd.f32 v32, v3;
	v0 =	vadd.f32 v48, v0  }
0x2f0: {  	v56 =	vmul.f32 v22, v15  }
0x2f1: {  	v5 =	vmul.f32 v21, v15;
	v3 =	vadd.f32 v3, v43;
	v0 =	vadd.f32 v0, v47;
	_ =	sdelay $0x1  }
0x2f2: {  	v3 =	vadd.f32 v56, v3;
	v0 =	vadd.f32 v5, v0;
	_ =	sdelay $0x1  }
0x2f3: {  	v57 =	vmul.f32 v31, v9;
	v3 =	vadd.f32 v3, v28;
	v0 =	vadd.f32 v0, v19  }
0x2f4: {  	v58 =	vmul.f32 v40, v33  }
0x2f5: {  	v6 =	vmul.f32 v25, v33;
	v3 =	vadd.f32 v57, v3;
	v0 =	vadd.f32 v16, v0;
	_ =	sdelay $0x1  }
0x2f6: {  	v3 =	vadd.f32 v3, v58;
	v0 =	vadd.f32 v0, v6;
	_ =	sdelay $0x1  }
0x2f7: {  	v0 =	vsub.f32 v0, v3;
	_ =	sdelay $0x1  }
0x2f8: {  	v59 =	vand.u32 $0x7FFFFFFF, v0  }
0x2f9: {  	v60 =	vmul.f32 v23, v15;
	v4 =	vsub.f32 $0.0e+00, v59;
	_ =	sdelay $0x1  }
0x2fa: {  	v5 =	vadd.f32 v60, v52;
	v4 =	vmul.f32 $1.442695020e+00, v4;
	_ =	sdelay $0x1  }
0x2fb: {  	v61 =	vmul.f32 v24, v9;
	v5 =	vadd.f32 v5, v27;
	(erf) = vpow2.f32 v4;
	_ =	sdelay $0x1  }
0x2fc: {  	v13 =	vmul.f32 v11, v33;
	v63 =	vadd.f32 v61, v5  }
0x2fd: {  	v16 =	vmul.f32 v42, v29  }
0x2fe: {  	v4 =	vadd.f32 v63, v13  }
0x2ff: {  	v19 =	vadd.f32 v44, v16  }
0x300: {  	v4 =	vsub.f32 v4, v3  }
0x301: {  	v5 =	vadd.f32 v39, v19  }
0x302: {  	v21 =	vand.u32 $0x7FFFFFFF, v4  }
0x303: {  	v5 =	vadd.f32 v5, v34;
	v6 =	vsub.f32 $0.0e+00, v21;
	v7 =	vpop (erf)  }
0x304: {  	v8 =	vadd.f32 $2.000000000e+00, v7  }
0x305: {  	v5 =	vadd.f32 v18, v5;
	v6 =	vmul.f32 $1.442695020e+00, v6  }
0x306: {  	(erf) = vrcp.f32 v8  }
0x307: {  	v5 =	vadd.f32 v5, v17;
	(erf) = vpow2.f32 v6  }
0x308: {  	v22 =	vunpack.i.u.bf16.f32 v12  }
0x309: {  	v5 =	vadd.f32 v10, v5;
	v6 =	vmul.f32 v22, v33  }
0x30a: {  	v23 =	vmul.f32 v30, v29  }
0x30b: {  	v5 =	vadd.f32 v5, v6  }
0x30c: {  	v24 =	vadd.f32 v41, v23  }
0x30d: {  	v5 =	vsub.f32 v5, v3  }
0x30e: {  	v6 =	vadd.f32 v26, v24  }
0x30f: {  	v26 =	vand.u32 $0x7FFFFFFF, v5;
	v25 =	vpop (erf)  }
0x310: {  	v27 =	vmul.f32 v46, v15;
	v6 =	vadd.f32 v6, v20;
	v10 =	vsub.f32 $0.0e+00, v26;
	v28 =	vpop (erf)  }
0x311: {  	v29 =	vadd.f32 $2.000000000e+00, v28  }
0x312: {  	v6 =	vadd.f32 v27, v6;
	v10 =	vmul.f32 $1.442695020e+00, v10  }
0x313: {  	(erf) = vrcp.f32 v29  }
0x314: {  	v30 =	vmul.f32 v36, v9;
	v6 =	vadd.f32 v6, v14;
	(erf) = vpow2.f32 v10  }
0x315: {  	v31 =	vunpack.i.u.bf16.f32 v38  }
0x316: {  	v6 =	vadd.f32 v30, v6;
	v10 =	vmul.f32 v31, v33;
	_ =	sdelay $0x1  }
0x317: {  	v6 =	vadd.f32 v6, v10;
	_ =	sdelay $0x1  }
0x318: {  	v3 =	vsub.f32 v6, v3;
	_ =	sdelay $0x1  }
0x319: {  	v33 =	vand.u32 $0x7FFFFFFF, v3;
	v32 =	vpop (erf)  }
0x31a: {  	v9 =	vsub.f32 $0.0e+00, v33;
	v34 =	vpop (erf)  }
0x31b: {  	v35 =	vadd.f32 $2.000000000e+00, v34  }
0x31c: {  	v9 =	vmul.f32 $1.442695020e+00, v9  }
0x31d: {  	(erf) = vrcp.f32 v35  }
0x31e: {  	(erf) = vpow2.f32 v9;
	_ =	sdelay $0x7  }
0x31f: {  	v36 =	vpop (erf)  }
0x320: {  	v37 =	vpop (erf)  }
0x321: {  	v38 =	vadd.f32 $2.000000000e+00, v37;
	_ =	sdelay $0x1  }
0x322: {  	(erf) = vrcp.f32 v38;
	_ =	sdelay $0x2  }
0x323: {  	v7 =	vmul.f32 v25, v7;
	_ =	sdelay $0x1  }
0x324: {  	v8 =	vmul.f32 v7, v7;
	v6 =	vmul.f32 v32, v28;
	_ =	sdelay $0x1  }
0x325: {  	v39 =	vmul.f32 $1.111111120e-01, v8;
	v40 =	vmul.f32 v6, v6  }
0x326: {  	v9 =	vmul.f32 v36, v34  }
0x327: {  	v41 =	vadd.f32 $1.428571490e-01, v39;
	v42 =	vmul.f32 $1.111111120e-01, v40;
	v43 =	vpop (erf)  }
0x328: {  	v44 =	vmul.f32 v9, v9;
	v11 =	vmul.f32 v43, v37  }
0x329: {  	v10 =	vmul.f32 v41, v8;
	v12 =	vadd.f32 $1.428571490e-01, v42  }
0x32a: {  	v45 =	vmul.f32 $1.111111120e-01, v44;
	v46 =	vmul.f32 v11, v11  }
0x32b: {  	v10 =	vadd.f32 $2.000000030e-01, v10;
	v12 =	vmul.f32 v12, v40  }
0x32c: {  	v14 =	vadd.f32 $1.428571490e-01, v45;
	v47 =	vmul.f32 $1.111111120e-01, v46  }
0x32d: {  	v10 =	vmul.f32 v10, v8;
	v12 =	vadd.f32 $2.000000030e-01, v12  }
0x32e: {  	v14 =	vmul.f32 v14, v44;
	v17 =	vadd.f32 $1.428571490e-01, v47  }
0x32f: {  	v10 =	vadd.f32 $3.333333430e-01, v10;
	v12 =	vmul.f32 v12, v40  }
0x330: {  	v14 =	vadd.f32 $2.000000030e-01, v14;
	v17 =	vmul.f32 v17, v46  }
0x331: {  	v8 =	vmul.f32 v10, v8;
	v48 =	vadd.f32 $3.333333430e-01, v12  }
0x332: {  	v49 =	vmul.f32 v14, v44;
	v50 =	vadd.f32 $2.000000030e-01, v17  }
0x333: {  	v7 =	vadd.f32 v7, v7;
	v8 =	vadd.f32 $1.000000000e+00, v8;
	v10 =	vmul.f32 v48, v40  }
0x334: {  	v12 =	vadd.f32 $3.333333430e-01, v49;
	v51 =	vmul.f32 v50, v46  }
0x335: {  	v6 =	vadd.f32 v6, v6;
	v7 =	vmul.f32 v8, v7;
	v52 =	vadd.f32 $1.000000000e+00, v10  }
0x336: {  	v0 =	vmax.f32 v0, $0.0e+00;
	v53 =	vmul.f32 v12, v44;
	v54 =	vadd.f32 $3.333333430e-01, v51  }
0x337: {  	v4 =	vmax.f32 v4, $0.0e+00;
	v0 =	vadd.f32 v7, v0;
	v6 =	vmul.f32 v52, v6  }
0x338: {  	v56 =	vadd.f32 v9, v9;
	v55 =	vadd.f32 $1.000000000e+00, v53;
	v57 =	vmul.f32 v54, v46  }
0x339: {  	v0 =	vadd.f32 $0.0e+00, v0;
	v4 =	vadd.f32 v6, v4  }
0x33a: {  	v60 =	vadd.f32 v11, v11;
	v58 =	vmul.f32 v55, v56;
	v59 =	vadd.f32 $1.000000000e+00, v57  }
0x33b: {  	v5 =	vmax.f32 v5, $0.0e+00  }
0x33c: {  	v0 =	vadd.f32 v4, v0;
	v61 =	vadd.f32 v58, v5;
	v63 =	vmul.f32 v59, v60  }
0x33d: {  	v3 =	vmax.f32 v3, $0.0e+00  }
0x33e: {  	s30 =	sadd.s32 $0x1, s30;
	v0 =	vadd.f32 v61, v0;
	v3 =	vadd.f32 v63, v3  }
0x33f: {  	p0 =	sne.s32 s30, $0x8  }
.Ltmp7:
0x340: {  	v0 =	vadd.f32 v3, v0;
	(pc) =	sbr.rel @p0 .LBB2_14-.Ltmp7, $3  }
0x341: {  	_ = 	snop  }
0x342: {  	v0 =	vmul.f32 v0, v2;
	_ =	sdelay $0x1  }
0x343: {  	v1 =	vadd.f32 v0, v1  }
0x344: {  	s28 =	sadd.s32 $0x1, s28  }
0x345: {  	p0 =	sne.s32 s28, s9  }
.Ltmp8:
0x346: {  	[tilespmem:$0xCE00] =	vst v1;
	(pc) =	sbr.rel @p0 .LBB2_1-.Ltmp8, $4  }
0x347: {  	[hbm4b:s8+s2] =	stream.linear.scatter [tilespmem:s26], [sflag:$0x3], $0x10, $0x38;
	[tilespmem:$0xCE10] =	vst v63  }
0x348: {  	_ =	swait.ge [sflag:s10], $0x10  }
0x349: {  	[sflag:s10] =	ssyncset.done $0x0  }
0x34a: {  	[sflag:s10] =	ssyncadd.s32 $0xFFFFFFF0  }
0x34b: {  	_ =	sfence.sel $0x180000  }
0x34c: {  	[bflag:$0x0] =	sbarrier.arrive $0xFFFF  }
0x34d: {  	_ =	strace $0x90000047  }
0x34e: {  	s0 =	stileid.u32;
	[bflag:$0x2] =	sbarrier.arrive $0xFFFF  }
0x34f: {  	p0 =	sne.s32 s0, $0x0;
	s0 =	rddreg [dreg:$0x4]  }
0x350: {  	s0 =	sadd.s32 @!p0 $0x100000, s0  }
0x351: {  	[sflag:s0] =	ssyncadd.tile.s32 @!p0 $0x1;
	_ =	shalt  }
.Lfunc_end2:
_tile_overlayer_lowered:
.L_overlay_start_2:
0x352: {  	(tag) =	ssettag $0x2  }
0x353: {  	s0 =	rddreg [dreg:$0x0];
	s2 =	stileid.u32  }
0x354: {  	s1 =	rddreg [dreg:$0x1];
	p0 =	sne.s32 s2, $0x0  }
0x355: {  	s3 =	rddreg [dreg:$0x2];
	[bflag:$0x3] =	sbarrier.arrive $0xFFFF;
	s2 =	simm.s32 @!p0 $0x1C03  }
0x356: {  	[timem:s3], [sflag:s2] =	dma.local @!p0 [hbm:s0], s1  }
0x357: {  	s0 =	simm.s32 @!p0 $0x3  }
0x358: {  	_ =	swait.ge @!p0 [sflag:s0], s1  }
0x359: {  	s1 =	ssub.s32 @!p0 $0x0, s1;
	[sflag:s0] =	ssyncset.done @!p0 $0x0  }
0x35a: {  	[sflag:s0] =	ssyncadd.s32 @!p0 s1  }
0x35b: {  	[bflag:$0x3] =	sbarrier.arrive $0xFFFF  }
0x35c: {  	_ =	shalt  }

</sc_bundles>
